<compile_context>
chip_gen: v7x
topology: tpu7x:2x2x1
jax: 0.10.2.dev20260603
libtpu: 0.0.44.dev20260713+nightly
codegen_flags: <defaults>
</compile_context>

<pallas_src>
import functools
import jax
import jax.numpy as jnp
from jax import lax
from jax.experimental import pallas as pl
from jax.experimental.pallas import tpu as pltpu
from jax.experimental.pallas import tpu_sc as plsc

MAXR = 128


def _make_sc_kernel(L, D, rows):
    EXT = 2 * L
    NS = 16
    ext_per_tile = EXT // NS
    CH = 128
    n_ch = ext_per_tile // CH
    rows_per_worker = L // (2 * NS)

    mesh = plsc.VectorSubcoreMesh(core_axis_name="c", subcore_axis_name="s")

    @functools.partial(
        pl.kernel,
        mesh=mesh,
        out_type=jax.ShapeDtypeStruct((L, L, D), jnp.float32),
        compiler_params=pltpu.CompilerParams(use_tc_tiling_on_sc=False),
        scratch_types=[
            pltpu.VMEM_SHARED((EXT, D), jnp.float32),
            pltpu.VMEM((CH,), jnp.int32),
            pltpu.VMEM((CH, D), jnp.float32),
            pltpu.SemaphoreType.DMA,
        ],
    )
    def k(table_hbm, out_hbm, ext, idx, gbuf, sem):
        cid = lax.axis_index("c")
        sid = lax.axis_index("s")
        wid = sid * 2 + cid

        for c in range(n_ch):
            base = sid * ext_per_tile + c * CH
            for q in range(CH // 16):
                ii = lax.iota(jnp.int32, 16) + (base + q * 16 - (L - 1))
                idx[pl.ds(q * 16, 16)] = (
                    jnp.clip(ii, -MAXR, MAXR) + MAXR
                )
            pltpu.async_copy(table_hbm.at[idx], gbuf, sem).wait()
            pltpu.sync_copy(gbuf, ext.at[pl.ds(base, CH)])

        plsc.subcore_barrier()

        first = wid * rows_per_worker
        DEPTH = 8
        handles = []
        for t in range(rows_per_worker):
            i = first + t
            h = pltpu.async_copy(
                ext.at[pl.ds((L - 1) - i, L)], out_hbm.at[i], sem
            )
            handles.append(h)
            if t >= DEPTH:
                handles[t - DEPTH].wait()
        for t in range(rows_per_worker - DEPTH, rows_per_worker):
            handles[t].wait()

    return k


def kernel(time_x, length_q, embeddings_table):
    B, L, D = time_x.shape
    rows = embeddings_table.shape[0]
    out = _make_sc_kernel(L, D, rows)(embeddings_table)
    return jnp.broadcast_to(out[None], (B, L, L, D))

# --- scband reference (transcript-rebuilt; emitter-appended) ---
"""Pipeline reference for scband-relative-position-embedding-12463995093467 (READ-ONLY COPY).

The authoritative reference and input builder live on the scoring server;
editing this copy changes nothing except your own understanding.
"""

import jax, jax.numpy as jnp
import numpy as np

MAX_REL = 128
NUM_UNITS = 64

def setup_inputs(seed: int = 0) -> dict:
    key = jax.random.key(seed)
    k1, k2 = jax.random.split(key)
    time_x = jax.random.normal(k1, (1, 2048, NUM_UNITS), dtype=jnp.float32)
    rows = MAX_REL * 2 + 1
    # xavier_uniform init for embeddings_table
    a = float(np.sqrt(6.0 / (rows + NUM_UNITS)))
    embeddings_table = jax.random.uniform(k2, (rows, NUM_UNITS), dtype=jnp.float32, minval=-a, maxval=a)
    return {"time_x": time_x, "length_q": 2048, "embeddings_table": embeddings_table}

def reference(time_x, length_q, embeddings_table):
    L = time_x.shape[1]
    range_vec_q = jnp.arange(L) + 0 * jnp.asarray(length_q, dtype=jnp.int32)
    range_vec_k = range_vec_q
    distance_mat = range_vec_k[None, :] - range_vec_q[:, None]
    distance_mat_clipped = jnp.clip(distance_mat, -MAX_REL, MAX_REL)
    final_mat = (distance_mat_clipped + MAX_REL).astype(jnp.int32)
    embeddings = jnp.take(embeddings_table, final_mat, axis=0)  # [L, L, num_units]
    B = time_x.shape[0]
    embeddings = jnp.broadcast_to(embeddings[None, :, :, :], (B, L, L, embeddings_table.shape[1]))
    return embeddings

if __name__ == "__main__":
    import jax
    _d = setup_inputs()
    print(jax.jit(kernel)(*tuple(_d.values())))

</pallas_src>

<mosaic_0001>
#map = affine_map<(d0, d1) -> (0, 0)>
#map1 = affine_map<(d0, d1) -> (0, 0, 0)>
module attributes {stable_mosaic.version = 14 : i64} {
  func.func @k(%arg0: i32, %arg1: i32, %arg2: memref<257x64xf32, #tpu.memory_space<hbm>>, %arg3: memref<2048x2048x64xf32, #tpu.memory_space<hbm>>, %arg4: memref<4096x64xf32, #tpu.memory_space<vmem_shared>>, %arg5: memref<128xi32, #tpu.memory_space<vmem>>, %arg6: memref<128x64xf32, #tpu.memory_space<vmem>>, %arg7: memref<!tpu.dma_semaphore, #tpu.memory_space<semaphore_mem>>) attributes {dimension_semantics = [#tpu.dimension_semantics<core_parallel>, #tpu.dimension_semantics<subcore_parallel>], iteration_bounds = array<i64: 2, 16>, scalar_prefetch = 0 : i64, scratch_operands = 4 : i64, tpu.core_type = #tpu.core_type<sc_vector_subcore>, window_params = [{transform_indices = #map}, {transform_indices = #map1}]} {
    %mul3A = arith.constant 2 : i32
    %mul3A_0 = arith.muli %arg1, %mul3A : i32
    %add3A = arith.addi %mul3A_0, %arg0 : i32
    %mul3A_1 = arith.constant 256 : i32
    %mul3A_2 = arith.muli %arg1, %mul3A_1 : i32
    %add3A_3 = arith.constant 0 : i32
    %add3A_4 = arith.addi %mul3A_2, %add3A_3 : i32
    %iota3A = tpu.iota {dimensions = array<i32: 0>} : vector<16xi32>
    %add3A_5 = arith.constant 0 : i32
    %add3A_6 = arith.addi %add3A_4, %add3A_5 : i32
    %sub3A = arith.constant 2047 : i32
    %sub3A_7 = arith.subi %add3A_6, %sub3A : i32
    %add3A_8 = vector.broadcast %sub3A_7 : i32 to vector<16xi32>
    %add3A_9 = arith.addi %iota3A, %add3A_8 : vector<16xi32>
    %jit3A = arith.constant -128 : i32
    %jit3A_10 = arith.constant 128 : i32
    %max3A = vector.broadcast %jit3A : i32 to vector<16xi32>
    %max3A_11 = arith.maxsi %max3A, %add3A_9 : vector<16xi32>
    %min3A = vector.broadcast %jit3A_10 : i32 to vector<16xi32>
    %min3A_12 = arith.minsi %min3A, %max3A_11 : vector<16xi32>
    %add3A_13 = arith.constant 128 : i32
    %add3A_14 = vector.broadcast %add3A_13 : i32 to vector<16xi32>
    %add3A_15 = arith.addi %min3A_12, %add3A_14 : vector<16xi32>
    %swap3A = arith.constant 0 : index
    %swap3A_16 = tpu.vector_load %arg5[%swap3A] {strides = array<i32>} : memref<128xi32, #tpu.memory_space<vmem>>, vector<16xi32>,
    %swap3A_17 = vector.shape_cast %swap3A_16 : vector<16xi32> to vector<16xi32>
    %swap3A_18 = vector.shape_cast %add3A_15 : vector<16xi32> to vector<16xi32>
    tpu.vector_store %arg5[%swap3A], %swap3A_18 {strides = array<i32>} : memref<128xi32, #tpu.memory_space<vmem>>, vector<16xi32>,
    %iota3A_19 = tpu.iota {dimensions = array<i32: 0>} : vector<16xi32>
    %add3A_20 = arith.constant 16 : i32
    %add3A_21 = arith.addi %add3A_4, %add3A_20 : i32
    %sub3A_22 = arith.constant 2047 : i32
    %sub3A_23 = arith.subi %add3A_21, %sub3A_22 : i32
    %add3A_24 = vector.broadcast %sub3A_23 : i32 to vector<16xi32>
    %add3A_25 = arith.addi %iota3A_19, %add3A_24 : vector<16xi32>
    %jit3A_26 = arith.constant -128 : i32
    %jit3A_27 = arith.constant 128 : i32
    %max3A_28 = vector.broadcast %jit3A_26 : i32 to vector<16xi32>
    %max3A_29 = arith.maxsi %max3A_28, %add3A_25 : vector<16xi32>
    %min3A_30 = vector.broadcast %jit3A_27 : i32 to vector<16xi32>
    %min3A_31 = arith.minsi %min3A_30, %max3A_29 : vector<16xi32>
    %add3A_32 = arith.constant 128 : i32
    %add3A_33 = vector.broadcast %add3A_32 : i32 to vector<16xi32>
    %add3A_34 = arith.addi %min3A_31, %add3A_33 : vector<16xi32>
    %swap3A_35 = arith.constant 16 : index
    %swap3A_36 = tpu.vector_load %arg5[%swap3A_35] {strides = array<i32>} : memref<128xi32, #tpu.memory_space<vmem>>, vector<16xi32>,
    %swap3A_37 = vector.shape_cast %swap3A_36 : vector<16xi32> to vector<16xi32>
    %swap3A_38 = vector.shape_cast %add3A_34 : vector<16xi32> to vector<16xi32>
    tpu.vector_store %arg5[%swap3A_35], %swap3A_38 {strides = array<i32>} : memref<128xi32, #tpu.memory_space<vmem>>, vector<16xi32>,
    %iota3A_39 = tpu.iota {dimensions = array<i32: 0>} : vector<16xi32>
    %add3A_40 = arith.constant 32 : i32
    %add3A_41 = arith.addi %add3A_4, %add3A_40 : i32
    %sub3A_42 = arith.constant 2047 : i32
    %sub3A_43 = arith.subi %add3A_41, %sub3A_42 : i32
    %add3A_44 = vector.broadcast %sub3A_43 : i32 to vector<16xi32>
    %add3A_45 = arith.addi %iota3A_39, %add3A_44 : vector<16xi32>
    %jit3A_46 = arith.constant -128 : i32
    %jit3A_47 = arith.constant 128 : i32
    %max3A_48 = vector.broadcast %jit3A_46 : i32 to vector<16xi32>
    %max3A_49 = arith.maxsi %max3A_48, %add3A_45 : vector<16xi32>
    %min3A_50 = vector.broadcast %jit3A_47 : i32 to vector<16xi32>
    %min3A_51 = arith.minsi %min3A_50, %max3A_49 : vector<16xi32>
    %add3A_52 = arith.constant 128 : i32
    %add3A_53 = vector.broadcast %add3A_52 : i32 to vector<16xi32>
    %add3A_54 = arith.addi %min3A_51, %add3A_53 : vector<16xi32>
    %swap3A_55 = arith.constant 32 : index
    %swap3A_56 = tpu.vector_load %arg5[%swap3A_55] {strides = array<i32>} : memref<128xi32, #tpu.memory_space<vmem>>, vector<16xi32>,
    %swap3A_57 = vector.shape_cast %swap3A_56 : vector<16xi32> to vector<16xi32>
    %swap3A_58 = vector.shape_cast %add3A_54 : vector<16xi32> to vector<16xi32>
    tpu.vector_store %arg5[%swap3A_55], %swap3A_58 {strides = array<i32>} : memref<128xi32, #tpu.memory_space<vmem>>, vector<16xi32>,
    %iota3A_59 = tpu.iota {dimensions = array<i32: 0>} : vector<16xi32>
    %add3A_60 = arith.constant 48 : i32
    %add3A_61 = arith.addi %add3A_4, %add3A_60 : i32
    %sub3A_62 = arith.constant 2047 : i32
    %sub3A_63 = arith.subi %add3A_61, %sub3A_62 : i32
    %add3A_64 = vector.broadcast %sub3A_63 : i32 to vector<16xi32>
    %add3A_65 = arith.addi %iota3A_59, %add3A_64 : vector<16xi32>
    %jit3A_66 = arith.constant -128 : i32
    %jit3A_67 = arith.constant 128 : i32
    %max3A_68 = vector.broadcast %jit3A_66 : i32 to vector<16xi32>
    %max3A_69 = arith.maxsi %max3A_68, %add3A_65 : vector<16xi32>
    %min3A_70 = vector.broadcast %jit3A_67 : i32 to vector<16xi32>
    %min3A_71 = arith.minsi %min3A_70, %max3A_69 : vector<16xi32>
    %add3A_72 = arith.constant 128 : i32
    %add3A_73 = vector.broadcast %add3A_72 : i32 to vector<16xi32>
    %add3A_74 = arith.addi %min3A_71, %add3A_73 : vector<16xi32>
    %swap3A_75 = arith.constant 48 : index
    %swap3A_76 = tpu.vector_load %arg5[%swap3A_75] {strides = array<i32>} : memref<128xi32, #tpu.memory_space<vmem>>, vector<16xi32>,
    %swap3A_77 = vector.shape_cast %swap3A_76 : vector<16xi32> to vector<16xi32>
    %swap3A_78 = vector.shape_cast %add3A_74 : vector<16xi32> to vector<16xi32>
    tpu.vector_store %arg5[%swap3A_75], %swap3A_78 {strides = array<i32>} : memref<128xi32, #tpu.memory_space<vmem>>, vector<16xi32>,
    %iota3A_79 = tpu.iota {dimensions = array<i32: 0>} : vector<16xi32>
    %add3A_80 = arith.constant 64 : i32
    %add3A_81 = arith.addi %add3A_4, %add3A_80 : i32
    %sub3A_82 = arith.constant 2047 : i32
    %sub3A_83 = arith.subi %add3A_81, %sub3A_82 : i32
    %add3A_84 = vector.broadcast %sub3A_83 : i32 to vector<16xi32>
    %add3A_85 = arith.addi %iota3A_79, %add3A_84 : vector<16xi32>
    %jit3A_86 = arith.constant -128 : i32
    %jit3A_87 = arith.constant 128 : i32
    %max3A_88 = vector.broadcast %jit3A_86 : i32 to vector<16xi32>
    %max3A_89 = arith.maxsi %max3A_88, %add3A_85 : vector<16xi32>
    %min3A_90 = vector.broadcast %jit3A_87 : i32 to vector<16xi32>
    %min3A_91 = arith.minsi %min3A_90, %max3A_89 : vector<16xi32>
    %add3A_92 = arith.constant 128 : i32
    %add3A_93 = vector.broadcast %add3A_92 : i32 to vector<16xi32>
    %add3A_94 = arith.addi %min3A_91, %add3A_93 : vector<16xi32>
    %swap3A_95 = arith.constant 64 : index
    %swap3A_96 = tpu.vector_load %arg5[%swap3A_95] {strides = array<i32>} : memref<128xi32, #tpu.memory_space<vmem>>, vector<16xi32>,
    %swap3A_97 = vector.shape_cast %swap3A_96 : vector<16xi32> to vector<16xi32>
    %swap3A_98 = vector.shape_cast %add3A_94 : vector<16xi32> to vector<16xi32>
    tpu.vector_store %arg5[%swap3A_95], %swap3A_98 {strides = array<i32>} : memref<128xi32, #tpu.memory_space<vmem>>, vector<16xi32>,
    %iota3A_99 = tpu.iota {dimensions = array<i32: 0>} : vector<16xi32>
    %add3A_100 = arith.constant 80 : i32
    %add3A_101 = arith.addi %add3A_4, %add3A_100 : i32
    %sub3A_102 = arith.constant 2047 : i32
    %sub3A_103 = arith.subi %add3A_101, %sub3A_102 : i32
    %add3A_104 = vector.broadcast %sub3A_103 : i32 to vector<16xi32>
    %add3A_105 = arith.addi %iota3A_99, %add3A_104 : vector<16xi32>
    %jit3A_106 = arith.constant -128 : i32
    %jit3A_107 = arith.constant 128 : i32
    %max3A_108 = vector.broadcast %jit3A_106 : i32 to vector<16xi32>
    %max3A_109 = arith.maxsi %max3A_108, %add3A_105 : vector<16xi32>
    %min3A_110 = vector.broadcast %jit3A_107 : i32 to vector<16xi32>
    %min3A_111 = arith.minsi %min3A_110, %max3A_109 : vector<16xi32>
    %add3A_112 = arith.constant 128 : i32
    %add3A_113 = vector.broadcast %add3A_112 : i32 to vector<16xi32>
    %add3A_114 = arith.addi %min3A_111, %add3A_113 : vector<16xi32>
    %swap3A_115 = arith.constant 80 : index
    %swap3A_116 = tpu.vector_load %arg5[%swap3A_115] {strides = array<i32>} : memref<128xi32, #tpu.memory_space<vmem>>, vector<16xi32>,
    %swap3A_117 = vector.shape_cast %swap3A_116 : vector<16xi32> to vector<16xi32>
    %swap3A_118 = vector.shape_cast %add3A_114 : vector<16xi32> to vector<16xi32>
    tpu.vector_store %arg5[%swap3A_115], %swap3A_118 {strides = array<i32>} : memref<128xi32, #tpu.memory_space<vmem>>, vector<16xi32>,
    %iota3A_119 = tpu.iota {dimensions = array<i32: 0>} : vector<16xi32>
    %add3A_120 = arith.constant 96 : i32
    %add3A_121 = arith.addi %add3A_4, %add3A_120 : i32
    %sub3A_122 = arith.constant 2047 : i32
    %sub3A_123 = arith.subi %add3A_121, %sub3A_122 : i32
    %add3A_124 = vector.broadcast %sub3A_123 : i32 to vector<16xi32>
    %add3A_125 = arith.addi %iota3A_119, %add3A_124 : vector<16xi32>
    %jit3A_126 = arith.constant -128 : i32
    %jit3A_127 = arith.constant 128 : i32
    %max3A_128 = vector.broadcast %jit3A_126 : i32 to vector<16xi32>
    %max3A_129 = arith.maxsi %max3A_128, %add3A_125 : vector<16xi32>
    %min3A_130 = vector.broadcast %jit3A_127 : i32 to vector<16xi32>
    %min3A_131 = arith.minsi %min3A_130, %max3A_129 : vector<16xi32>
    %add3A_132 = arith.constant 128 : i32
    %add3A_133 = vector.broadcast %add3A_132 : i32 to vector<16xi32>
    %add3A_134 = arith.addi %min3A_131, %add3A_133 : vector<16xi32>
    %swap3A_135 = arith.constant 96 : index
    %swap3A_136 = tpu.vector_load %arg5[%swap3A_135] {strides = array<i32>} : memref<128xi32, #tpu.memory_space<vmem>>, vector<16xi32>,
    %swap3A_137 = vector.shape_cast %swap3A_136 : vector<16xi32> to vector<16xi32>
    %swap3A_138 = vector.shape_cast %add3A_134 : vector<16xi32> to vector<16xi32>
    tpu.vector_store %arg5[%swap3A_135], %swap3A_138 {strides = array<i32>} : memref<128xi32, #tpu.memory_space<vmem>>, vector<16xi32>,
    %iota3A_139 = tpu.iota {dimensions = array<i32: 0>} : vector<16xi32>
    %add3A_140 = arith.constant 112 : i32
    %add3A_141 = arith.addi %add3A_4, %add3A_140 : i32
    %sub3A_142 = arith.constant 2047 : i32
    %sub3A_143 = arith.subi %add3A_141, %sub3A_142 : i32
    %add3A_144 = vector.broadcast %sub3A_143 : i32 to vector<16xi32>
    %add3A_145 = arith.addi %iota3A_139, %add3A_144 : vector<16xi32>
    %jit3A_146 = arith.constant -128 : i32
    %jit3A_147 = arith.constant 128 : i32
    %max3A_148 = vector.broadcast %jit3A_146 : i32 to vector<16xi32>
    %max3A_149 = arith.maxsi %max3A_148, %add3A_145 : vector<16xi32>
    %min3A_150 = vector.broadcast %jit3A_147 : i32 to vector<16xi32>
    %min3A_151 = arith.minsi %min3A_150, %max3A_149 : vector<16xi32>
    %add3A_152 = arith.constant 128 : i32
    %add3A_153 = vector.broadcast %add3A_152 : i32 to vector<16xi32>
    %add3A_154 = arith.addi %min3A_151, %add3A_153 : vector<16xi32>
    %swap3A_155 = arith.constant 112 : index
    %swap3A_156 = tpu.vector_load %arg5[%swap3A_155] {strides = array<i32>} : memref<128xi32, #tpu.memory_space<vmem>>, vector<16xi32>,
    %swap3A_157 = vector.shape_cast %swap3A_156 : vector<16xi32> to vector<16xi32>
    %swap3A_158 = vector.shape_cast %add3A_154 : vector<16xi32> to vector<16xi32>
    tpu.vector_store %arg5[%swap3A_155], %swap3A_158 {strides = array<i32>} : memref<128xi32, #tpu.memory_space<vmem>>, vector<16xi32>,
    %dma_start3A = arith.constant 0 : i32
    %dma_start3A_159 = arith.constant 0 : i32
    %dma_start3A_160 = tpu.memref_slice %arg2[%dma_start3A, %dma_start3A_159] : memref<257x64xf32, #tpu.memory_space<hbm>> -> memref<257x64xf32, #tpu.memory_space<hbm>>
    tpu.enqueue_indirect_dma source(%dma_start3A_160 : memref<257x64xf32, #tpu.memory_space<hbm>>) target(%arg6 : memref<128x64xf32, #tpu.memory_space<vmem>>) offsets(%arg5 : memref<128xi32, #tpu.memory_space<vmem>>) semaphore(%arg7 : memref<!tpu.dma_semaphore, #tpu.memory_space<semaphore_mem>>)
    %dma_wait3A = arith.constant 0 : i32
    %dma_wait3A_161 = arith.constant 0 : i32
    %dma_wait3A_162 = tpu.memref_slice %arg2[%dma_wait3A, %dma_wait3A_161] : memref<257x64xf32, #tpu.memory_space<hbm>> -> memref<257x64xf32, #tpu.memory_space<hbm>>
    tpu.wait_indirect_dma semaphore(%arg7 : memref<!tpu.dma_semaphore, #tpu.memory_space<semaphore_mem>>) src(%dma_wait3A_162 : memref<257x64xf32, #tpu.memory_space<hbm>>) dst(%arg6 : memref<128x64xf32, #tpu.memory_space<vmem>>)
    "tpu.region"() ({
      %run_scoped3A = tpu.sem_alloc : memref<!tpu.dma_semaphore, #tpu.memory_space<semaphore_mem>>
      %dma_start3A_1359 = arith.constant 0 : i32
      %dma_start3A_1360 = tpu.memref_slice %arg4[%add3A_4, %dma_start3A_1359] : memref<4096x64xf32, #tpu.memory_space<vmem_shared>> -> memref<128x64xf32, #tpu.memory_space<vmem_shared>>
      %dma_start3A_1361 = arith.constant 0 : i32
      %dma_start3A_1362 = tpu.memref_slice %arg4[%add3A_4, %dma_start3A_1361] : memref<4096x64xf32, #tpu.memory_space<vmem_shared>> -> memref<128x64xf32, #tpu.memory_space<vmem_shared>>
      tpu.enqueue_dma source(%arg6 : memref<128x64xf32, #tpu.memory_space<vmem>>) target(%dma_start3A_1362 : memref<128x64xf32, #tpu.memory_space<vmem_shared>>) target_semaphore(%run_scoped3A : memref<!tpu.dma_semaphore, #tpu.memory_space<semaphore_mem>>)
      %dma_wait3A_1363 = arith.constant 0 : i32
      %dma_wait3A_1364 = tpu.memref_slice %arg4[%add3A_4, %dma_wait3A_1363] : memref<4096x64xf32, #tpu.memory_space<vmem_shared>> -> memref<128x64xf32, #tpu.memory_space<vmem_shared>>
      %dma_wait3A_1365 = arith.constant 0 : i32
      %dma_wait3A_1366 = tpu.memref_slice %arg4[%add3A_4, %dma_wait3A_1365] : memref<4096x64xf32, #tpu.memory_space<vmem_shared>> -> memref<128x64xf32, #tpu.memory_space<vmem_shared>>
      tpu.wait_dma2 semaphore(%run_scoped3A : memref<!tpu.dma_semaphore, #tpu.memory_space<semaphore_mem>>) src(%arg6 : memref<128x64xf32, #tpu.memory_space<vmem>>) dst(%dma_wait3A_1366 : memref<128x64xf32, #tpu.memory_space<vmem_shared>>)
      tpu.yield
    }) : () -> ()
    %mul3A_163 = arith.constant 256 : i32
    %mul3A_164 = arith.muli %arg1, %mul3A_163 : i32
    %add3A_165 = arith.constant 128 : i32
    %add3A_166 = arith.addi %mul3A_164, %add3A_165 : i32
    %iota3A_167 = tpu.iota {dimensions = array<i32: 0>} : vector<16xi32>
    %add3A_168 = arith.constant 0 : i32
    %add3A_169 = arith.addi %add3A_166, %add3A_168 : i32
    %sub3A_170 = arith.constant 2047 : i32
    %sub3A_171 = arith.subi %add3A_169, %sub3A_170 : i32
    %add3A_172 = vector.broadcast %sub3A_171 : i32 to vector<16xi32>
    %add3A_173 = arith.addi %iota3A_167, %add3A_172 : vector<16xi32>
    %jit3A_174 = arith.constant -128 : i32
    %jit3A_175 = arith.constant 128 : i32
    %max3A_176 = vector.broadcast %jit3A_174 : i32 to vector<16xi32>
    %max3A_177 = arith.maxsi %max3A_176, %add3A_173 : vector<16xi32>
    %min3A_178 = vector.broadcast %jit3A_175 : i32 to vector<16xi32>
    %min3A_179 = arith.minsi %min3A_178, %max3A_177 : vector<16xi32>
    %add3A_180 = arith.constant 128 : i32
    %add3A_181 = vector.broadcast %add3A_180 : i32 to vector<16xi32>
    %add3A_182 = arith.addi %min3A_179, %add3A_181 : vector<16xi32>
    %swap3A_183 = arith.constant 0 : index
    %swap3A_184 = tpu.vector_load %arg5[%swap3A_183] {strides = array<i32>} : memref<128xi32, #tpu.memory_space<vmem>>, vector<16xi32>,
    %swap3A_185 = vector.shape_cast %swap3A_184 : vector<16xi32> to vector<16xi32>
    %swap3A_186 = vector.shape_cast %add3A_182 : vector<16xi32> to vector<16xi32>
    tpu.vector_store %arg5[%swap3A_183], %swap3A_186 {strides = array<i32>} : memref<128xi32, #tpu.memory_space<vmem>>, vector<16xi32>,
    %iota3A_187 = tpu.iota {dimensions = array<i32: 0>} : vector<16xi32>
    %add3A_188 = arith.constant 16 : i32
    %add3A_189 = arith.addi %add3A_166, %add3A_188 : i32
    %sub3A_190 = arith.constant 2047 : i32
    %sub3A_191 = arith.subi %add3A_189, %sub3A_190 : i32
    %add3A_192 = vector.broadcast %sub3A_191 : i32 to vector<16xi32>
    %add3A_193 = arith.addi %iota3A_187, %add3A_192 : vector<16xi32>
    %jit3A_194 = arith.constant -128 : i32
    %jit3A_195 = arith.constant 128 : i32
    %max3A_196 = vector.broadcast %jit3A_194 : i32 to vector<16xi32>
    %max3A_197 = arith.maxsi %max3A_196, %add3A_193 : vector<16xi32>
    %min3A_198 = vector.broadcast %jit3A_195 : i32 to vector<16xi32>
    %min3A_199 = arith.minsi %min3A_198, %max3A_197 : vector<16xi32>
    %add3A_200 = arith.constant 128 : i32
    %add3A_201 = vector.broadcast %add3A_200 : i32 to vector<16xi32>
    %add3A_202 = arith.addi %min3A_199, %add3A_201 : vector<16xi32>
    %swap3A_203 = arith.constant 16 : index
    %swap3A_204 = tpu.vector_load %arg5[%swap3A_203] {strides = array<i32>} : memref<128xi32, #tpu.memory_space<vmem>>, vector<16xi32>,
    %swap3A_205 = vector.shape_cast %swap3A_204 : vector<16xi32> to vector<16xi32>
    %swap3A_206 = vector.shape_cast %add3A_202 : vector<16xi32> to vector<16xi32>
    tpu.vector_store %arg5[%swap3A_203], %swap3A_206 {strides = array<i32>} : memref<128xi32, #tpu.memory_space<vmem>>, vector<16xi32>,
    %iota3A_207 = tpu.iota {dimensions = array<i32: 0>} : vector<16xi32>
    %add3A_208 = arith.constant 32 : i32
    %add3A_209 = arith.addi %add3A_166, %add3A_208 : i32
    %sub3A_210 = arith.constant 2047 : i32
    %sub3A_211 = arith.subi %add3A_209, %sub3A_210 : i32
    %add3A_212 = vector.broadcast %sub3A_211 : i32 to vector<16xi32>
    %add3A_213 = arith.addi %iota3A_207, %add3A_212 : vector<16xi32>
    %jit3A_214 = arith.constant -128 : i32
    %jit3A_215 = arith.constant 128 : i32
    %max3A_216 = vector.broadcast %jit3A_214 : i32 to vector<16xi32>
    %max3A_217 = arith.maxsi %max3A_216, %add3A_213 : vector<16xi32>
    %min3A_218 = vector.broadcast %jit3A_215 : i32 to vector<16xi32>
    %min3A_219 = arith.minsi %min3A_218, %max3A_217 : vector<16xi32>
    %add3A_220 = arith.constant 128 : i32
    %add3A_221 = vector.broadcast %add3A_220 : i32 to vector<16xi32>
    %add3A_222 = arith.addi %min3A_219, %add3A_221 : vector<16xi32>
    %swap3A_223 = arith.constant 32 : index
    %swap3A_224 = tpu.vector_load %arg5[%swap3A_223] {strides = array<i32>} : memref<128xi32, #tpu.memory_space<vmem>>, vector<16xi32>,
    %swap3A_225 = vector.shape_cast %swap3A_224 : vector<16xi32> to vector<16xi32>
    %swap3A_226 = vector.shape_cast %add3A_222 : vector<16xi32> to vector<16xi32>
    tpu.vector_store %arg5[%swap3A_223], %swap3A_226 {strides = array<i32>} : memref<128xi32, #tpu.memory_space<vmem>>, vector<16xi32>,
    %iota3A_227 = tpu.iota {dimensions = array<i32: 0>} : vector<16xi32>
    %add3A_228 = arith.constant 48 : i32
    %add3A_229 = arith.addi %add3A_166, %add3A_228 : i32
    %sub3A_230 = arith.constant 2047 : i32
    %sub3A_231 = arith.subi %add3A_229, %sub3A_230 : i32
    %add3A_232 = vector.broadcast %sub3A_231 : i32 to vector<16xi32>
    %add3A_233 = arith.addi %iota3A_227, %add3A_232 : vector<16xi32>
    %jit3A_234 = arith.constant -128 : i32
    %jit3A_235 = arith.constant 128 : i32
    %max3A_236 = vector.broadcast %jit3A_234 : i32 to vector<16xi32>
    %max3A_237 = arith.maxsi %max3A_236, %add3A_233 : vector<16xi32>
    %min3A_238 = vector.broadcast %jit3A_235 : i32 to vector<16xi32>
    %min3A_239 = arith.minsi %min3A_238, %max3A_237 : vector<16xi32>
    %add3A_240 = arith.constant 128 : i32
    %add3A_241 = vector.broadcast %add3A_240 : i32 to vector<16xi32>
    %add3A_242 = arith.addi %min3A_239, %add3A_241 : vector<16xi32>
    %swap3A_243 = arith.constant 48 : index
    %swap3A_244 = tpu.vector_load %arg5[%swap3A_243] {strides = array<i32>} : memref<128xi32, #tpu.memory_space<vmem>>, vector<16xi32>,
    %swap3A_245 = vector.shape_cast %swap3A_244 : vector<16xi32> to vector<16xi32>
    %swap3A_246 = vector.shape_cast %add3A_242 : vector<16xi32> to vector<16xi32>
    tpu.vector_store %arg5[%swap3A_243], %swap3A_246 {strides = array<i32>} : memref<128xi32, #tpu.memory_space<vmem>>, vector<16xi32>,
    %iota3A_247 = tpu.iota {dimensions = array<i32: 0>} : vector<16xi32>
    %add3A_248 = arith.constant 64 : i32
    %add3A_249 = arith.addi %add3A_166, %add3A_248 : i32
    %sub3A_250 = arith.constant 2047 : i32
    %sub3A_251 = arith.subi %add3A_249, %sub3A_250 : i32
    %add3A_252 = vector.broadcast %sub3A_251 : i32 to vector<16xi32>
    %add3A_253 = arith.addi %iota3A_247, %add3A_252 : vector<16xi32>
    %jit3A_254 = arith.constant -128 : i32
    %jit3A_255 = arith.constant 128 : i32
    %max3A_256 = vector.broadcast %jit3A_254 : i32 to vector<16xi32>
    %max3A_257 = arith.maxsi %max3A_256, %add3A_253 : vector<16xi32>
    %min3A_258 = vector.broadcast %jit3A_255 : i32 to vector<16xi32>
    %min3A_259 = arith.minsi %min3A_258, %max3A_257 : vector<16xi32>
    %add3A_260 = arith.constant 128 : i32
    %add3A_261 = vector.broadcast %add3A_260 : i32 to vector<16xi32>
    %add3A_262 = arith.addi %min3A_259, %add3A_261 : vector<16xi32>
    %swap3A_263 = arith.constant 64 : index
    %swap3A_264 = tpu.vector_load %arg5[%swap3A_263] {strides = array<i32>} : memref<128xi32, #tpu.memory_space<vmem>>, vector<16xi32>,
    %swap3A_265 = vector.shape_cast %swap3A_264 : vector<16xi32> to vector<16xi32>
    %swap3A_266 = vector.shape_cast %add3A_262 : vector<16xi32> to vector<16xi32>
    tpu.vector_store %arg5[%swap3A_263], %swap3A_266 {strides = array<i32>} : memref<128xi32, #tpu.memory_space<vmem>>, vector<16xi32>,
    %iota3A_267 = tpu.iota {dimensions = array<i32: 0>} : vector<16xi32>
    %add3A_268 = arith.constant 80 : i32
    %add3A_269 = arith.addi %add3A_166, %add3A_268 : i32
    %sub3A_270 = arith.constant 2047 : i32
    %sub3A_271 = arith.subi %add3A_269, %sub3A_270 : i32
    %add3A_272 = vector.broadcast %sub3A_271 : i32 to vector<16xi32>
    %add3A_273 = arith.addi %iota3A_267, %add3A_272 : vector<16xi32>
    %jit3A_274 = arith.constant -128 : i32
    %jit3A_275 = arith.constant 128 : i32
    %max3A_276 = vector.broadcast %jit3A_274 : i32 to vector<16xi32>
    %max3A_277 = arith.maxsi %max3A_276, %add3A_273 : vector<16xi32>
    %min3A_278 = vector.broadcast %jit3A_275 : i32 to vector<16xi32>
    %min3A_279 = arith.minsi %min3A_278, %max3A_277 : vector<16xi32>
    %add3A_280 = arith.constant 128 : i32
    %add3A_281 = vector.broadcast %add3A_280 : i32 to vector<16xi32>
    %add3A_282 = arith.addi %min3A_279, %add3A_281 : vector<16xi32>
    %swap3A_283 = arith.constant 80 : index
    %swap3A_284 = tpu.vector_load %arg5[%swap3A_283] {strides = array<i32>} : memref<128xi32, #tpu.memory_space<vmem>>, vector<16xi32>,
    %swap3A_285 = vector.shape_cast %swap3A_284 : vector<16xi32> to vector<16xi32>
    %swap3A_286 = vector.shape_cast %add3A_282 : vector<16xi32> to vector<16xi32>
    tpu.vector_store %arg5[%swap3A_283], %swap3A_286 {strides = array<i32>} : memref<128xi32, #tpu.memory_space<vmem>>, vector<16xi32>,
    %iota3A_287 = tpu.iota {dimensions = array<i32: 0>} : vector<16xi32>
    %add3A_288 = arith.constant 96 : i32
    %add3A_289 = arith.addi %add3A_166, %add3A_288 : i32
    %sub3A_290 = arith.constant 2047 : i32
    %sub3A_291 = arith.subi %add3A_289, %sub3A_290 : i32
    %add3A_292 = vector.broadcast %sub3A_291 : i32 to vector<16xi32>
    %add3A_293 = arith.addi %iota3A_287, %add3A_292 : vector<16xi32>
    %jit3A_294 = arith.constant -128 : i32
    %jit3A_295 = arith.constant 128 : i32
    %max3A_296 = vector.broadcast %jit3A_294 : i32 to vector<16xi32>
    %max3A_297 = arith.maxsi %max3A_296, %add3A_293 : vector<16xi32>
    %min3A_298 = vector.broadcast %jit3A_295 : i32 to vector<16xi32>
    %min3A_299 = arith.minsi %min3A_298, %max3A_297 : vector<16xi32>
    %add3A_300 = arith.constant 128 : i32
    %add3A_301 = vector.broadcast %add3A_300 : i32 to vector<16xi32>
    %add3A_302 = arith.addi %min3A_299, %add3A_301 : vector<16xi32>
    %swap3A_303 = arith.constant 96 : index
    %swap3A_304 = tpu.vector_load %arg5[%swap3A_303] {strides = array<i32>} : memref<128xi32, #tpu.memory_space<vmem>>, vector<16xi32>,
    %swap3A_305 = vector.shape_cast %swap3A_304 : vector<16xi32> to vector<16xi32>
    %swap3A_306 = vector.shape_cast %add3A_302 : vector<16xi32> to vector<16xi32>
    tpu.vector_store %arg5[%swap3A_303], %swap3A_306 {strides = array<i32>} : memref<128xi32, #tpu.memory_space<vmem>>, vector<16xi32>,
    %iota3A_307 = tpu.iota {dimensions = array<i32: 0>} : vector<16xi32>
    %add3A_308 = arith.constant 112 : i32
    %add3A_309 = arith.addi %add3A_166, %add3A_308 : i32
    %sub3A_310 = arith.constant 2047 : i32
    %sub3A_311 = arith.subi %add3A_309, %sub3A_310 : i32
    %add3A_312 = vector.broadcast %sub3A_311 : i32 to vector<16xi32>
    %add3A_313 = arith.addi %iota3A_307, %add3A_312 : vector<16xi32>
    %jit3A_314 = arith.constant -128 : i32
    %jit3A_315 = arith.constant 128 : i32
    %max3A_316 = vector.broadcast %jit3A_314 : i32 to vector<16xi32>
    %max3A_317 = arith.maxsi %max3A_316, %add3A_313 : vector<16xi32>
    %min3A_318 = vector.broadcast %jit3A_315 : i32 to vector<16xi32>
    %min3A_319 = arith.minsi %min3A_318, %max3A_317 : vector<16xi32>
    %add3A_320 = arith.constant 128 : i32
    %add3A_321 = vector.broadcast %add3A_320 : i32 to vector<16xi32>
    %add3A_322 = arith.addi %min3A_319, %add3A_321 : vector<16xi32>
    %swap3A_323 = arith.constant 112 : index
    %swap3A_324 = tpu.vector_load %arg5[%swap3A_323] {strides = array<i32>} : memref<128xi32, #tpu.memory_space<vmem>>, vector<16xi32>,
    %swap3A_325 = vector.shape_cast %swap3A_324 : vector<16xi32> to vector<16xi32>
    %swap3A_326 = vector.shape_cast %add3A_322 : vector<16xi32> to vector<16xi32>
    tpu.vector_store %arg5[%swap3A_323], %swap3A_326 {strides = array<i32>} : memref<128xi32, #tpu.memory_space<vmem>>, vector<16xi32>,
    %dma_start3A_327 = arith.constant 0 : i32
    %dma_start3A_328 = arith.constant 0 : i32
    %dma_start3A_329 = tpu.memref_slice %arg2[%dma_start3A_327, %dma_start3A_328] : memref<257x64xf32, #tpu.memory_space<hbm>> -> memref<257x64xf32, #tpu.memory_space<hbm>>
    tpu.enqueue_indirect_dma source(%dma_start3A_329 : memref<257x64xf32, #tpu.memory_space<hbm>>) target(%arg6 : memref<128x64xf32, #tpu.memory_space<vmem>>) offsets(%arg5 : memref<128xi32, #tpu.memory_space<vmem>>) semaphore(%arg7 : memref<!tpu.dma_semaphore, #tpu.memory_space<semaphore_mem>>)
    %dma_wait3A_330 = arith.constant 0 : i32
    %dma_wait3A_331 = arith.constant 0 : i32
    %dma_wait3A_332 = tpu.memref_slice %arg2[%dma_wait3A_330, %dma_wait3A_331] : memref<257x64xf32, #tpu.memory_space<hbm>> -> memref<257x64xf32, #tpu.memory_space<hbm>>
    tpu.wait_indirect_dma semaphore(%arg7 : memref<!tpu.dma_semaphore, #tpu.memory_space<semaphore_mem>>) src(%dma_wait3A_332 : memref<257x64xf32, #tpu.memory_space<hbm>>) dst(%arg6 : memref<128x64xf32, #tpu.memory_space<vmem>>)
    "tpu.region"() ({
      %run_scoped3A = tpu.sem_alloc : memref<!tpu.dma_semaphore, #tpu.memory_space<semaphore_mem>>
      %dma_start3A_1359 = arith.constant 0 : i32
      %dma_start3A_1360 = tpu.memref_slice %arg4[%add3A_166, %dma_start3A_1359] : memref<4096x64xf32, #tpu.memory_space<vmem_shared>> -> memref<128x64xf32, #tpu.memory_space<vmem_shared>>
      %dma_start3A_1361 = arith.constant 0 : i32
      %dma_start3A_1362 = tpu.memref_slice %arg4[%add3A_166, %dma_start3A_1361] : memref<4096x64xf32, #tpu.memory_space<vmem_shared>> -> memref<128x64xf32, #tpu.memory_space<vmem_shared>>
      tpu.enqueue_dma source(%arg6 : memref<128x64xf32, #tpu.memory_space<vmem>>) target(%dma_start3A_1362 : memref<128x64xf32, #tpu.memory_space<vmem_shared>>) target_semaphore(%run_scoped3A : memref<!tpu.dma_semaphore, #tpu.memory_space<semaphore_mem>>)
      %dma_wait3A_1363 = arith.constant 0 : i32
      %dma_wait3A_1364 = tpu.memref_slice %arg4[%add3A_166, %dma_wait3A_1363] : memref<4096x64xf32, #tpu.memory_space<vmem_shared>> -> memref<128x64xf32, #tpu.memory_space<vmem_shared>>
      %dma_wait3A_1365 = arith.constant 0 : i32
      %dma_wait3A_1366 = tpu.memref_slice %arg4[%add3A_166, %dma_wait3A_1365] : memref<4096x64xf32, #tpu.memory_space<vmem_shared>> -> memref<128x64xf32, #tpu.memory_space<vmem_shared>>
      tpu.wait_dma2 semaphore(%run_scoped3A : memref<!tpu.dma_semaphore, #tpu.memory_space<semaphore_mem>>) src(%arg6 : memref<128x64xf32, #tpu.memory_space<vmem>>) dst(%dma_wait3A_1366 : memref<128x64xf32, #tpu.memory_space<vmem_shared>>)
      tpu.yield
    }) : () -> ()
    %barrier3A = arith.constant 0 : index
    tpu.barrier barrier_id(%barrier3A)
    %mul3A_333 = arith.constant 64 : i32
    %mul3A_334 = arith.muli %add3A, %mul3A_333 : i32
    %add3A_335 = arith.constant 0 : i32
    %add3A_336 = arith.addi %mul3A_334, %add3A_335 : i32
    %sub3A_337 = arith.constant 2047 : i32
    %sub3A_338 = arith.subi %sub3A_337, %add3A_336 : i32
    %dma_start3A_339 = arith.constant 0 : i32
    %dma_start3A_340 = arith.constant 0 : i32
    %dma_start3A_341 = tpu.memref_slice %arg3[%add3A_336, %dma_start3A_339, %dma_start3A_340] : memref<2048x2048x64xf32, #tpu.memory_space<hbm>> -> memref<1x2048x64xf32, #tpu.memory_space<hbm>>
    %dma_start3A_342 = tpu.memref_squeeze %dma_start3A_341 : memref<1x2048x64xf32, #tpu.memory_space<hbm>> -> memref<2048x64xf32, #tpu.memory_space<hbm>>
    %dma_start3A_343 = arith.constant 0 : i32
    %dma_start3A_344 = tpu.memref_slice %arg4[%sub3A_338, %dma_start3A_343] : memref<4096x64xf32, #tpu.memory_space<vmem_shared>> -> memref<2048x64xf32, #tpu.memory_space<vmem_shared>>
    tpu.enqueue_dma source(%dma_start3A_344 : memref<2048x64xf32, #tpu.memory_space<vmem_shared>>) target(%dma_start3A_342 : memref<2048x64xf32, #tpu.memory_space<hbm>>) target_semaphore(%arg7 : memref<!tpu.dma_semaphore, #tpu.memory_space<semaphore_mem>>)
    %add3A_345 = arith.constant 1 : i32
    %add3A_346 = arith.addi %mul3A_334, %add3A_345 : i32
    %sub3A_347 = arith.constant 2047 : i32
    %sub3A_348 = arith.subi %sub3A_347, %add3A_346 : i32
    %dma_start3A_349 = arith.constant 0 : i32
    %dma_start3A_350 = arith.constant 0 : i32
    %dma_start3A_351 = tpu.memref_slice %arg3[%add3A_346, %dma_start3A_349, %dma_start3A_350] : memref<2048x2048x64xf32, #tpu.memory_space<hbm>> -> memref<1x2048x64xf32, #tpu.memory_space<hbm>>
    %dma_start3A_352 = tpu.memref_squeeze %dma_start3A_351 : memref<1x2048x64xf32, #tpu.memory_space<hbm>> -> memref<2048x64xf32, #tpu.memory_space<hbm>>
    %dma_start3A_353 = arith.constant 0 : i32
    %dma_start3A_354 = tpu.memref_slice %arg4[%sub3A_348, %dma_start3A_353] : memref<4096x64xf32, #tpu.memory_space<vmem_shared>> -> memref<2048x64xf32, #tpu.memory_space<vmem_shared>>
    tpu.enqueue_dma source(%dma_start3A_354 : memref<2048x64xf32, #tpu.memory_space<vmem_shared>>) target(%dma_start3A_352 : memref<2048x64xf32, #tpu.memory_space<hbm>>) target_semaphore(%arg7 : memref<!tpu.dma_semaphore, #tpu.memory_space<semaphore_mem>>)
    %add3A_355 = arith.constant 2 : i32
    %add3A_356 = arith.addi %mul3A_334, %add3A_355 : i32
    %sub3A_357 = arith.constant 2047 : i32
    %sub3A_358 = arith.subi %sub3A_357, %add3A_356 : i32
    %dma_start3A_359 = arith.constant 0 : i32
    %dma_start3A_360 = arith.constant 0 : i32
    %dma_start3A_361 = tpu.memref_slice %arg3[%add3A_356, %dma_start3A_359, %dma_start3A_360] : memref<2048x2048x64xf32, #tpu.memory_space<hbm>> -> memref<1x2048x64xf32, #tpu.memory_space<hbm>>
    %dma_start3A_362 = tpu.memref_squeeze %dma_start3A_361 : memref<1x2048x64xf32, #tpu.memory_space<hbm>> -> memref<2048x64xf32, #tpu.memory_space<hbm>>
    %dma_start3A_363 = arith.constant 0 : i32
    %dma_start3A_364 = tpu.memref_slice %arg4[%sub3A_358, %dma_start3A_363] : memref<4096x64xf32, #tpu.memory_space<vmem_shared>> -> memref<2048x64xf32, #tpu.memory_space<vmem_shared>>
    tpu.enqueue_dma source(%dma_start3A_364 : memref<2048x64xf32, #tpu.memory_space<vmem_shared>>) target(%dma_start3A_362 : memref<2048x64xf32, #tpu.memory_space<hbm>>) target_semaphore(%arg7 : memref<!tpu.dma_semaphore, #tpu.memory_space<semaphore_mem>>)
    %add3A_365 = arith.constant 3 : i32
    %add3A_366 = arith.addi %mul3A_334, %add3A_365 : i32
    %sub3A_367 = arith.constant 2047 : i32
    %sub3A_368 = arith.subi %sub3A_367, %add3A_366 : i32
    %dma_start3A_369 = arith.constant 0 : i32
    %dma_start3A_370 = arith.constant 0 : i32
    %dma_start3A_371 = tpu.memref_slice %arg3[%add3A_366, %dma_start3A_369, %dma_start3A_370] : memref<2048x2048x64xf32, #tpu.memory_space<hbm>> -> memref<1x2048x64xf32, #tpu.memory_space<hbm>>
    %dma_start3A_372 = tpu.memref_squeeze %dma_start3A_371 : memref<1x2048x64xf32, #tpu.memory_space<hbm>> -> memref<2048x64xf32, #tpu.memory_space<hbm>>
    %dma_start3A_373 = arith.constant 0 : i32
    %dma_start3A_374 = tpu.memref_slice %arg4[%sub3A_368, %dma_start3A_373] : memref<4096x64xf32, #tpu.memory_space<vmem_shared>> -> memref<2048x64xf32, #tpu.memory_space<vmem_shared>>
    tpu.enqueue_dma source(%dma_start3A_374 : memref<2048x64xf32, #tpu.memory_space<vmem_shared>>) target(%dma_start3A_372 : memref<2048x64xf32, #tpu.memory_space<hbm>>) target_semaphore(%arg7 : memref<!tpu.dma_semaphore, #tpu.memory_space<semaphore_mem>>)
    %add3A_375 = arith.constant 4 : i32
    %add3A_376 = arith.addi %mul3A_334, %add3A_375 : i32
    %sub3A_377 = arith.constant 2047 : i32
    %sub3A_378 = arith.subi %sub3A_377, %add3A_376 : i32
    %dma_start3A_379 = arith.constant 0 : i32
    %dma_start3A_380 = arith.constant 0 : i32
    %dma_start3A_381 = tpu.memref_slice %arg3[%add3A_376, %dma_start3A_379, %dma_start3A_380] : memref<2048x2048x64xf32, #tpu.memory_space<hbm>> -> memref<1x2048x64xf32, #tpu.memory_space<hbm>>
    %dma_start3A_382 = tpu.memref_squeeze %dma_start3A_381 : memref<1x2048x64xf32, #tpu.memory_space<hbm>> -> memref<2048x64xf32, #tpu.memory_space<hbm>>
    %dma_start3A_383 = arith.constant 0 : i32
    %dma_start3A_384 = tpu.memref_slice %arg4[%sub3A_378, %dma_start3A_383] : memref<4096x64xf32, #tpu.memory_space<vmem_shared>> -> memref<2048x64xf32, #tpu.memory_space<vmem_shared>>
    tpu.enqueue_dma source(%dma_start3A_384 : memref<2048x64xf32, #tpu.memory_space<vmem_shared>>) target(%dma_start3A_382 : memref<2048x64xf32, #tpu.memory_space<hbm>>) target_semaphore(%arg7 : memref<!tpu.dma_semaphore, #tpu.memory_space<semaphore_mem>>)
    %add3A_385 = arith.constant 5 : i32
    %add3A_386 = arith.addi %mul3A_334, %add3A_385 : i32
    %sub3A_387 = arith.constant 2047 : i32
    %sub3A_388 = arith.subi %sub3A_387, %add3A_386 : i32
    %dma_start3A_389 = arith.constant 0 : i32
    %dma_start3A_390 = arith.constant 0 : i32
    %dma_start3A_391 = tpu.memref_slice %arg3[%add3A_386, %dma_start3A_389, %dma_start3A_390] : memref<2048x2048x64xf32, #tpu.memory_space<hbm>> -> memref<1x2048x64xf32, #tpu.memory_space<hbm>>
    %dma_start3A_392 = tpu.memref_squeeze %dma_start3A_391 : memref<1x2048x64xf32, #tpu.memory_space<hbm>> -> memref<2048x64xf32, #tpu.memory_space<hbm>>
    %dma_start3A_393 = arith.constant 0 : i32
    %dma_start3A_394 = tpu.memref_slice %arg4[%sub3A_388, %dma_start3A_393] : memref<4096x64xf32, #tpu.memory_space<vmem_shared>> -> memref<2048x64xf32, #tpu.memory_space<vmem_shared>>
    tpu.enqueue_dma source(%dma_start3A_394 : memref<2048x64xf32, #tpu.memory_space<vmem_shared>>) target(%dma_start3A_392 : memref<2048x64xf32, #tpu.memory_space<hbm>>) target_semaphore(%arg7 : memref<!tpu.dma_semaphore, #tpu.memory_space<semaphore_mem>>)
    %add3A_395 = arith.constant 6 : i32
    %add3A_396 = arith.addi %mul3A_334, %add3A_395 : i32
    %sub3A_397 = arith.constant 2047 : i32
    %sub3A_398 = arith.subi %sub3A_397, %add3A_396 : i32
    %dma_start3A_399 = arith.constant 0 : i32
    %dma_start3A_400 = arith.constant 0 : i32
    %dma_start3A_401 = tpu.memref_slice %arg3[%add3A_396, %dma_start3A_399, %dma_start3A_400] : memref<2048x2048x64xf32, #tpu.memory_space<hbm>> -> memref<1x2048x64xf32, #tpu.memory_space<hbm>>
    %dma_start3A_402 = tpu.memref_squeeze %dma_start3A_401 : memref<1x2048x64xf32, #tpu.memory_space<hbm>> -> memref<2048x64xf32, #tpu.memory_space<hbm>>
    %dma_start3A_403 = arith.constant 0 : i32
    %dma_start3A_404 = tpu.memref_slice %arg4[%sub3A_398, %dma_start3A_403] : memref<4096x64xf32, #tpu.memory_space<vmem_shared>> -> memref<2048x64xf32, #tpu.memory_space<vmem_shared>>
    tpu.enqueue_dma source(%dma_start3A_404 : memref<2048x64xf32, #tpu.memory_space<vmem_shared>>) target(%dma_start3A_402 : memref<2048x64xf32, #tpu.memory_space<hbm>>) target_semaphore(%arg7 : memref<!tpu.dma_semaphore, #tpu.memory_space<semaphore_mem>>)
    %add3A_405 = arith.constant 7 : i32
    %add3A_406 = arith.addi %mul3A_334, %add3A_405 : i32
    %sub3A_407 = arith.constant 2047 : i32
    %sub3A_408 = arith.subi %sub3A_407, %add3A_406 : i32
    %dma_start3A_409 = arith.constant 0 : i32
    %dma_start3A_410 = arith.constant 0 : i32
    %dma_start3A_411 = tpu.memref_slice %arg3[%add3A_406, %dma_start3A_409, %dma_start3A_410] : memref<2048x2048x64xf32, #tpu.memory_space<hbm>> -> memref<1x2048x64xf32, #tpu.memory_space<hbm>>
    %dma_start3A_412 = tpu.memref_squeeze %dma_start3A_411 : memref<1x2048x64xf32, #tpu.memory_space<hbm>> -> memref<2048x64xf32, #tpu.memory_space<hbm>>
    %dma_start3A_413 = arith.constant 0 : i32
    %dma_start3A_414 = tpu.memref_slice %arg4[%sub3A_408, %dma_start3A_413] : memref<4096x64xf32, #tpu.memory_space<vmem_shared>> -> memref<2048x64xf32, #tpu.memory_space<vmem_shared>>
    tpu.enqueue_dma source(%dma_start3A_414 : memref<2048x64xf32, #tpu.memory_space<vmem_shared>>) target(%dma_start3A_412 : memref<2048x64xf32, #tpu.memory_space<hbm>>) target_semaphore(%arg7 : memref<!tpu.dma_semaphore, #tpu.memory_space<semaphore_mem>>)
    %add3A_415 = arith.constant 8 : i32
    %add3A_416 = arith.addi %mul3A_334, %add3A_415 : i32
    %sub3A_417 = arith.constant 2047 : i32
    %sub3A_418 = arith.subi %sub3A_417, %add3A_416 : i32
    %dma_start3A_419 = arith.constant 0 : i32
    %dma_start3A_420 = arith.constant 0 : i32
    %dma_start3A_421 = tpu.memref_slice %arg3[%add3A_416, %dma_start3A_419, %dma_start3A_420] : memref<2048x2048x64xf32, #tpu.memory_space<hbm>> -> memref<1x2048x64xf32, #tpu.memory_space<hbm>>
    %dma_start3A_422 = tpu.memref_squeeze %dma_start3A_421 : memref<1x2048x64xf32, #tpu.memory_space<hbm>> -> memref<2048x64xf32, #tpu.memory_space<hbm>>
    %dma_start3A_423 = arith.constant 0 : i32
    %dma_start3A_424 = tpu.memref_slice %arg4[%sub3A_418, %dma_start3A_423] : memref<4096x64xf32, #tpu.memory_space<vmem_shared>> -> memref<2048x64xf32, #tpu.memory_space<vmem_shared>>
    tpu.enqueue_dma source(%dma_start3A_424 : memref<2048x64xf32, #tpu.memory_space<vmem_shared>>) target(%dma_start3A_422 : memref<2048x64xf32, #tpu.memory_space<hbm>>) target_semaphore(%arg7 : memref<!tpu.dma_semaphore, #tpu.memory_space<semaphore_mem>>)
    %dma_wait3A_425 = arith.constant 0 : i32
    %dma_wait3A_426 = arith.constant 0 : i32
    %dma_wait3A_427 = tpu.memref_slice %arg3[%add3A_336, %dma_wait3A_425, %dma_wait3A_426] : memref<2048x2048x64xf32, #tpu.memory_space<hbm>> -> memref<1x2048x64xf32, #tpu.memory_space<hbm>>
    %dma_wait3A_428 = tpu.memref_squeeze %dma_wait3A_427 : memref<1x2048x64xf32, #tpu.memory_space<hbm>> -> memref<2048x64xf32, #tpu.memory_space<hbm>>
    %dma_wait3A_429 = arith.constant 0 : i32
    %dma_wait3A_430 = tpu.memref_slice %arg4[%sub3A_338, %dma_wait3A_429] : memref<4096x64xf32, #tpu.memory_space<vmem_shared>> -> memref<2048x64xf32, #tpu.memory_space<vmem_shared>>
    tpu.wait_dma2 semaphore(%arg7 : memref<!tpu.dma_semaphore, #tpu.memory_space<semaphore_mem>>) src(%dma_wait3A_430 : memref<2048x64xf32, #tpu.memory_space<vmem_shared>>) dst(%dma_wait3A_428 : memref<2048x64xf32, #tpu.memory_space<hbm>>)
    %add3A_431 = arith.constant 9 : i32
    %add3A_432 = arith.addi %mul3A_334, %add3A_431 : i32
    %sub3A_433 = arith.constant 2047 : i32
    %sub3A_434 = arith.subi %sub3A_433, %add3A_432 : i32
    %dma_start3A_435 = arith.constant 0 : i32
    %dma_start3A_436 = arith.constant 0 : i32
    %dma_start3A_437 = tpu.memref_slice %arg3[%add3A_432, %dma_start3A_435, %dma_start3A_436] : memref<2048x2048x64xf32, #tpu.memory_space<hbm>> -> memref<1x2048x64xf32, #tpu.memory_space<hbm>>
    %dma_start3A_438 = tpu.memref_squeeze %dma_start3A_437 : memref<1x2048x64xf32, #tpu.memory_space<hbm>> -> memref<2048x64xf32, #tpu.memory_space<hbm>>
    %dma_start3A_439 = arith.constant 0 : i32
    %dma_start3A_440 = tpu.memref_slice %arg4[%sub3A_434, %dma_start3A_439] : memref<4096x64xf32, #tpu.memory_space<vmem_shared>> -> memref<2048x64xf32, #tpu.memory_space<vmem_shared>>
    tpu.enqueue_dma source(%dma_start3A_440 : memref<2048x64xf32, #tpu.memory_space<vmem_shared>>) target(%dma_start3A_438 : memref<2048x64xf32, #tpu.memory_space<hbm>>) target_semaphore(%arg7 : memref<!tpu.dma_semaphore, #tpu.memory_space<semaphore_mem>>)
    %dma_wait3A_441 = arith.constant 0 : i32
    %dma_wait3A_442 = arith.constant 0 : i32
    %dma_wait3A_443 = tpu.memref_slice %arg3[%add3A_346, %dma_wait3A_441, %dma_wait3A_442] : memref<2048x2048x64xf32, #tpu.memory_space<hbm>> -> memref<1x2048x64xf32, #tpu.memory_space<hbm>>
    %dma_wait3A_444 = tpu.memref_squeeze %dma_wait3A_443 : memref<1x2048x64xf32, #tpu.memory_space<hbm>> -> memref<2048x64xf32, #tpu.memory_space<hbm>>
    %dma_wait3A_445 = arith.constant 0 : i32
    %dma_wait3A_446 = tpu.memref_slice %arg4[%sub3A_348, %dma_wait3A_445] : memref<4096x64xf32, #tpu.memory_space<vmem_shared>> -> memref<2048x64xf32, #tpu.memory_space<vmem_shared>>
    tpu.wait_dma2 semaphore(%arg7 : memref<!tpu.dma_semaphore, #tpu.memory_space<semaphore_mem>>) src(%dma_wait3A_446 : memref<2048x64xf32, #tpu.memory_space<vmem_shared>>) dst(%dma_wait3A_444 : memref<2048x64xf32, #tpu.memory_space<hbm>>)
    %add3A_447 = arith.constant 10 : i32
    %add3A_448 = arith.addi %mul3A_334, %add3A_447 : i32
    %sub3A_449 = arith.constant 2047 : i32
    %sub3A_450 = arith.subi %sub3A_449, %add3A_448 : i32
    %dma_start3A_451 = arith.constant 0 : i32
    %dma_start3A_452 = arith.constant 0 : i32
    %dma_start3A_453 = tpu.memref_slice %arg3[%add3A_448, %dma_start3A_451, %dma_start3A_452] : memref<2048x2048x64xf32, #tpu.memory_space<hbm>> -> memref<1x2048x64xf32, #tpu.memory_space<hbm>>
    %dma_start3A_454 = tpu.memref_squeeze %dma_start3A_453 : memref<1x2048x64xf32, #tpu.memory_space<hbm>> -> memref<2048x64xf32, #tpu.memory_space<hbm>>
    %dma_start3A_455 = arith.constant 0 : i32
    %dma_start3A_456 = tpu.memref_slice %arg4[%sub3A_450, %dma_start3A_455] : memref<4096x64xf32, #tpu.memory_space<vmem_shared>> -> memref<2048x64xf32, #tpu.memory_space<vmem_shared>>
    tpu.enqueue_dma source(%dma_start3A_456 : memref<2048x64xf32, #tpu.memory_space<vmem_shared>>) target(%dma_start3A_454 : memref<2048x64xf32, #tpu.memory_space<hbm>>) target_semaphore(%arg7 : memref<!tpu.dma_semaphore, #tpu.memory_space<semaphore_mem>>)
    %dma_wait3A_457 = arith.constant 0 : i32
    %dma_wait3A_458 = arith.constant 0 : i32
    %dma_wait3A_459 = tpu.memref_slice %arg3[%add3A_356, %dma_wait3A_457, %dma_wait3A_458] : memref<2048x2048x64xf32, #tpu.memory_space<hbm>> -> memref<1x2048x64xf32, #tpu.memory_space<hbm>>
    %dma_wait3A_460 = tpu.memref_squeeze %dma_wait3A_459 : memref<1x2048x64xf32, #tpu.memory_space<hbm>> -> memref<2048x64xf32, #tpu.memory_space<hbm>>
    %dma_wait3A_461 = arith.constant 0 : i32
    %dma_wait3A_462 = tpu.memref_slice %arg4[%sub3A_358, %dma_wait3A_461] : memref<4096x64xf32, #tpu.memory_space<vmem_shared>> -> memref<2048x64xf32, #tpu.memory_space<vmem_shared>>
    tpu.wait_dma2 semaphore(%arg7 : memref<!tpu.dma_semaphore, #tpu.memory_space<semaphore_mem>>) src(%dma_wait3A_462 : memref<2048x64xf32, #tpu.memory_space<vmem_shared>>) dst(%dma_wait3A_460 : memref<2048x64xf32, #tpu.memory_space<hbm>>)
    %add3A_463 = arith.constant 11 : i32
    %add3A_464 = arith.addi %mul3A_334, %add3A_463 : i32
    %sub3A_465 = arith.constant 2047 : i32
    %sub3A_466 = arith.subi %sub3A_465, %add3A_464 : i32
    %dma_start3A_467 = arith.constant 0 : i32
    %dma_start3A_468 = arith.constant 0 : i32
    %dma_start3A_469 = tpu.memref_slice %arg3[%add3A_464, %dma_start3A_467, %dma_start3A_468] : memref<2048x2048x64xf32, #tpu.memory_space<hbm>> -> memref<1x2048x64xf32, #tpu.memory_space<hbm>>
    %dma_start3A_470 = tpu.memref_squeeze %dma_start3A_469 : memref<1x2048x64xf32, #tpu.memory_space<hbm>> -> memref<2048x64xf32, #tpu.memory_space<hbm>>
    %dma_start3A_471 = arith.constant 0 : i32
    %dma_start3A_472 = tpu.memref_slice %arg4[%sub3A_466, %dma_start3A_471] : memref<4096x64xf32, #tpu.memory_space<vmem_shared>> -> memref<2048x64xf32, #tpu.memory_space<vmem_shared>>
    tpu.enqueue_dma source(%dma_start3A_472 : memref<2048x64xf32, #tpu.memory_space<vmem_shared>>) target(%dma_start3A_470 : memref<2048x64xf32, #tpu.memory_space<hbm>>) target_semaphore(%arg7 : memref<!tpu.dma_semaphore, #tpu.memory_space<semaphore_mem>>)
    %dma_wait3A_473 = arith.constant 0 : i32
    %dma_wait3A_474 = arith.constant 0 : i32
    %dma_wait3A_475 = tpu.memref_slice %arg3[%add3A_366, %dma_wait3A_473, %dma_wait3A_474] : memref<2048x2048x64xf32, #tpu.memory_space<hbm>> -> memref<1x2048x64xf32, #tpu.memory_space<hbm>>
    %dma_wait3A_476 = tpu.memref_squeeze %dma_wait3A_475 : memref<1x2048x64xf32, #tpu.memory_space<hbm>> -> memref<2048x64xf32, #tpu.memory_space<hbm>>
    %dma_wait3A_477 = arith.constant 0 : i32
    %dma_wait3A_478 = tpu.memref_slice %arg4[%sub3A_368, %dma_wait3A_477] : memref<4096x64xf32, #tpu.memory_space<vmem_shared>> -> memref<2048x64xf32, #tpu.memory_space<vmem_shared>>
    tpu.wait_dma2 semaphore(%arg7 : memref<!tpu.dma_semaphore, #tpu.memory_space<semaphore_mem>>) src(%dma_wait3A_478 : memref<2048x64xf32, #tpu.memory_space<vmem_shared>>) dst(%dma_wait3A_476 : memref<2048x64xf32, #tpu.memory_space<hbm>>)
    %add3A_479 = arith.constant 12 : i32
    %add3A_480 = arith.addi %mul3A_334, %add3A_479 : i32
    %sub3A_481 = arith.constant 2047 : i32
    %sub3A_482 = arith.subi %sub3A_481, %add3A_480 : i32
    %dma_start3A_483 = arith.constant 0 : i32
    %dma_start3A_484 = arith.constant 0 : i32
    %dma_start3A_485 = tpu.memref_slice %arg3[%add3A_480, %dma_start3A_483, %dma_start3A_484] : memref<2048x2048x64xf32, #tpu.memory_space<hbm>> -> memref<1x2048x64xf32, #tpu.memory_space<hbm>>
    %dma_start3A_486 = tpu.memref_squeeze %dma_start3A_485 : memref<1x2048x64xf32, #tpu.memory_space<hbm>> -> memref<2048x64xf32, #tpu.memory_space<hbm>>
    %dma_start3A_487 = arith.constant 0 : i32
    %dma_start3A_488 = tpu.memref_slice %arg4[%sub3A_482, %dma_start3A_487] : memref<4096x64xf32, #tpu.memory_space<vmem_shared>> -> memref<2048x64xf32, #tpu.memory_space<vmem_shared>>
    tpu.enqueue_dma source(%dma_start3A_488 : memref<2048x64xf32, #tpu.memory_space<vmem_shared>>) target(%dma_start3A_486 : memref<2048x64xf32, #tpu.memory_space<hbm>>) target_semaphore(%arg7 : memref<!tpu.dma_semaphore, #tpu.memory_space<semaphore_mem>>)
    %dma_wait3A_489 = arith.constant 0 : i32
    %dma_wait3A_490 = arith.constant 0 : i32
    %dma_wait3A_491 = tpu.memref_slice %arg3[%add3A_376, %dma_wait3A_489, %dma_wait3A_490] : memref<2048x2048x64xf32, #tpu.memory_space<hbm>> -> memref<1x2048x64xf32, #tpu.memory_space<hbm>>
    %dma_wait3A_492 = tpu.memref_squeeze %dma_wait3A_491 : memref<1x2048x64xf32, #tpu.memory_space<hbm>> -> memref<2048x64xf32, #tpu.memory_space<hbm>>
    %dma_wait3A_493 = arith.constant 0 : i32
    %dma_wait3A_494 = tpu.memref_slice %arg4[%sub3A_378, %dma_wait3A_493] : memref<4096x64xf32, #tpu.memory_space<vmem_shared>> -> memref<2048x64xf32, #tpu.memory_space<vmem_shared>>
    tpu.wait_dma2 semaphore(%arg7 : memref<!tpu.dma_semaphore, #tpu.memory_space<semaphore_mem>>) src(%dma_wait3A_494 : memref<2048x64xf32, #tpu.memory_space<vmem_shared>>) dst(%dma_wait3A_492 : memref<2048x64xf32, #tpu.memory_space<hbm>>)
    %add3A_495 = arith.constant 13 : i32
    %add3A_496 = arith.addi %mul3A_334, %add3A_495 : i32
    %sub3A_497 = arith.constant 2047 : i32
    %sub3A_498 = arith.subi %sub3A_497, %add3A_496 : i32
    %dma_start3A_499 = arith.constant 0 : i32
    %dma_start3A_500 = arith.constant 0 : i32
    %dma_start3A_501 = tpu.memref_slice %arg3[%add3A_496, %dma_start3A_499, %dma_start3A_500] : memref<2048x2048x64xf32, #tpu.memory_space<hbm>> -> memref<1x2048x64xf32, #tpu.memory_space<hbm>>
    %dma_start3A_502 = tpu.memref_squeeze %dma_start3A_501 : memref<1x2048x64xf32, #tpu.memory_space<hbm>> -> memref<2048x64xf32, #tpu.memory_space<hbm>>
    %dma_start3A_503 = arith.constant 0 : i32
    %dma_start3A_504 = tpu.memref_slice %arg4[%sub3A_498, %dma_start3A_503] : memref<4096x64xf32, #tpu.memory_space<vmem_shared>> -> memref<2048x64xf32, #tpu.memory_space<vmem_shared>>
    tpu.enqueue_dma source(%dma_start3A_504 : memref<2048x64xf32, #tpu.memory_space<vmem_shared>>) target(%dma_start3A_502 : memref<2048x64xf32, #tpu.memory_space<hbm>>) target_semaphore(%arg7 : memref<!tpu.dma_semaphore, #tpu.memory_space<semaphore_mem>>)
    %dma_wait3A_505 = arith.constant 0 : i32
    %dma_wait3A_506 = arith.constant 0 : i32
    %dma_wait3A_507 = tpu.memref_slice %arg3[%add3A_386, %dma_wait3A_505, %dma_wait3A_506] : memref<2048x2048x64xf32, #tpu.memory_space<hbm>> -> memref<1x2048x64xf32, #tpu.memory_space<hbm>>
    %dma_wait3A_508 = tpu.memref_squeeze %dma_wait3A_507 : memref<1x2048x64xf32, #tpu.memory_space<hbm>> -> memref<2048x64xf32, #tpu.memory_space<hbm>>
    %dma_wait3A_509 = arith.constant 0 : i32
    %dma_wait3A_510 = tpu.memref_slice %arg4[%sub3A_388, %dma_wait3A_509] : memref<4096x64xf32, #tpu.memory_space<vmem_shared>> -> memref<2048x64xf32, #tpu.memory_space<vmem_shared>>
    tpu.wait_dma2 semaphore(%arg7 : memref<!tpu.dma_semaphore, #tpu.memory_space<semaphore_mem>>) src(%dma_wait3A_510 : memref<2048x64xf32, #tpu.memory_space<vmem_shared>>) dst(%dma_wait3A_508 : memref<2048x64xf32, #tpu.memory_space<hbm>>)
    %add3A_511 = arith.constant 14 : i32
    %add3A_512 = arith.addi %mul3A_334, %add3A_511 : i32
    %sub3A_513 = arith.constant 2047 : i32
    %sub3A_514 = arith.subi %sub3A_513, %add3A_512 : i32
    %dma_start3A_515 = arith.constant 0 : i32
    %dma_start3A_516 = arith.constant 0 : i32
    %dma_start3A_517 = tpu.memref_slice %arg3[%add3A_512, %dma_start3A_515, %dma_start3A_516] : memref<2048x2048x64xf32, #tpu.memory_space<hbm>> -> memref<1x2048x64xf32, #tpu.memory_space<hbm>>
    %dma_start3A_518 = tpu.memref_squeeze %dma_start3A_517 : memref<1x2048x64xf32, #tpu.memory_space<hbm>> -> memref<2048x64xf32, #tpu.memory_space<hbm>>
    %dma_start3A_519 = arith.constant 0 : i32
    %dma_start3A_520 = tpu.memref_slice %arg4[%sub3A_514, %dma_start3A_519] : memref<4096x64xf32, #tpu.memory_space<vmem_shared>> -> memref<2048x64xf32, #tpu.memory_space<vmem_shared>>
    tpu.enqueue_dma source(%dma_start3A_520 : memref<2048x64xf32, #tpu.memory_space<vmem_shared>>) target(%dma_start3A_518 : memref<2048x64xf32, #tpu.memory_space<hbm>>) target_semaphore(%arg7 : memref<!tpu.dma_semaphore, #tpu.memory_space<semaphore_mem>>)
    %dma_wait3A_521 = arith.constant 0 : i32
    %dma_wait3A_522 = arith.constant 0 : i32
    %dma_wait3A_523 = tpu.memref_slice %arg3[%add3A_396, %dma_wait3A_521, %dma_wait3A_522] : memref<2048x2048x64xf32, #tpu.memory_space<hbm>> -> memref<1x2048x64xf32, #tpu.memory_space<hbm>>
    %dma_wait3A_524 = tpu.memref_squeeze %dma_wait3A_523 : memref<1x2048x64xf32, #tpu.memory_space<hbm>> -> memref<2048x64xf32, #tpu.memory_space<hbm>>
    %dma_wait3A_525 = arith.constant 0 : i32
    %dma_wait3A_526 = tpu.memref_slice %arg4[%sub3A_398, %dma_wait3A_525] : memref<4096x64xf32, #tpu.memory_space<vmem_shared>> -> memref<2048x64xf32, #tpu.memory_space<vmem_shared>>
    tpu.wait_dma2 semaphore(%arg7 : memref<!tpu.dma_semaphore, #tpu.memory_space<semaphore_mem>>) src(%dma_wait3A_526 : memref<2048x64xf32, #tpu.memory_space<vmem_shared>>) dst(%dma_wait3A_524 : memref<2048x64xf32, #tpu.memory_space<hbm>>)
    %add3A_527 = arith.constant 15 : i32
    %add3A_528 = arith.addi %mul3A_334, %add3A_527 : i32
    %sub3A_529 = arith.constant 2047 : i32
    %sub3A_530 = arith.subi %sub3A_529, %add3A_528 : i32
    %dma_start3A_531 = arith.constant 0 : i32
    %dma_start3A_532 = arith.constant 0 : i32
    %dma_start3A_533 = tpu.memref_slice %arg3[%add3A_528, %dma_start3A_531, %dma_start3A_532] : memref<2048x2048x64xf32, #tpu.memory_space<hbm>> -> memref<1x2048x64xf32, #tpu.memory_space<hbm>>
    %dma_start3A_534 = tpu.memref_squeeze %dma_start3A_533 : memref<1x2048x64xf32, #tpu.memory_space<hbm>> -> memref<2048x64xf32, #tpu.memory_space<hbm>>
    %dma_start3A_535 = arith.constant 0 : i32
    %dma_start3A_536 = tpu.memref_slice %arg4[%sub3A_530, %dma_start3A_535] : memref<4096x64xf32, #tpu.memory_space<vmem_shared>> -> memref<2048x64xf32, #tpu.memory_space<vmem_shared>>
    tpu.enqueue_dma source(%dma_start3A_536 : memref<2048x64xf32, #tpu.memory_space<vmem_shared>>) target(%dma_start3A_534 : memref<2048x64xf32, #tpu.memory_space<hbm>>) target_semaphore(%arg7 : memref<!tpu.dma_semaphore, #tpu.memory_space<semaphore_mem>>)
    %dma_wait3A_537 = arith.constant 0 : i32
    %dma_wait3A_538 = arith.constant 0 : i32
    %dma_wait3A_539 = tpu.memref_slice %arg3[%add3A_406, %dma_wait3A_537, %dma_wait3A_538] : memref<2048x2048x64xf32, #tpu.memory_space<hbm>> -> memref<1x2048x64xf32, #tpu.memory_space<hbm>>
    %dma_wait3A_540 = tpu.memref_squeeze %dma_wait3A_539 : memref<1x2048x64xf32, #tpu.memory_space<hbm>> -> memref<2048x64xf32, #tpu.memory_space<hbm>>
    %dma_wait3A_541 = arith.constant 0 : i32
    %dma_wait3A_542 = tpu.memref_slice %arg4[%sub3A_408, %dma_wait3A_541] : memref<4096x64xf32, #tpu.memory_space<vmem_shared>> -> memref<2048x64xf32, #tpu.memory_space<vmem_shared>>
    tpu.wait_dma2 semaphore(%arg7 : memref<!tpu.dma_semaphore, #tpu.memory_space<semaphore_mem>>) src(%dma_wait3A_542 : memref<2048x64xf32, #tpu.memory_space<vmem_shared>>) dst(%dma_wait3A_540 : memref<2048x64xf32, #tpu.memory_space<hbm>>)
    %add3A_543 = arith.constant 16 : i32
    %add3A_544 = arith.addi %mul3A_334, %add3A_543 : i32
    %sub3A_545 = arith.constant 2047 : i32
    %sub3A_546 = arith.subi %sub3A_545, %add3A_544 : i32
    %dma_start3A_547 = arith.constant 0 : i32
    %dma_start3A_548 = arith.constant 0 : i32
    %dma_start3A_549 = tpu.memref_slice %arg3[%add3A_544, %dma_start3A_547, %dma_start3A_548] : memref<2048x2048x64xf32, #tpu.memory_space<hbm>> -> memref<1x2048x64xf32, #tpu.memory_space<hbm>>
    %dma_start3A_550 = tpu.memref_squeeze %dma_start3A_549 : memref<1x2048x64xf32, #tpu.memory_space<hbm>> -> memref<2048x64xf32, #tpu.memory_space<hbm>>
    %dma_start3A_551 = arith.constant 0 : i32
    %dma_start3A_552 = tpu.memref_slice %arg4[%sub3A_546, %dma_start3A_551] : memref<4096x64xf32, #tpu.memory_space<vmem_shared>> -> memref<2048x64xf32, #tpu.memory_space<vmem_shared>>
    tpu.enqueue_dma source(%dma_start3A_552 : memref<2048x64xf32, #tpu.memory_space<vmem_shared>>) target(%dma_start3A_550 : memref<2048x64xf32, #tpu.memory_space<hbm>>) target_semaphore(%arg7 : memref<!tpu.dma_semaphore, #tpu.memory_space<semaphore_mem>>)
    %dma_wait3A_553 = arith.constant 0 : i32
    %dma_wait3A_554 = arith.constant 0 : i32
    %dma_wait3A_555 = tpu.memref_slice %arg3[%add3A_416, %dma_wait3A_553, %dma_wait3A_554] : memref<2048x2048x64xf32, #tpu.memory_space<hbm>> -> memref<1x2048x64xf32, #tpu.memory_space<hbm>>
    %dma_wait3A_556 = tpu.memref_squeeze %dma_wait3A_555 : memref<1x2048x64xf32, #tpu.memory_space<hbm>> -> memref<2048x64xf32, #tpu.memory_space<hbm>>
    %dma_wait3A_557 = arith.constant 0 : i32
    %dma_wait3A_558 = tpu.memref_slice %arg4[%sub3A_418, %dma_wait3A_557] : memref<4096x64xf32, #tpu.memory_space<vmem_shared>> -> memref<2048x64xf32, #tpu.memory_space<vmem_shared>>
    tpu.wait_dma2 semaphore(%arg7 : memref<!tpu.dma_semaphore, #tpu.memory_space<semaphore_mem>>) src(%dma_wait3A_558 : memref<2048x64xf32, #tpu.memory_space<vmem_shared>>) dst(%dma_wait3A_556 : memref<2048x64xf32, #tpu.memory_space<hbm>>)
    %add3A_559 = arith.constant 17 : i32
    %add3A_560 = arith.addi %mul3A_334, %add3A_559 : i32
    %sub3A_561 = arith.constant 2047 : i32
    %sub3A_562 = arith.subi %sub3A_561, %add3A_560 : i32
    %dma_start3A_563 = arith.constant 0 : i32
    %dma_start3A_564 = arith.constant 0 : i32
    %dma_start3A_565 = tpu.memref_slice %arg3[%add3A_560, %dma_start3A_563, %dma_start3A_564] : memref<2048x2048x64xf32, #tpu.memory_space<hbm>> -> memref<1x2048x64xf32, #tpu.memory_space<hbm>>
    %dma_start3A_566 = tpu.memref_squeeze %dma_start3A_565 : memref<1x2048x64xf32, #tpu.memory_space<hbm>> -> memref<2048x64xf32, #tpu.memory_space<hbm>>
    %dma_start3A_567 = arith.constant 0 : i32
    %dma_start3A_568 = tpu.memref_slice %arg4[%sub3A_562, %dma_start3A_567] : memref<4096x64xf32, #tpu.memory_space<vmem_shared>> -> memref<2048x64xf32, #tpu.memory_space<vmem_shared>>
    tpu.enqueue_dma source(%dma_start3A_568 : memref<2048x64xf32, #tpu.memory_space<vmem_shared>>) target(%dma_start3A_566 : memref<2048x64xf32, #tpu.memory_space<hbm>>) target_semaphore(%arg7 : memref<!tpu.dma_semaphore, #tpu.memory_space<semaphore_mem>>)
    %dma_wait3A_569 = arith.constant 0 : i32
    %dma_wait3A_570 = arith.constant 0 : i32
    %dma_wait3A_571 = tpu.memref_slice %arg3[%add3A_432, %dma_wait3A_569, %dma_wait3A_570] : memref<2048x2048x64xf32, #tpu.memory_space<hbm>> -> memref<1x2048x64xf32, #tpu.memory_space<hbm>>
    %dma_wait3A_572 = tpu.memref_squeeze %dma_wait3A_571 : memref<1x2048x64xf32, #tpu.memory_space<hbm>> -> memref<2048x64xf32, #tpu.memory_space<hbm>>
    %dma_wait3A_573 = arith.constant 0 : i32
    %dma_wait3A_574 = tpu.memref_slice %arg4[%sub3A_434, %dma_wait3A_573] : memref<4096x64xf32, #tpu.memory_space<vmem_shared>> -> memref<2048x64xf32, #tpu.memory_space<vmem_shared>>
    tpu.wait_dma2 semaphore(%arg7 : memref<!tpu.dma_semaphore, #tpu.memory_space<semaphore_mem>>) src(%dma_wait3A_574 : memref<2048x64xf32, #tpu.memory_space<vmem_shared>>) dst(%dma_wait3A_572 : memref<2048x64xf32, #tpu.memory_space<hbm>>)
    %add3A_575 = arith.constant 18 : i32
    %add3A_576 = arith.addi %mul3A_334, %add3A_575 : i32
    %sub3A_577 = arith.constant 2047 : i32
    %sub3A_578 = arith.subi %sub3A_577, %add3A_576 : i32
    %dma_start3A_579 = arith.constant 0 : i32
    %dma_start3A_580 = arith.constant 0 : i32
    %dma_start3A_581 = tpu.memref_slice %arg3[%add3A_576, %dma_start3A_579, %dma_start3A_580] : memref<2048x2048x64xf32, #tpu.memory_space<hbm>> -> memref<1x2048x64xf32, #tpu.memory_space<hbm>>
    %dma_start3A_582 = tpu.memref_squeeze %dma_start3A_581 : memref<1x2048x64xf32, #tpu.memory_space<hbm>> -> memref<2048x64xf32, #tpu.memory_space<hbm>>
    %dma_start3A_583 = arith.constant 0 : i32
    %dma_start3A_584 = tpu.memref_slice %arg4[%sub3A_578, %dma_start3A_583] : memref<4096x64xf32, #tpu.memory_space<vmem_shared>> -> memref<2048x64xf32, #tpu.memory_space<vmem_shared>>
    tpu.enqueue_dma source(%dma_start3A_584 : memref<2048x64xf32, #tpu.memory_space<vmem_shared>>) target(%dma_start3A_582 : memref<2048x64xf32, #tpu.memory_space<hbm>>) target_semaphore(%arg7 : memref<!tpu.dma_semaphore, #tpu.memory_space<semaphore_mem>>)
    %dma_wait3A_585 = arith.constant 0 : i32
    %dma_wait3A_586 = arith.constant 0 : i32
    %dma_wait3A_587 = tpu.memref_slice %arg3[%add3A_448, %dma_wait3A_585, %dma_wait3A_586] : memref<2048x2048x64xf32, #tpu.memory_space<hbm>> -> memref<1x2048x64xf32, #tpu.memory_space<hbm>>
    %dma_wait3A_588 = tpu.memref_squeeze %dma_wait3A_587 : memref<1x2048x64xf32, #tpu.memory_space<hbm>> -> memref<2048x64xf32, #tpu.memory_space<hbm>>
    %dma_wait3A_589 = arith.constant 0 : i32
    %dma_wait3A_590 = tpu.memref_slice %arg4[%sub3A_450, %dma_wait3A_589] : memref<4096x64xf32, #tpu.memory_space<vmem_shared>> -> memref<2048x64xf32, #tpu.memory_space<vmem_shared>>
    tpu.wait_dma2 semaphore(%arg7 : memref<!tpu.dma_semaphore, #tpu.memory_space<semaphore_mem>>) src(%dma_wait3A_590 : memref<2048x64xf32, #tpu.memory_space<vmem_shared>>) dst(%dma_wait3A_588 : memref<2048x64xf32, #tpu.memory_space<hbm>>)
    %add3A_591 = arith.constant 19 : i32
    %add3A_592 = arith.addi %mul3A_334, %add3A_591 : i32
    %sub3A_593 = arith.constant 2047 : i32
    %sub3A_594 = arith.subi %sub3A_593, %add3A_592 : i32
    %dma_start3A_595 = arith.constant 0 : i32
    %dma_start3A_596 = arith.constant 0 : i32
    %dma_start3A_597 = tpu.memref_slice %arg3[%add3A_592, %dma_start3A_595, %dma_start3A_596] : memref<2048x2048x64xf32, #tpu.memory_space<hbm>> -> memref<1x2048x64xf32, #tpu.memory_space<hbm>>
    %dma_start3A_598 = tpu.memref_squeeze %dma_start3A_597 : memref<1x2048x64xf32, #tpu.memory_space<hbm>> -> memref<2048x64xf32, #tpu.memory_space<hbm>>
    %dma_start3A_599 = arith.constant 0 : i32
    %dma_start3A_600 = tpu.memref_slice %arg4[%sub3A_594, %dma_start3A_599] : memref<4096x64xf32, #tpu.memory_space<vmem_shared>> -> memref<2048x64xf32, #tpu.memory_space<vmem_shared>>
    tpu.enqueue_dma source(%dma_start3A_600 : memref<2048x64xf32, #tpu.memory_space<vmem_shared>>) target(%dma_start3A_598 : memref<2048x64xf32, #tpu.memory_space<hbm>>) target_semaphore(%arg7 : memref<!tpu.dma_semaphore, #tpu.memory_space<semaphore_mem>>)
    %dma_wait3A_601 = arith.constant 0 : i32
    %dma_wait3A_602 = arith.constant 0 : i32
    %dma_wait3A_603 = tpu.memref_slice %arg3[%add3A_464, %dma_wait3A_601, %dma_wait3A_602] : memref<2048x2048x64xf32, #tpu.memory_space<hbm>> -> memref<1x2048x64xf32, #tpu.memory_space<hbm>>
    %dma_wait3A_604 = tpu.memref_squeeze %dma_wait3A_603 : memref<1x2048x64xf32, #tpu.memory_space<hbm>> -> memref<2048x64xf32, #tpu.memory_space<hbm>>
    %dma_wait3A_605 = arith.constant 0 : i32
    %dma_wait3A_606 = tpu.memref_slice %arg4[%sub3A_466, %dma_wait3A_605] : memref<4096x64xf32, #tpu.memory_space<vmem_shared>> -> memref<2048x64xf32, #tpu.memory_space<vmem_shared>>
    tpu.wait_dma2 semaphore(%arg7 : memref<!tpu.dma_semaphore, #tpu.memory_space<semaphore_mem>>) src(%dma_wait3A_606 : memref<2048x64xf32, #tpu.memory_space<vmem_shared>>) dst(%dma_wait3A_604 : memref<2048x64xf32, #tpu.memory_space<hbm>>)
    %add3A_607 = arith.constant 20 : i32
    %add3A_608 = arith.addi %mul3A_334, %add3A_607 : i32
    %sub3A_609 = arith.constant 2047 : i32
    %sub3A_610 = arith.subi %sub3A_609, %add3A_608 : i32
    %dma_start3A_611 = arith.constant 0 : i32
    %dma_start3A_612 = arith.constant 0 : i32
    %dma_start3A_613 = tpu.memref_slice %arg3[%add3A_608, %dma_start3A_611, %dma_start3A_612] : memref<2048x2048x64xf32, #tpu.memory_space<hbm>> -> memref<1x2048x64xf32, #tpu.memory_space<hbm>>
    %dma_start3A_614 = tpu.memref_squeeze %dma_start3A_613 : memref<1x2048x64xf32, #tpu.memory_space<hbm>> -> memref<2048x64xf32, #tpu.memory_space<hbm>>
    %dma_start3A_615 = arith.constant 0 : i32
    %dma_start3A_616 = tpu.memref_slice %arg4[%sub3A_610, %dma_start3A_615] : memref<4096x64xf32, #tpu.memory_space<vmem_shared>> -> memref<2048x64xf32, #tpu.memory_space<vmem_shared>>
    tpu.enqueue_dma source(%dma_start3A_616 : memref<2048x64xf32, #tpu.memory_space<vmem_shared>>) target(%dma_start3A_614 : memref<2048x64xf32, #tpu.memory_space<hbm>>) target_semaphore(%arg7 : memref<!tpu.dma_semaphore, #tpu.memory_space<semaphore_mem>>)
    %dma_wait3A_617 = arith.constant 0 : i32
    %dma_wait3A_618 = arith.constant 0 : i32
    %dma_wait3A_619 = tpu.memref_slice %arg3[%add3A_480, %dma_wait3A_617, %dma_wait3A_618] : memref<2048x2048x64xf32, #tpu.memory_space<hbm>> -> memref<1x2048x64xf32, #tpu.memory_space<hbm>>
    %dma_wait3A_620 = tpu.memref_squeeze %dma_wait3A_619 : memref<1x2048x64xf32, #tpu.memory_space<hbm>> -> memref<2048x64xf32, #tpu.memory_space<hbm>>
    %dma_wait3A_621 = arith.constant 0 : i32
    %dma_wait3A_622 = tpu.memref_slice %arg4[%sub3A_482, %dma_wait3A_621] : memref<4096x64xf32, #tpu.memory_space<vmem_shared>> -> memref<2048x64xf32, #tpu.memory_space<vmem_shared>>
    tpu.wait_dma2 semaphore(%arg7 : memref<!tpu.dma_semaphore, #tpu.memory_space<semaphore_mem>>) src(%dma_wait3A_622 : memref<2048x64xf32, #tpu.memory_space<vmem_shared>>) dst(%dma_wait3A_620 : memref<2048x64xf32, #tpu.memory_space<hbm>>)
    %add3A_623 = arith.constant 21 : i32
    %add3A_624 = arith.addi %mul3A_334, %add3A_623 : i32
    %sub3A_625 = arith.constant 2047 : i32
    %sub3A_626 = arith.subi %sub3A_625, %add3A_624 : i32
    %dma_start3A_627 = arith.constant 0 : i32
    %dma_start3A_628 = arith.constant 0 : i32
    %dma_start3A_629 = tpu.memref_slice %arg3[%add3A_624, %dma_start3A_627, %dma_start3A_628] : memref<2048x2048x64xf32, #tpu.memory_space<hbm>> -> memref<1x2048x64xf32, #tpu.memory_space<hbm>>
    %dma_start3A_630 = tpu.memref_squeeze %dma_start3A_629 : memref<1x2048x64xf32, #tpu.memory_space<hbm>> -> memref<2048x64xf32, #tpu.memory_space<hbm>>
    %dma_start3A_631 = arith.constant 0 : i32
    %dma_start3A_632 = tpu.memref_slice %arg4[%sub3A_626, %dma_start3A_631] : memref<4096x64xf32, #tpu.memory_space<vmem_shared>> -> memref<2048x64xf32, #tpu.memory_space<vmem_shared>>
    tpu.enqueue_dma source(%dma_start3A_632 : memref<2048x64xf32, #tpu.memory_space<vmem_shared>>) target(%dma_start3A_630 : memref<2048x64xf32, #tpu.memory_space<hbm>>) target_semaphore(%arg7 : memref<!tpu.dma_semaphore, #tpu.memory_space<semaphore_mem>>)
    %dma_wait3A_633 = arith.constant 0 : i32
    %dma_wait3A_634 = arith.constant 0 : i32
    %dma_wait3A_635 = tpu.memref_slice %arg3[%add3A_496, %dma_wait3A_633, %dma_wait3A_634] : memref<2048x2048x64xf32, #tpu.memory_space<hbm>> -> memref<1x2048x64xf32, #tpu.memory_space<hbm>>
    %dma_wait3A_636 = tpu.memref_squeeze %dma_wait3A_635 : memref<1x2048x64xf32, #tpu.memory_space<hbm>> -> memref<2048x64xf32, #tpu.memory_space<hbm>>
    %dma_wait3A_637 = arith.constant 0 : i32
    %dma_wait3A_638 = tpu.memref_slice %arg4[%sub3A_498, %dma_wait3A_637] : memref<4096x64xf32, #tpu.memory_space<vmem_shared>> -> memref<2048x64xf32, #tpu.memory_space<vmem_shared>>
    tpu.wait_dma2 semaphore(%arg7 : memref<!tpu.dma_semaphore, #tpu.memory_space<semaphore_mem>>) src(%dma_wait3A_638 : memref<2048x64xf32, #tpu.memory_space<vmem_shared>>) dst(%dma_wait3A_636 : memref<2048x64xf32, #tpu.memory_space<hbm>>)
    %add3A_639 = arith.constant 22 : i32
    %add3A_640 = arith.addi %mul3A_334, %add3A_639 : i32
    %sub3A_641 = arith.constant 2047 : i32
    %sub3A_642 = arith.subi %sub3A_641, %add3A_640 : i32
    %dma_start3A_643 = arith.constant 0 : i32
    %dma_start3A_644 = arith.constant 0 : i32
    %dma_start3A_645 = tpu.memref_slice %arg3[%add3A_640, %dma_start3A_643, %dma_start3A_644] : memref<2048x2048x64xf32, #tpu.memory_space<hbm>> -> memref<1x2048x64xf32, #tpu.memory_space<hbm>>
    %dma_start3A_646 = tpu.memref_squeeze %dma_start3A_645 : memref<1x2048x64xf32, #tpu.memory_space<hbm>> -> memref<2048x64xf32, #tpu.memory_space<hbm>>
    %dma_start3A_647 = arith.constant 0 : i32
    %dma_start3A_648 = tpu.memref_slice %arg4[%sub3A_642, %dma_start3A_647] : memref<4096x64xf32, #tpu.memory_space<vmem_shared>> -> memref<2048x64xf32, #tpu.memory_space<vmem_shared>>
    tpu.enqueue_dma source(%dma_start3A_648 : memref<2048x64xf32, #tpu.memory_space<vmem_shared>>) target(%dma_start3A_646 : memref<2048x64xf32, #tpu.memory_space<hbm>>) target_semaphore(%arg7 : memref<!tpu.dma_semaphore, #tpu.memory_space<semaphore_mem>>)
    %dma_wait3A_649 = arith.constant 0 : i32
    %dma_wait3A_650 = arith.constant 0 : i32
    %dma_wait3A_651 = tpu.memref_slice %arg3[%add3A_512, %dma_wait3A_649, %dma_wait3A_650] : memref<2048x2048x64xf32, #tpu.memory_space<hbm>> -> memref<1x2048x64xf32, #tpu.memory_space<hbm>>
    %dma_wait3A_652 = tpu.memref_squeeze %dma_wait3A_651 : memref<1x2048x64xf32, #tpu.memory_space<hbm>> -> memref<2048x64xf32, #tpu.memory_space<hbm>>
    %dma_wait3A_653 = arith.constant 0 : i32
    %dma_wait3A_654 = tpu.memref_slice %arg4[%sub3A_514, %dma_wait3A_653] : memref<4096x64xf32, #tpu.memory_space<vmem_shared>> -> memref<2048x64xf32, #tpu.memory_space<vmem_shared>>
    tpu.wait_dma2 semaphore(%arg7 : memref<!tpu.dma_semaphore, #tpu.memory_space<semaphore_mem>>) src(%dma_wait3A_654 : memref<2048x64xf32, #tpu.memory_space<vmem_shared>>) dst(%dma_wait3A_652 : memref<2048x64xf32, #tpu.memory_space<hbm>>)
    %add3A_655 = arith.constant 23 : i32
    %add3A_656 = arith.addi %mul3A_334, %add3A_655 : i32
    %sub3A_657 = arith.constant 2047 : i32
    %sub3A_658 = arith.subi %sub3A_657, %add3A_656 : i32
    %dma_start3A_659 = arith.constant 0 : i32
    %dma_start3A_660 = arith.constant 0 : i32
    %dma_start3A_661 = tpu.memref_slice %arg3[%add3A_656, %dma_start3A_659, %dma_start3A_660] : memref<2048x2048x64xf32, #tpu.memory_space<hbm>> -> memref<1x2048x64xf32, #tpu.memory_space<hbm>>
    %dma_start3A_662 = tpu.memref_squeeze %dma_start3A_661 : memref<1x2048x64xf32, #tpu.memory_space<hbm>> -> memref<2048x64xf32, #tpu.memory_space<hbm>>
    %dma_start3A_663 = arith.constant 0 : i32
    %dma_start3A_664 = tpu.memref_slice %arg4[%sub3A_658, %dma_start3A_663] : memref<4096x64xf32, #tpu.memory_space<vmem_shared>> -> memref<2048x64xf32, #tpu.memory_space<vmem_shared>>
    tpu.enqueue_dma source(%dma_start3A_664 : memref<2048x64xf32, #tpu.memory_space<vmem_shared>>) target(%dma_start3A_662 : memref<2048x64xf32, #tpu.memory_space<hbm>>) target_semaphore(%arg7 : memref<!tpu.dma_semaphore, #tpu.memory_space<semaphore_mem>>)
    %dma_wait3A_665 = arith.constant 0 : i32
    %dma_wait3A_666 = arith.constant 0 : i32
    %dma_wait3A_667 = tpu.memref_slice %arg3[%add3A_528, %dma_wait3A_665, %dma_wait3A_666] : memref<2048x2048x64xf32, #tpu.memory_space<hbm>> -> memref<1x2048x64xf32, #tpu.memory_space<hbm>>
    %dma_wait3A_668 = tpu.memref_squeeze %dma_wait3A_667 : memref<1x2048x64xf32, #tpu.memory_space<hbm>> -> memref<2048x64xf32, #tpu.memory_space<hbm>>
    %dma_wait3A_669 = arith.constant 0 : i32
    %dma_wait3A_670 = tpu.memref_slice %arg4[%sub3A_530, %dma_wait3A_669] : memref<4096x64xf32, #tpu.memory_space<vmem_shared>> -> memref<2048x64xf32, #tpu.memory_space<vmem_shared>>
    tpu.wait_dma2 semaphore(%arg7 : memref<!tpu.dma_semaphore, #tpu.memory_space<semaphore_mem>>) src(%dma_wait3A_670 : memref<2048x64xf32, #tpu.memory_space<vmem_shared>>) dst(%dma_wait3A_668 : memref<2048x64xf32, #tpu.memory_space<hbm>>)
    %add3A_671 = arith.constant 24 : i32
    %add3A_672 = arith.addi %mul3A_334, %add3A_671 : i32
    %sub3A_673 = arith.constant 2047 : i32
    %sub3A_674 = arith.subi %sub3A_673, %add3A_672 : i32
    %dma_start3A_675 = arith.constant 0 : i32
    %dma_start3A_676 = arith.constant 0 : i32
    %dma_start3A_677 = tpu.memref_slice %arg3[%add3A_672, %dma_start3A_675, %dma_start3A_676] : memref<2048x2048x64xf32, #tpu.memory_space<hbm>> -> memref<1x2048x64xf32, #tpu.memory_space<hbm>>
    %dma_start3A_678 = tpu.memref_squeeze %dma_start3A_677 : memref<1x2048x64xf32, #tpu.memory_space<hbm>> -> memref<2048x64xf32, #tpu.memory_space<hbm>>
    %dma_start3A_679 = arith.constant 0 : i32
    %dma_start3A_680 = tpu.memref_slice %arg4[%sub3A_674, %dma_start3A_679] : memref<4096x64xf32, #tpu.memory_space<vmem_shared>> -> memref<2048x64xf32, #tpu.memory_space<vmem_shared>>
    tpu.enqueue_dma source(%dma_start3A_680 : memref<2048x64xf32, #tpu.memory_space<vmem_shared>>) target(%dma_start3A_678 : memref<2048x64xf32, #tpu.memory_space<hbm>>) target_semaphore(%arg7 : memref<!tpu.dma_semaphore, #tpu.memory_space<semaphore_mem>>)
    %dma_wait3A_681 = arith.constant 0 : i32
    %dma_wait3A_682 = arith.constant 0 : i32
    %dma_wait3A_683 = tpu.memref_slice %arg3[%add3A_544, %dma_wait3A_681, %dma_wait3A_682] : memref<2048x2048x64xf32, #tpu.memory_space<hbm>> -> memref<1x2048x64xf32, #tpu.memory_space<hbm>>
    %dma_wait3A_684 = tpu.memref_squeeze %dma_wait3A_683 : memref<1x2048x64xf32, #tpu.memory_space<hbm>> -> memref<2048x64xf32, #tpu.memory_space<hbm>>
    %dma_wait3A_685 = arith.constant 0 : i32
    %dma_wait3A_686 = tpu.memref_slice %arg4[%sub3A_546, %dma_wait3A_685] : memref<4096x64xf32, #tpu.memory_space<vmem_shared>> -> memref<2048x64xf32, #tpu.memory_space<vmem_shared>>
    tpu.wait_dma2 semaphore(%arg7 : memref<!tpu.dma_semaphore, #tpu.memory_space<semaphore_mem>>) src(%dma_wait3A_686 : memref<2048x64xf32, #tpu.memory_space<vmem_shared>>) dst(%dma_wait3A_684 : memref<2048x64xf32, #tpu.memory_space<hbm>>)
    %add3A_687 = arith.constant 25 : i32
    %add3A_688 = arith.addi %mul3A_334, %add3A_687 : i32
    %sub3A_689 = arith.constant 2047 : i32
    %sub3A_690 = arith.subi %sub3A_689, %add3A_688 : i32
    %dma_start3A_691 = arith.constant 0 : i32
    %dma_start3A_692 = arith.constant 0 : i32
    %dma_start3A_693 = tpu.memref_slice %arg3[%add3A_688, %dma_start3A_691, %dma_start3A_692] : memref<2048x2048x64xf32, #tpu.memory_space<hbm>> -> memref<1x2048x64xf32, #tpu.memory_space<hbm>>
    %dma_start3A_694 = tpu.memref_squeeze %dma_start3A_693 : memref<1x2048x64xf32, #tpu.memory_space<hbm>> -> memref<2048x64xf32, #tpu.memory_space<hbm>>
    %dma_start3A_695 = arith.constant 0 : i32
    %dma_start3A_696 = tpu.memref_slice %arg4[%sub3A_690, %dma_start3A_695] : memref<4096x64xf32, #tpu.memory_space<vmem_shared>> -> memref<2048x64xf32, #tpu.memory_space<vmem_shared>>
    tpu.enqueue_dma source(%dma_start3A_696 : memref<2048x64xf32, #tpu.memory_space<vmem_shared>>) target(%dma_start3A_694 : memref<2048x64xf32, #tpu.memory_space<hbm>>) target_semaphore(%arg7 : memref<!tpu.dma_semaphore, #tpu.memory_space<semaphore_mem>>)
    %dma_wait3A_697 = arith.constant 0 : i32
    %dma_wait3A_698 = arith.constant 0 : i32
    %dma_wait3A_699 = tpu.memref_slice %arg3[%add3A_560, %dma_wait3A_697, %dma_wait3A_698] : memref<2048x2048x64xf32, #tpu.memory_space<hbm>> -> memref<1x2048x64xf32, #tpu.memory_space<hbm>>
    %dma_wait3A_700 = tpu.memref_squeeze %dma_wait3A_699 : memref<1x2048x64xf32, #tpu.memory_space<hbm>> -> memref<2048x64xf32, #tpu.memory_space<hbm>>
    %dma_wait3A_701 = arith.constant 0 : i32
    %dma_wait3A_702 = tpu.memref_slice %arg4[%sub3A_562, %dma_wait3A_701] : memref<4096x64xf32, #tpu.memory_space<vmem_shared>> -> memref<2048x64xf32, #tpu.memory_space<vmem_shared>>
    tpu.wait_dma2 semaphore(%arg7 : memref<!tpu.dma_semaphore, #tpu.memory_space<semaphore_mem>>) src(%dma_wait3A_702 : memref<2048x64xf32, #tpu.memory_space<vmem_shared>>) dst(%dma_wait3A_700 : memref<2048x64xf32, #tpu.memory_space<hbm>>)
    %add3A_703 = arith.constant 26 : i32
    %add3A_704 = arith.addi %mul3A_334, %add3A_703 : i32
    %sub3A_705 = arith.constant 2047 : i32
    %sub3A_706 = arith.subi %sub3A_705, %add3A_704 : i32
    %dma_start3A_707 = arith.constant 0 : i32
    %dma_start3A_708 = arith.constant 0 : i32
    %dma_start3A_709 = tpu.memref_slice %arg3[%add3A_704, %dma_start3A_707, %dma_start3A_708] : memref<2048x2048x64xf32, #tpu.memory_space<hbm>> -> memref<1x2048x64xf32, #tpu.memory_space<hbm>>
    %dma_start3A_710 = tpu.memref_squeeze %dma_start3A_709 : memref<1x2048x64xf32, #tpu.memory_space<hbm>> -> memref<2048x64xf32, #tpu.memory_space<hbm>>
    %dma_start3A_711 = arith.constant 0 : i32
    %dma_start3A_712 = tpu.memref_slice %arg4[%sub3A_706, %dma_start3A_711] : memref<4096x64xf32, #tpu.memory_space<vmem_shared>> -> memref<2048x64xf32, #tpu.memory_space<vmem_shared>>
    tpu.enqueue_dma source(%dma_start3A_712 : memref<2048x64xf32, #tpu.memory_space<vmem_shared>>) target(%dma_start3A_710 : memref<2048x64xf32, #tpu.memory_space<hbm>>) target_semaphore(%arg7 : memref<!tpu.dma_semaphore, #tpu.memory_space<semaphore_mem>>)
    %dma_wait3A_713 = arith.constant 0 : i32
    %dma_wait3A_714 = arith.constant 0 : i32
    %dma_wait3A_715 = tpu.memref_slice %arg3[%add3A_576, %dma_wait3A_713, %dma_wait3A_714] : memref<2048x2048x64xf32, #tpu.memory_space<hbm>> -> memref<1x2048x64xf32, #tpu.memory_space<hbm>>
    %dma_wait3A_716 = tpu.memref_squeeze %dma_wait3A_715 : memref<1x2048x64xf32, #tpu.memory_space<hbm>> -> memref<2048x64xf32, #tpu.memory_space<hbm>>
    %dma_wait3A_717 = arith.constant 0 : i32
    %dma_wait3A_718 = tpu.memref_slice %arg4[%sub3A_578, %dma_wait3A_717] : memref<4096x64xf32, #tpu.memory_space<vmem_shared>> -> memref<2048x64xf32, #tpu.memory_space<vmem_shared>>
    tpu.wait_dma2 semaphore(%arg7 : memref<!tpu.dma_semaphore, #tpu.memory_space<semaphore_mem>>) src(%dma_wait3A_718 : memref<2048x64xf32, #tpu.memory_space<vmem_shared>>) dst(%dma_wait3A_716 : memref<2048x64xf32, #tpu.memory_space<hbm>>)
    %add3A_719 = arith.constant 27 : i32
    %add3A_720 = arith.addi %mul3A_334, %add3A_719 : i32
    %sub3A_721 = arith.constant 2047 : i32
    %sub3A_722 = arith.subi %sub3A_721, %add3A_720 : i32
    %dma_start3A_723 = arith.constant 0 : i32
    %dma_start3A_724 = arith.constant 0 : i32
    %dma_start3A_725 = tpu.memref_slice %arg3[%add3A_720, %dma_start3A_723, %dma_start3A_724] : memref<2048x2048x64xf32, #tpu.memory_space<hbm>> -> memref<1x2048x64xf32, #tpu.memory_space<hbm>>
    %dma_start3A_726 = tpu.memref_squeeze %dma_start3A_725 : memref<1x2048x64xf32, #tpu.memory_space<hbm>> -> memref<2048x64xf32, #tpu.memory_space<hbm>>
    %dma_start3A_727 = arith.constant 0 : i32
    %dma_start3A_728 = tpu.memref_slice %arg4[%sub3A_722, %dma_start3A_727] : memref<4096x64xf32, #tpu.memory_space<vmem_shared>> -> memref<2048x64xf32, #tpu.memory_space<vmem_shared>>
    tpu.enqueue_dma source(%dma_start3A_728 : memref<2048x64xf32, #tpu.memory_space<vmem_shared>>) target(%dma_start3A_726 : memref<2048x64xf32, #tpu.memory_space<hbm>>) target_semaphore(%arg7 : memref<!tpu.dma_semaphore, #tpu.memory_space<semaphore_mem>>)
    %dma_wait3A_729 = arith.constant 0 : i32
    %dma_wait3A_730 = arith.constant 0 : i32
    %dma_wait3A_731 = tpu.memref_slice %arg3[%add3A_592, %dma_wait3A_729, %dma_wait3A_730] : memref<2048x2048x64xf32, #tpu.memory_space<hbm>> -> memref<1x2048x64xf32, #tpu.memory_space<hbm>>
    %dma_wait3A_732 = tpu.memref_squeeze %dma_wait3A_731 : memref<1x2048x64xf32, #tpu.memory_space<hbm>> -> memref<2048x64xf32, #tpu.memory_space<hbm>>
    %dma_wait3A_733 = arith.constant 0 : i32
    %dma_wait3A_734 = tpu.memref_slice %arg4[%sub3A_594, %dma_wait3A_733] : memref<4096x64xf32, #tpu.memory_space<vmem_shared>> -> memref<2048x64xf32, #tpu.memory_space<vmem_shared>>
    tpu.wait_dma2 semaphore(%arg7 : memref<!tpu.dma_semaphore, #tpu.memory_space<semaphore_mem>>) src(%dma_wait3A_734 : memref<2048x64xf32, #tpu.memory_space<vmem_shared>>) dst(%dma_wait3A_732 : memref<2048x64xf32, #tpu.memory_space<hbm>>)
    %add3A_735 = arith.constant 28 : i32
    %add3A_736 = arith.addi %mul3A_334, %add3A_735 : i32
    %sub3A_737 = arith.constant 2047 : i32
    %sub3A_738 = arith.subi %sub3A_737, %add3A_736 : i32
    %dma_start3A_739 = arith.constant 0 : i32
    %dma_start3A_740 = arith.constant 0 : i32
    %dma_start3A_741 = tpu.memref_slice %arg3[%add3A_736, %dma_start3A_739, %dma_start3A_740] : memref<2048x2048x64xf32, #tpu.memory_space<hbm>> -> memref<1x2048x64xf32, #tpu.memory_space<hbm>>
    %dma_start3A_742 = tpu.memref_squeeze %dma_start3A_741 : memref<1x2048x64xf32, #tpu.memory_space<hbm>> -> memref<2048x64xf32, #tpu.memory_space<hbm>>
    %dma_start3A_743 = arith.constant 0 : i32
    %dma_start3A_744 = tpu.memref_slice %arg4[%sub3A_738, %dma_start3A_743] : memref<4096x64xf32, #tpu.memory_space<vmem_shared>> -> memref<2048x64xf32, #tpu.memory_space<vmem_shared>>
    tpu.enqueue_dma source(%dma_start3A_744 : memref<2048x64xf32, #tpu.memory_space<vmem_shared>>) target(%dma_start3A_742 : memref<2048x64xf32, #tpu.memory_space<hbm>>) target_semaphore(%arg7 : memref<!tpu.dma_semaphore, #tpu.memory_space<semaphore_mem>>)
    %dma_wait3A_745 = arith.constant 0 : i32
    %dma_wait3A_746 = arith.constant 0 : i32
    %dma_wait3A_747 = tpu.memref_slice %arg3[%add3A_608, %dma_wait3A_745, %dma_wait3A_746] : memref<2048x2048x64xf32, #tpu.memory_space<hbm>> -> memref<1x2048x64xf32, #tpu.memory_space<hbm>>
    %dma_wait3A_748 = tpu.memref_squeeze %dma_wait3A_747 : memref<1x2048x64xf32, #tpu.memory_space<hbm>> -> memref<2048x64xf32, #tpu.memory_space<hbm>>
    %dma_wait3A_749 = arith.constant 0 : i32
    %dma_wait3A_750 = tpu.memref_slice %arg4[%sub3A_610, %dma_wait3A_749] : memref<4096x64xf32, #tpu.memory_space<vmem_shared>> -> memref<2048x64xf32, #tpu.memory_space<vmem_shared>>
    tpu.wait_dma2 semaphore(%arg7 : memref<!tpu.dma_semaphore, #tpu.memory_space<semaphore_mem>>) src(%dma_wait3A_750 : memref<2048x64xf32, #tpu.memory_space<vmem_shared>>) dst(%dma_wait3A_748 : memref<2048x64xf32, #tpu.memory_space<hbm>>)
    %add3A_751 = arith.constant 29 : i32
    %add3A_752 = arith.addi %mul3A_334, %add3A_751 : i32
    %sub3A_753 = arith.constant 2047 : i32
    %sub3A_754 = arith.subi %sub3A_753, %add3A_752 : i32
    %dma_start3A_755 = arith.constant 0 : i32
    %dma_start3A_756 = arith.constant 0 : i32
    %dma_start3A_757 = tpu.memref_slice %arg3[%add3A_752, %dma_start3A_755, %dma_start3A_756] : memref<2048x2048x64xf32, #tpu.memory_space<hbm>> -> memref<1x2048x64xf32, #tpu.memory_space<hbm>>
    %dma_start3A_758 = tpu.memref_squeeze %dma_start3A_757 : memref<1x2048x64xf32, #tpu.memory_space<hbm>> -> memref<2048x64xf32, #tpu.memory_space<hbm>>
    %dma_start3A_759 = arith.constant 0 : i32
    %dma_start3A_760 = tpu.memref_slice %arg4[%sub3A_754, %dma_start3A_759] : memref<4096x64xf32, #tpu.memory_space<vmem_shared>> -> memref<2048x64xf32, #tpu.memory_space<vmem_shared>>
    tpu.enqueue_dma source(%dma_start3A_760 : memref<2048x64xf32, #tpu.memory_space<vmem_shared>>) target(%dma_start3A_758 : memref<2048x64xf32, #tpu.memory_space<hbm>>) target_semaphore(%arg7 : memref<!tpu.dma_semaphore, #tpu.memory_space<semaphore_mem>>)
    %dma_wait3A_761 = arith.constant 0 : i32
    %dma_wait3A_762 = arith.constant 0 : i32
    %dma_wait3A_763 = tpu.memref_slice %arg3[%add3A_624, %dma_wait3A_761, %dma_wait3A_762] : memref<2048x2048x64xf32, #tpu.memory_space<hbm>> -> memref<1x2048x64xf32, #tpu.memory_space<hbm>>
    %dma_wait3A_764 = tpu.memref_squeeze %dma_wait3A_763 : memref<1x2048x64xf32, #tpu.memory_space<hbm>> -> memref<2048x64xf32, #tpu.memory_space<hbm>>
    %dma_wait3A_765 = arith.constant 0 : i32
    %dma_wait3A_766 = tpu.memref_slice %arg4[%sub3A_626, %dma_wait3A_765] : memref<4096x64xf32, #tpu.memory_space<vmem_shared>> -> memref<2048x64xf32, #tpu.memory_space<vmem_shared>>
    tpu.wait_dma2 semaphore(%arg7 : memref<!tpu.dma_semaphore, #tpu.memory_space<semaphore_mem>>) src(%dma_wait3A_766 : memref<2048x64xf32, #tpu.memory_space<vmem_shared>>) dst(%dma_wait3A_764 : memref<2048x64xf32, #tpu.memory_space<hbm>>)
    %add3A_767 = arith.constant 30 : i32
    %add3A_768 = arith.addi %mul3A_334, %add3A_767 : i32
    %sub3A_769 = arith.constant 2047 : i32
    %sub3A_770 = arith.subi %sub3A_769, %add3A_768 : i32
    %dma_start3A_771 = arith.constant 0 : i32
    %dma_start3A_772 = arith.constant 0 : i32
    %dma_start3A_773 = tpu.memref_slice %arg3[%add3A_768, %dma_start3A_771, %dma_start3A_772] : memref<2048x2048x64xf32, #tpu.memory_space<hbm>> -> memref<1x2048x64xf32, #tpu.memory_space<hbm>>
    %dma_start3A_774 = tpu.memref_squeeze %dma_start3A_773 : memref<1x2048x64xf32, #tpu.memory_space<hbm>> -> memref<2048x64xf32, #tpu.memory_space<hbm>>
    %dma_start3A_775 = arith.constant 0 : i32
    %dma_start3A_776 = tpu.memref_slice %arg4[%sub3A_770, %dma_start3A_775] : memref<4096x64xf32, #tpu.memory_space<vmem_shared>> -> memref<2048x64xf32, #tpu.memory_space<vmem_shared>>
    tpu.enqueue_dma source(%dma_start3A_776 : memref<2048x64xf32, #tpu.memory_space<vmem_shared>>) target(%dma_start3A_774 : memref<2048x64xf32, #tpu.memory_space<hbm>>) target_semaphore(%arg7 : memref<!tpu.dma_semaphore, #tpu.memory_space<semaphore_mem>>)
    %dma_wait3A_777 = arith.constant 0 : i32
    %dma_wait3A_778 = arith.constant 0 : i32
    %dma_wait3A_779 = tpu.memref_slice %arg3[%add3A_640, %dma_wait3A_777, %dma_wait3A_778] : memref<2048x2048x64xf32, #tpu.memory_space<hbm>> -> memref<1x2048x64xf32, #tpu.memory_space<hbm>>
    %dma_wait3A_780 = tpu.memref_squeeze %dma_wait3A_779 : memref<1x2048x64xf32, #tpu.memory_space<hbm>> -> memref<2048x64xf32, #tpu.memory_space<hbm>>
    %dma_wait3A_781 = arith.constant 0 : i32
    %dma_wait3A_782 = tpu.memref_slice %arg4[%sub3A_642, %dma_wait3A_781] : memref<4096x64xf32, #tpu.memory_space<vmem_shared>> -> memref<2048x64xf32, #tpu.memory_space<vmem_shared>>
    tpu.wait_dma2 semaphore(%arg7 : memref<!tpu.dma_semaphore, #tpu.memory_space<semaphore_mem>>) src(%dma_wait3A_782 : memref<2048x64xf32, #tpu.memory_space<vmem_shared>>) dst(%dma_wait3A_780 : memref<2048x64xf32, #tpu.memory_space<hbm>>)
    %add3A_783 = arith.constant 31 : i32
    %add3A_784 = arith.addi %mul3A_334, %add3A_783 : i32
    %sub3A_785 = arith.constant 2047 : i32
    %sub3A_786 = arith.subi %sub3A_785, %add3A_784 : i32
    %dma_start3A_787 = arith.constant 0 : i32
    %dma_start3A_788 = arith.constant 0 : i32
    %dma_start3A_789 = tpu.memref_slice %arg3[%add3A_784, %dma_start3A_787, %dma_start3A_788] : memref<2048x2048x64xf32, #tpu.memory_space<hbm>> -> memref<1x2048x64xf32, #tpu.memory_space<hbm>>
    %dma_start3A_790 = tpu.memref_squeeze %dma_start3A_789 : memref<1x2048x64xf32, #tpu.memory_space<hbm>> -> memref<2048x64xf32, #tpu.memory_space<hbm>>
    %dma_start3A_791 = arith.constant 0 : i32
    %dma_start3A_792 = tpu.memref_slice %arg4[%sub3A_786, %dma_start3A_791] : memref<4096x64xf32, #tpu.memory_space<vmem_shared>> -> memref<2048x64xf32, #tpu.memory_space<vmem_shared>>
    tpu.enqueue_dma source(%dma_start3A_792 : memref<2048x64xf32, #tpu.memory_space<vmem_shared>>) target(%dma_start3A_790 : memref<2048x64xf32, #tpu.memory_space<hbm>>) target_semaphore(%arg7 : memref<!tpu.dma_semaphore, #tpu.memory_space<semaphore_mem>>)
    %dma_wait3A_793 = arith.constant 0 : i32
    %dma_wait3A_794 = arith.constant 0 : i32
    %dma_wait3A_795 = tpu.memref_slice %arg3[%add3A_656, %dma_wait3A_793, %dma_wait3A_794] : memref<2048x2048x64xf32, #tpu.memory_space<hbm>> -> memref<1x2048x64xf32, #tpu.memory_space<hbm>>
    %dma_wait3A_796 = tpu.memref_squeeze %dma_wait3A_795 : memref<1x2048x64xf32, #tpu.memory_space<hbm>> -> memref<2048x64xf32, #tpu.memory_space<hbm>>
    %dma_wait3A_797 = arith.constant 0 : i32
    %dma_wait3A_798 = tpu.memref_slice %arg4[%sub3A_658, %dma_wait3A_797] : memref<4096x64xf32, #tpu.memory_space<vmem_shared>> -> memref<2048x64xf32, #tpu.memory_space<vmem_shared>>
    tpu.wait_dma2 semaphore(%arg7 : memref<!tpu.dma_semaphore, #tpu.memory_space<semaphore_mem>>) src(%dma_wait3A_798 : memref<2048x64xf32, #tpu.memory_space<vmem_shared>>) dst(%dma_wait3A_796 : memref<2048x64xf32, #tpu.memory_space<hbm>>)
    %add3A_799 = arith.constant 32 : i32
    %add3A_800 = arith.addi %mul3A_334, %add3A_799 : i32
    %sub3A_801 = arith.constant 2047 : i32
    %sub3A_802 = arith.subi %sub3A_801, %add3A_800 : i32
    %dma_start3A_803 = arith.constant 0 : i32
    %dma_start3A_804 = arith.constant 0 : i32
    %dma_start3A_805 = tpu.memref_slice %arg3[%add3A_800, %dma_start3A_803, %dma_start3A_804] : memref<2048x2048x64xf32, #tpu.memory_space<hbm>> -> memref<1x2048x64xf32, #tpu.memory_space<hbm>>
    %dma_start3A_806 = tpu.memref_squeeze %dma_start3A_805 : memref<1x2048x64xf32, #tpu.memory_space<hbm>> -> memref<2048x64xf32, #tpu.memory_space<hbm>>
    %dma_start3A_807 = arith.constant 0 : i32
    %dma_start3A_808 = tpu.memref_slice %arg4[%sub3A_802, %dma_start3A_807] : memref<4096x64xf32, #tpu.memory_space<vmem_shared>> -> memref<2048x64xf32, #tpu.memory_space<vmem_shared>>
    tpu.enqueue_dma source(%dma_start3A_808 : memref<2048x64xf32, #tpu.memory_space<vmem_shared>>) target(%dma_start3A_806 : memref<2048x64xf32, #tpu.memory_space<hbm>>) target_semaphore(%arg7 : memref<!tpu.dma_semaphore, #tpu.memory_space<semaphore_mem>>)
    %dma_wait3A_809 = arith.constant 0 : i32
    %dma_wait3A_810 = arith.constant 0 : i32
    %dma_wait3A_811 = tpu.memref_slice %arg3[%add3A_672, %dma_wait3A_809, %dma_wait3A_810] : memref<2048x2048x64xf32, #tpu.memory_space<hbm>> -> memref<1x2048x64xf32, #tpu.memory_space<hbm>>
    %dma_wait3A_812 = tpu.memref_squeeze %dma_wait3A_811 : memref<1x2048x64xf32, #tpu.memory_space<hbm>> -> memref<2048x64xf32, #tpu.memory_space<hbm>>
    %dma_wait3A_813 = arith.constant 0 : i32
    %dma_wait3A_814 = tpu.memref_slice %arg4[%sub3A_674, %dma_wait3A_813] : memref<4096x64xf32, #tpu.memory_space<vmem_shared>> -> memref<2048x64xf32, #tpu.memory_space<vmem_shared>>
    tpu.wait_dma2 semaphore(%arg7 : memref<!tpu.dma_semaphore, #tpu.memory_space<semaphore_mem>>) src(%dma_wait3A_814 : memref<2048x64xf32, #tpu.memory_space<vmem_shared>>) dst(%dma_wait3A_812 : memref<2048x64xf32, #tpu.memory_space<hbm>>)
    %add3A_815 = arith.constant 33 : i32
    %add3A_816 = arith.addi %mul3A_334, %add3A_815 : i32
    %sub3A_817 = arith.constant 2047 : i32
    %sub3A_818 = arith.subi %sub3A_817, %add3A_816 : i32
    %dma_start3A_819 = arith.constant 0 : i32
    %dma_start3A_820 = arith.constant 0 : i32
    %dma_start3A_821 = tpu.memref_slice %arg3[%add3A_816, %dma_start3A_819, %dma_start3A_820] : memref<2048x2048x64xf32, #tpu.memory_space<hbm>> -> memref<1x2048x64xf32, #tpu.memory_space<hbm>>
    %dma_start3A_822 = tpu.memref_squeeze %dma_start3A_821 : memref<1x2048x64xf32, #tpu.memory_space<hbm>> -> memref<2048x64xf32, #tpu.memory_space<hbm>>
    %dma_start3A_823 = arith.constant 0 : i32
    %dma_start3A_824 = tpu.memref_slice %arg4[%sub3A_818, %dma_start3A_823] : memref<4096x64xf32, #tpu.memory_space<vmem_shared>> -> memref<2048x64xf32, #tpu.memory_space<vmem_shared>>
    tpu.enqueue_dma source(%dma_start3A_824 : memref<2048x64xf32, #tpu.memory_space<vmem_shared>>) target(%dma_start3A_822 : memref<2048x64xf32, #tpu.memory_space<hbm>>) target_semaphore(%arg7 : memref<!tpu.dma_semaphore, #tpu.memory_space<semaphore_mem>>)
    %dma_wait3A_825 = arith.constant 0 : i32
    %dma_wait3A_826 = arith.constant 0 : i32
    %dma_wait3A_827 = tpu.memref_slice %arg3[%add3A_688, %dma_wait3A_825, %dma_wait3A_826] : memref<2048x2048x64xf32, #tpu.memory_space<hbm>> -> memref<1x2048x64xf32, #tpu.memory_space<hbm>>
    %dma_wait3A_828 = tpu.memref_squeeze %dma_wait3A_827 : memref<1x2048x64xf32, #tpu.memory_space<hbm>> -> memref<2048x64xf32, #tpu.memory_space<hbm>>
    %dma_wait3A_829 = arith.constant 0 : i32
    %dma_wait3A_830 = tpu.memref_slice %arg4[%sub3A_690, %dma_wait3A_829] : memref<4096x64xf32, #tpu.memory_space<vmem_shared>> -> memref<2048x64xf32, #tpu.memory_space<vmem_shared>>
    tpu.wait_dma2 semaphore(%arg7 : memref<!tpu.dma_semaphore, #tpu.memory_space<semaphore_mem>>) src(%dma_wait3A_830 : memref<2048x64xf32, #tpu.memory_space<vmem_shared>>) dst(%dma_wait3A_828 : memref<2048x64xf32, #tpu.memory_space<hbm>>)
    %add3A_831 = arith.constant 34 : i32
    %add3A_832 = arith.addi %mul3A_334, %add3A_831 : i32
    %sub3A_833 = arith.constant 2047 : i32
    %sub3A_834 = arith.subi %sub3A_833, %add3A_832 : i32
    %dma_start3A_835 = arith.constant 0 : i32
    %dma_start3A_836 = arith.constant 0 : i32
    %dma_start3A_837 = tpu.memref_slice %arg3[%add3A_832, %dma_start3A_835, %dma_start3A_836] : memref<2048x2048x64xf32, #tpu.memory_space<hbm>> -> memref<1x2048x64xf32, #tpu.memory_space<hbm>>
    %dma_start3A_838 = tpu.memref_squeeze %dma_start3A_837 : memref<1x2048x64xf32, #tpu.memory_space<hbm>> -> memref<2048x64xf32, #tpu.memory_space<hbm>>
    %dma_start3A_839 = arith.constant 0 : i32
    %dma_start3A_840 = tpu.memref_slice %arg4[%sub3A_834, %dma_start3A_839] : memref<4096x64xf32, #tpu.memory_space<vmem_shared>> -> memref<2048x64xf32, #tpu.memory_space<vmem_shared>>
    tpu.enqueue_dma source(%dma_start3A_840 : memref<2048x64xf32, #tpu.memory_space<vmem_shared>>) target(%dma_start3A_838 : memref<2048x64xf32, #tpu.memory_space<hbm>>) target_semaphore(%arg7 : memref<!tpu.dma_semaphore, #tpu.memory_space<semaphore_mem>>)
    %dma_wait3A_841 = arith.constant 0 : i32
    %dma_wait3A_842 = arith.constant 0 : i32
    %dma_wait3A_843 = tpu.memref_slice %arg3[%add3A_704, %dma_wait3A_841, %dma_wait3A_842] : memref<2048x2048x64xf32, #tpu.memory_space<hbm>> -> memref<1x2048x64xf32, #tpu.memory_space<hbm>>
    %dma_wait3A_844 = tpu.memref_squeeze %dma_wait3A_843 : memref<1x2048x64xf32, #tpu.memory_space<hbm>> -> memref<2048x64xf32, #tpu.memory_space<hbm>>
    %dma_wait3A_845 = arith.constant 0 : i32
    %dma_wait3A_846 = tpu.memref_slice %arg4[%sub3A_706, %dma_wait3A_845] : memref<4096x64xf32, #tpu.memory_space<vmem_shared>> -> memref<2048x64xf32, #tpu.memory_space<vmem_shared>>
    tpu.wait_dma2 semaphore(%arg7 : memref<!tpu.dma_semaphore, #tpu.memory_space<semaphore_mem>>) src(%dma_wait3A_846 : memref<2048x64xf32, #tpu.memory_space<vmem_shared>>) dst(%dma_wait3A_844 : memref<2048x64xf32, #tpu.memory_space<hbm>>)
    %add3A_847 = arith.constant 35 : i32
    %add3A_848 = arith.addi %mul3A_334, %add3A_847 : i32
    %sub3A_849 = arith.constant 2047 : i32
    %sub3A_850 = arith.subi %sub3A_849, %add3A_848 : i32
    %dma_start3A_851 = arith.constant 0 : i32
    %dma_start3A_852 = arith.constant 0 : i32
    %dma_start3A_853 = tpu.memref_slice %arg3[%add3A_848, %dma_start3A_851, %dma_start3A_852] : memref<2048x2048x64xf32, #tpu.memory_space<hbm>> -> memref<1x2048x64xf32, #tpu.memory_space<hbm>>
    %dma_start3A_854 = tpu.memref_squeeze %dma_start3A_853 : memref<1x2048x64xf32, #tpu.memory_space<hbm>> -> memref<2048x64xf32, #tpu.memory_space<hbm>>
    %dma_start3A_855 = arith.constant 0 : i32
    %dma_start3A_856 = tpu.memref_slice %arg4[%sub3A_850, %dma_start3A_855] : memref<4096x64xf32, #tpu.memory_space<vmem_shared>> -> memref<2048x64xf32, #tpu.memory_space<vmem_shared>>
    tpu.enqueue_dma source(%dma_start3A_856 : memref<2048x64xf32, #tpu.memory_space<vmem_shared>>) target(%dma_start3A_854 : memref<2048x64xf32, #tpu.memory_space<hbm>>) target_semaphore(%arg7 : memref<!tpu.dma_semaphore, #tpu.memory_space<semaphore_mem>>)
    %dma_wait3A_857 = arith.constant 0 : i32
    %dma_wait3A_858 = arith.constant 0 : i32
    %dma_wait3A_859 = tpu.memref_slice %arg3[%add3A_720, %dma_wait3A_857, %dma_wait3A_858] : memref<2048x2048x64xf32, #tpu.memory_space<hbm>> -> memref<1x2048x64xf32, #tpu.memory_space<hbm>>
    %dma_wait3A_860 = tpu.memref_squeeze %dma_wait3A_859 : memref<1x2048x64xf32, #tpu.memory_space<hbm>> -> memref<2048x64xf32, #tpu.memory_space<hbm>>
    %dma_wait3A_861 = arith.constant 0 : i32
    %dma_wait3A_862 = tpu.memref_slice %arg4[%sub3A_722, %dma_wait3A_861] : memref<4096x64xf32, #tpu.memory_space<vmem_shared>> -> memref<2048x64xf32, #tpu.memory_space<vmem_shared>>
    tpu.wait_dma2 semaphore(%arg7 : memref<!tpu.dma_semaphore, #tpu.memory_space<semaphore_mem>>) src(%dma_wait3A_862 : memref<2048x64xf32, #tpu.memory_space<vmem_shared>>) dst(%dma_wait3A_860 : memref<2048x64xf32, #tpu.memory_space<hbm>>)
    %add3A_863 = arith.constant 36 : i32
    %add3A_864 = arith.addi %mul3A_334, %add3A_863 : i32
    %sub3A_865 = arith.constant 2047 : i32
    %sub3A_866 = arith.subi %sub3A_865, %add3A_864 : i32
    %dma_start3A_867 = arith.constant 0 : i32
    %dma_start3A_868 = arith.constant 0 : i32
    %dma_start3A_869 = tpu.memref_slice %arg3[%add3A_864, %dma_start3A_867, %dma_start3A_868] : memref<2048x2048x64xf32, #tpu.memory_space<hbm>> -> memref<1x2048x64xf32, #tpu.memory_space<hbm>>
    %dma_start3A_870 = tpu.memref_squeeze %dma_start3A_869 : memref<1x2048x64xf32, #tpu.memory_space<hbm>> -> memref<2048x64xf32, #tpu.memory_space<hbm>>
    %dma_start3A_871 = arith.constant 0 : i32
    %dma_start3A_872 = tpu.memref_slice %arg4[%sub3A_866, %dma_start3A_871] : memref<4096x64xf32, #tpu.memory_space<vmem_shared>> -> memref<2048x64xf32, #tpu.memory_space<vmem_shared>>
    tpu.enqueue_dma source(%dma_start3A_872 : memref<2048x64xf32, #tpu.memory_space<vmem_shared>>) target(%dma_start3A_870 : memref<2048x64xf32, #tpu.memory_space<hbm>>) target_semaphore(%arg7 : memref<!tpu.dma_semaphore, #tpu.memory_space<semaphore_mem>>)
    %dma_wait3A_873 = arith.constant 0 : i32
    %dma_wait3A_874 = arith.constant 0 : i32
    %dma_wait3A_875 = tpu.memref_slice %arg3[%add3A_736, %dma_wait3A_873, %dma_wait3A_874] : memref<2048x2048x64xf32, #tpu.memory_space<hbm>> -> memref<1x2048x64xf32, #tpu.memory_space<hbm>>
    %dma_wait3A_876 = tpu.memref_squeeze %dma_wait3A_875 : memref<1x2048x64xf32, #tpu.memory_space<hbm>> -> memref<2048x64xf32, #tpu.memory_space<hbm>>
    %dma_wait3A_877 = arith.constant 0 : i32
    %dma_wait3A_878 = tpu.memref_slice %arg4[%sub3A_738, %dma_wait3A_877] : memref<4096x64xf32, #tpu.memory_space<vmem_shared>> -> memref<2048x64xf32, #tpu.memory_space<vmem_shared>>
    tpu.wait_dma2 semaphore(%arg7 : memref<!tpu.dma_semaphore, #tpu.memory_space<semaphore_mem>>) src(%dma_wait3A_878 : memref<2048x64xf32, #tpu.memory_space<vmem_shared>>) dst(%dma_wait3A_876 : memref<2048x64xf32, #tpu.memory_space<hbm>>)
    %add3A_879 = arith.constant 37 : i32
    %add3A_880 = arith.addi %mul3A_334, %add3A_879 : i32
    %sub3A_881 = arith.constant 2047 : i32
    %sub3A_882 = arith.subi %sub3A_881, %add3A_880 : i32
    %dma_start3A_883 = arith.constant 0 : i32
    %dma_start3A_884 = arith.constant 0 : i32
    %dma_start3A_885 = tpu.memref_slice %arg3[%add3A_880, %dma_start3A_883, %dma_start3A_884] : memref<2048x2048x64xf32, #tpu.memory_space<hbm>> -> memref<1x2048x64xf32, #tpu.memory_space<hbm>>
    %dma_start3A_886 = tpu.memref_squeeze %dma_start3A_885 : memref<1x2048x64xf32, #tpu.memory_space<hbm>> -> memref<2048x64xf32, #tpu.memory_space<hbm>>
    %dma_start3A_887 = arith.constant 0 : i32
    %dma_start3A_888 = tpu.memref_slice %arg4[%sub3A_882, %dma_start3A_887] : memref<4096x64xf32, #tpu.memory_space<vmem_shared>> -> memref<2048x64xf32, #tpu.memory_space<vmem_shared>>
    tpu.enqueue_dma source(%dma_start3A_888 : memref<2048x64xf32, #tpu.memory_space<vmem_shared>>) target(%dma_start3A_886 : memref<2048x64xf32, #tpu.memory_space<hbm>>) target_semaphore(%arg7 : memref<!tpu.dma_semaphore, #tpu.memory_space<semaphore_mem>>)
    %dma_wait3A_889 = arith.constant 0 : i32
    %dma_wait3A_890 = arith.constant 0 : i32
    %dma_wait3A_891 = tpu.memref_slice %arg3[%add3A_752, %dma_wait3A_889, %dma_wait3A_890] : memref<2048x2048x64xf32, #tpu.memory_space<hbm>> -> memref<1x2048x64xf32, #tpu.memory_space<hbm>>
    %dma_wait3A_892 = tpu.memref_squeeze %dma_wait3A_891 : memref<1x2048x64xf32, #tpu.memory_space<hbm>> -> memref<2048x64xf32, #tpu.memory_space<hbm>>
    %dma_wait3A_893 = arith.constant 0 : i32
    %dma_wait3A_894 = tpu.memref_slice %arg4[%sub3A_754, %dma_wait3A_893] : memref<4096x64xf32, #tpu.memory_space<vmem_shared>> -> memref<2048x64xf32, #tpu.memory_space<vmem_shared>>
    tpu.wait_dma2 semaphore(%arg7 : memref<!tpu.dma_semaphore, #tpu.memory_space<semaphore_mem>>) src(%dma_wait3A_894 : memref<2048x64xf32, #tpu.memory_space<vmem_shared>>) dst(%dma_wait3A_892 : memref<2048x64xf32, #tpu.memory_space<hbm>>)
    %add3A_895 = arith.constant 38 : i32
    %add3A_896 = arith.addi %mul3A_334, %add3A_895 : i32
    %sub3A_897 = arith.constant 2047 : i32
    %sub3A_898 = arith.subi %sub3A_897, %add3A_896 : i32
    %dma_start3A_899 = arith.constant 0 : i32
    %dma_start3A_900 = arith.constant 0 : i32
    %dma_start3A_901 = tpu.memref_slice %arg3[%add3A_896, %dma_start3A_899, %dma_start3A_900] : memref<2048x2048x64xf32, #tpu.memory_space<hbm>> -> memref<1x2048x64xf32, #tpu.memory_space<hbm>>
    %dma_start3A_902 = tpu.memref_squeeze %dma_start3A_901 : memref<1x2048x64xf32, #tpu.memory_space<hbm>> -> memref<2048x64xf32, #tpu.memory_space<hbm>>
    %dma_start3A_903 = arith.constant 0 : i32
    %dma_start3A_904 = tpu.memref_slice %arg4[%sub3A_898, %dma_start3A_903] : memref<4096x64xf32, #tpu.memory_space<vmem_shared>> -> memref<2048x64xf32, #tpu.memory_space<vmem_shared>>
    tpu.enqueue_dma source(%dma_start3A_904 : memref<2048x64xf32, #tpu.memory_space<vmem_shared>>) target(%dma_start3A_902 : memref<2048x64xf32, #tpu.memory_space<hbm>>) target_semaphore(%arg7 : memref<!tpu.dma_semaphore, #tpu.memory_space<semaphore_mem>>)
    %dma_wait3A_905 = arith.constant 0 : i32
    %dma_wait3A_906 = arith.constant 0 : i32
    %dma_wait3A_907 = tpu.memref_slice %arg3[%add3A_768, %dma_wait3A_905, %dma_wait3A_906] : memref<2048x2048x64xf32, #tpu.memory_space<hbm>> -> memref<1x2048x64xf32, #tpu.memory_space<hbm>>
    %dma_wait3A_908 = tpu.memref_squeeze %dma_wait3A_907 : memref<1x2048x64xf32, #tpu.memory_space<hbm>> -> memref<2048x64xf32, #tpu.memory_space<hbm>>
    %dma_wait3A_909 = arith.constant 0 : i32
    %dma_wait3A_910 = tpu.memref_slice %arg4[%sub3A_770, %dma_wait3A_909] : memref<4096x64xf32, #tpu.memory_space<vmem_shared>> -> memref<2048x64xf32, #tpu.memory_space<vmem_shared>>
    tpu.wait_dma2 semaphore(%arg7 : memref<!tpu.dma_semaphore, #tpu.memory_space<semaphore_mem>>) src(%dma_wait3A_910 : memref<2048x64xf32, #tpu.memory_space<vmem_shared>>) dst(%dma_wait3A_908 : memref<2048x64xf32, #tpu.memory_space<hbm>>)
    %add3A_911 = arith.constant 39 : i32
    %add3A_912 = arith.addi %mul3A_334, %add3A_911 : i32
    %sub3A_913 = arith.constant 2047 : i32
    %sub3A_914 = arith.subi %sub3A_913, %add3A_912 : i32
    %dma_start3A_915 = arith.constant 0 : i32
    %dma_start3A_916 = arith.constant 0 : i32
    %dma_start3A_917 = tpu.memref_slice %arg3[%add3A_912, %dma_start3A_915, %dma_start3A_916] : memref<2048x2048x64xf32, #tpu.memory_space<hbm>> -> memref<1x2048x64xf32, #tpu.memory_space<hbm>>
    %dma_start3A_918 = tpu.memref_squeeze %dma_start3A_917 : memref<1x2048x64xf32, #tpu.memory_space<hbm>> -> memref<2048x64xf32, #tpu.memory_space<hbm>>
    %dma_start3A_919 = arith.constant 0 : i32
    %dma_start3A_920 = tpu.memref_slice %arg4[%sub3A_914, %dma_start3A_919] : memref<4096x64xf32, #tpu.memory_space<vmem_shared>> -> memref<2048x64xf32, #tpu.memory_space<vmem_shared>>
    tpu.enqueue_dma source(%dma_start3A_920 : memref<2048x64xf32, #tpu.memory_space<vmem_shared>>) target(%dma_start3A_918 : memref<2048x64xf32, #tpu.memory_space<hbm>>) target_semaphore(%arg7 : memref<!tpu.dma_semaphore, #tpu.memory_space<semaphore_mem>>)
    %dma_wait3A_921 = arith.constant 0 : i32
    %dma_wait3A_922 = arith.constant 0 : i32
    %dma_wait3A_923 = tpu.memref_slice %arg3[%add3A_784, %dma_wait3A_921, %dma_wait3A_922] : memref<2048x2048x64xf32, #tpu.memory_space<hbm>> -> memref<1x2048x64xf32, #tpu.memory_space<hbm>>
    %dma_wait3A_924 = tpu.memref_squeeze %dma_wait3A_923 : memref<1x2048x64xf32, #tpu.memory_space<hbm>> -> memref<2048x64xf32, #tpu.memory_space<hbm>>
    %dma_wait3A_925 = arith.constant 0 : i32
    %dma_wait3A_926 = tpu.memref_slice %arg4[%sub3A_786, %dma_wait3A_925] : memref<4096x64xf32, #tpu.memory_space<vmem_shared>> -> memref<2048x64xf32, #tpu.memory_space<vmem_shared>>
    tpu.wait_dma2 semaphore(%arg7 : memref<!tpu.dma_semaphore, #tpu.memory_space<semaphore_mem>>) src(%dma_wait3A_926 : memref<2048x64xf32, #tpu.memory_space<vmem_shared>>) dst(%dma_wait3A_924 : memref<2048x64xf32, #tpu.memory_space<hbm>>)
    %add3A_927 = arith.constant 40 : i32
    %add3A_928 = arith.addi %mul3A_334, %add3A_927 : i32
    %sub3A_929 = arith.constant 2047 : i32
    %sub3A_930 = arith.subi %sub3A_929, %add3A_928 : i32
    %dma_start3A_931 = arith.constant 0 : i32
    %dma_start3A_932 = arith.constant 0 : i32
    %dma_start3A_933 = tpu.memref_slice %arg3[%add3A_928, %dma_start3A_931, %dma_start3A_932] : memref<2048x2048x64xf32, #tpu.memory_space<hbm>> -> memref<1x2048x64xf32, #tpu.memory_space<hbm>>
    %dma_start3A_934 = tpu.memref_squeeze %dma_start3A_933 : memref<1x2048x64xf32, #tpu.memory_space<hbm>> -> memref<2048x64xf32, #tpu.memory_space<hbm>>
    %dma_start3A_935 = arith.constant 0 : i32
    %dma_start3A_936 = tpu.memref_slice %arg4[%sub3A_930, %dma_start3A_935] : memref<4096x64xf32, #tpu.memory_space<vmem_shared>> -> memref<2048x64xf32, #tpu.memory_space<vmem_shared>>
    tpu.enqueue_dma source(%dma_start3A_936 : memref<2048x64xf32, #tpu.memory_space<vmem_shared>>) target(%dma_start3A_934 : memref<2048x64xf32, #tpu.memory_space<hbm>>) target_semaphore(%arg7 : memref<!tpu.dma_semaphore, #tpu.memory_space<semaphore_mem>>)
    %dma_wait3A_937 = arith.constant 0 : i32
    %dma_wait3A_938 = arith.constant 0 : i32
    %dma_wait3A_939 = tpu.memref_slice %arg3[%add3A_800, %dma_wait3A_937, %dma_wait3A_938] : memref<2048x2048x64xf32, #tpu.memory_space<hbm>> -> memref<1x2048x64xf32, #tpu.memory_space<hbm>>
    %dma_wait3A_940 = tpu.memref_squeeze %dma_wait3A_939 : memref<1x2048x64xf32, #tpu.memory_space<hbm>> -> memref<2048x64xf32, #tpu.memory_space<hbm>>
    %dma_wait3A_941 = arith.constant 0 : i32
    %dma_wait3A_942 = tpu.memref_slice %arg4[%sub3A_802, %dma_wait3A_941] : memref<4096x64xf32, #tpu.memory_space<vmem_shared>> -> memref<2048x64xf32, #tpu.memory_space<vmem_shared>>
    tpu.wait_dma2 semaphore(%arg7 : memref<!tpu.dma_semaphore, #tpu.memory_space<semaphore_mem>>) src(%dma_wait3A_942 : memref<2048x64xf32, #tpu.memory_space<vmem_shared>>) dst(%dma_wait3A_940 : memref<2048x64xf32, #tpu.memory_space<hbm>>)
    %add3A_943 = arith.constant 41 : i32
    %add3A_944 = arith.addi %mul3A_334, %add3A_943 : i32
    %sub3A_945 = arith.constant 2047 : i32
    %sub3A_946 = arith.subi %sub3A_945, %add3A_944 : i32
    %dma_start3A_947 = arith.constant 0 : i32
    %dma_start3A_948 = arith.constant 0 : i32
    %dma_start3A_949 = tpu.memref_slice %arg3[%add3A_944, %dma_start3A_947, %dma_start3A_948] : memref<2048x2048x64xf32, #tpu.memory_space<hbm>> -> memref<1x2048x64xf32, #tpu.memory_space<hbm>>
    %dma_start3A_950 = tpu.memref_squeeze %dma_start3A_949 : memref<1x2048x64xf32, #tpu.memory_space<hbm>> -> memref<2048x64xf32, #tpu.memory_space<hbm>>
    %dma_start3A_951 = arith.constant 0 : i32
    %dma_start3A_952 = tpu.memref_slice %arg4[%sub3A_946, %dma_start3A_951] : memref<4096x64xf32, #tpu.memory_space<vmem_shared>> -> memref<2048x64xf32, #tpu.memory_space<vmem_shared>>
    tpu.enqueue_dma source(%dma_start3A_952 : memref<2048x64xf32, #tpu.memory_space<vmem_shared>>) target(%dma_start3A_950 : memref<2048x64xf32, #tpu.memory_space<hbm>>) target_semaphore(%arg7 : memref<!tpu.dma_semaphore, #tpu.memory_space<semaphore_mem>>)
    %dma_wait3A_953 = arith.constant 0 : i32
    %dma_wait3A_954 = arith.constant 0 : i32
    %dma_wait3A_955 = tpu.memref_slice %arg3[%add3A_816, %dma_wait3A_953, %dma_wait3A_954] : memref<2048x2048x64xf32, #tpu.memory_space<hbm>> -> memref<1x2048x64xf32, #tpu.memory_space<hbm>>
    %dma_wait3A_956 = tpu.memref_squeeze %dma_wait3A_955 : memref<1x2048x64xf32, #tpu.memory_space<hbm>> -> memref<2048x64xf32, #tpu.memory_space<hbm>>
    %dma_wait3A_957 = arith.constant 0 : i32
    %dma_wait3A_958 = tpu.memref_slice %arg4[%sub3A_818, %dma_wait3A_957] : memref<4096x64xf32, #tpu.memory_space<vmem_shared>> -> memref<2048x64xf32, #tpu.memory_space<vmem_shared>>
    tpu.wait_dma2 semaphore(%arg7 : memref<!tpu.dma_semaphore, #tpu.memory_space<semaphore_mem>>) src(%dma_wait3A_958 : memref<2048x64xf32, #tpu.memory_space<vmem_shared>>) dst(%dma_wait3A_956 : memref<2048x64xf32, #tpu.memory_space<hbm>>)
    %add3A_959 = arith.constant 42 : i32
    %add3A_960 = arith.addi %mul3A_334, %add3A_959 : i32
    %sub3A_961 = arith.constant 2047 : i32
    %sub3A_962 = arith.subi %sub3A_961, %add3A_960 : i32
    %dma_start3A_963 = arith.constant 0 : i32
    %dma_start3A_964 = arith.constant 0 : i32
    %dma_start3A_965 = tpu.memref_slice %arg3[%add3A_960, %dma_start3A_963, %dma_start3A_964] : memref<2048x2048x64xf32, #tpu.memory_space<hbm>> -> memref<1x2048x64xf32, #tpu.memory_space<hbm>>
    %dma_start3A_966 = tpu.memref_squeeze %dma_start3A_965 : memref<1x2048x64xf32, #tpu.memory_space<hbm>> -> memref<2048x64xf32, #tpu.memory_space<hbm>>
    %dma_start3A_967 = arith.constant 0 : i32
    %dma_start3A_968 = tpu.memref_slice %arg4[%sub3A_962, %dma_start3A_967] : memref<4096x64xf32, #tpu.memory_space<vmem_shared>> -> memref<2048x64xf32, #tpu.memory_space<vmem_shared>>
    tpu.enqueue_dma source(%dma_start3A_968 : memref<2048x64xf32, #tpu.memory_space<vmem_shared>>) target(%dma_start3A_966 : memref<2048x64xf32, #tpu.memory_space<hbm>>) target_semaphore(%arg7 : memref<!tpu.dma_semaphore, #tpu.memory_space<semaphore_mem>>)
    %dma_wait3A_969 = arith.constant 0 : i32
    %dma_wait3A_970 = arith.constant 0 : i32
    %dma_wait3A_971 = tpu.memref_slice %arg3[%add3A_832, %dma_wait3A_969, %dma_wait3A_970] : memref<2048x2048x64xf32, #tpu.memory_space<hbm>> -> memref<1x2048x64xf32, #tpu.memory_space<hbm>>
    %dma_wait3A_972 = tpu.memref_squeeze %dma_wait3A_971 : memref<1x2048x64xf32, #tpu.memory_space<hbm>> -> memref<2048x64xf32, #tpu.memory_space<hbm>>
    %dma_wait3A_973 = arith.constant 0 : i32
    %dma_wait3A_974 = tpu.memref_slice %arg4[%sub3A_834, %dma_wait3A_973] : memref<4096x64xf32, #tpu.memory_space<vmem_shared>> -> memref<2048x64xf32, #tpu.memory_space<vmem_shared>>
    tpu.wait_dma2 semaphore(%arg7 : memref<!tpu.dma_semaphore, #tpu.memory_space<semaphore_mem>>) src(%dma_wait3A_974 : memref<2048x64xf32, #tpu.memory_space<vmem_shared>>) dst(%dma_wait3A_972 : memref<2048x64xf32, #tpu.memory_space<hbm>>)
    %add3A_975 = arith.constant 43 : i32
    %add3A_976 = arith.addi %mul3A_334, %add3A_975 : i32
    %sub3A_977 = arith.constant 2047 : i32
    %sub3A_978 = arith.subi %sub3A_977, %add3A_976 : i32
    %dma_start3A_979 = arith.constant 0 : i32
    %dma_start3A_980 = arith.constant 0 : i32
    %dma_start3A_981 = tpu.memref_slice %arg3[%add3A_976, %dma_start3A_979, %dma_start3A_980] : memref<2048x2048x64xf32, #tpu.memory_space<hbm>> -> memref<1x2048x64xf32, #tpu.memory_space<hbm>>
    %dma_start3A_982 = tpu.memref_squeeze %dma_start3A_981 : memref<1x2048x64xf32, #tpu.memory_space<hbm>> -> memref<2048x64xf32, #tpu.memory_space<hbm>>
    %dma_start3A_983 = arith.constant 0 : i32
    %dma_start3A_984 = tpu.memref_slice %arg4[%sub3A_978, %dma_start3A_983] : memref<4096x64xf32, #tpu.memory_space<vmem_shared>> -> memref<2048x64xf32, #tpu.memory_space<vmem_shared>>
    tpu.enqueue_dma source(%dma_start3A_984 : memref<2048x64xf32, #tpu.memory_space<vmem_shared>>) target(%dma_start3A_982 : memref<2048x64xf32, #tpu.memory_space<hbm>>) target_semaphore(%arg7 : memref<!tpu.dma_semaphore, #tpu.memory_space<semaphore_mem>>)
    %dma_wait3A_985 = arith.constant 0 : i32
    %dma_wait3A_986 = arith.constant 0 : i32
    %dma_wait3A_987 = tpu.memref_slice %arg3[%add3A_848, %dma_wait3A_985, %dma_wait3A_986] : memref<2048x2048x64xf32, #tpu.memory_space<hbm>> -> memref<1x2048x64xf32, #tpu.memory_space<hbm>>
    %dma_wait3A_988 = tpu.memref_squeeze %dma_wait3A_987 : memref<1x2048x64xf32, #tpu.memory_space<hbm>> -> memref<2048x64xf32, #tpu.memory_space<hbm>>
    %dma_wait3A_989 = arith.constant 0 : i32
    %dma_wait3A_990 = tpu.memref_slice %arg4[%sub3A_850, %dma_wait3A_989] : memref<4096x64xf32, #tpu.memory_space<vmem_shared>> -> memref<2048x64xf32, #tpu.memory_space<vmem_shared>>
    tpu.wait_dma2 semaphore(%arg7 : memref<!tpu.dma_semaphore, #tpu.memory_space<semaphore_mem>>) src(%dma_wait3A_990 : memref<2048x64xf32, #tpu.memory_space<vmem_shared>>) dst(%dma_wait3A_988 : memref<2048x64xf32, #tpu.memory_space<hbm>>)
    %add3A_991 = arith.constant 44 : i32
    %add3A_992 = arith.addi %mul3A_334, %add3A_991 : i32
    %sub3A_993 = arith.constant 2047 : i32
    %sub3A_994 = arith.subi %sub3A_993, %add3A_992 : i32
    %dma_start3A_995 = arith.constant 0 : i32
    %dma_start3A_996 = arith.constant 0 : i32
    %dma_start3A_997 = tpu.memref_slice %arg3[%add3A_992, %dma_start3A_995, %dma_start3A_996] : memref<2048x2048x64xf32, #tpu.memory_space<hbm>> -> memref<1x2048x64xf32, #tpu.memory_space<hbm>>
    %dma_start3A_998 = tpu.memref_squeeze %dma_start3A_997 : memref<1x2048x64xf32, #tpu.memory_space<hbm>> -> memref<2048x64xf32, #tpu.memory_space<hbm>>
    %dma_start3A_999 = arith.constant 0 : i32
    %dma_start3A_1000 = tpu.memref_slice %arg4[%sub3A_994, %dma_start3A_999] : memref<4096x64xf32, #tpu.memory_space<vmem_shared>> -> memref<2048x64xf32, #tpu.memory_space<vmem_shared>>
    tpu.enqueue_dma source(%dma_start3A_1000 : memref<2048x64xf32, #tpu.memory_space<vmem_shared>>) target(%dma_start3A_998 : memref<2048x64xf32, #tpu.memory_space<hbm>>) target_semaphore(%arg7 : memref<!tpu.dma_semaphore, #tpu.memory_space<semaphore_mem>>)
    %dma_wait3A_1001 = arith.constant 0 : i32
    %dma_wait3A_1002 = arith.constant 0 : i32
    %dma_wait3A_1003 = tpu.memref_slice %arg3[%add3A_864, %dma_wait3A_1001, %dma_wait3A_1002] : memref<2048x2048x64xf32, #tpu.memory_space<hbm>> -> memref<1x2048x64xf32, #tpu.memory_space<hbm>>
    %dma_wait3A_1004 = tpu.memref_squeeze %dma_wait3A_1003 : memref<1x2048x64xf32, #tpu.memory_space<hbm>> -> memref<2048x64xf32, #tpu.memory_space<hbm>>
    %dma_wait3A_1005 = arith.constant 0 : i32
    %dma_wait3A_1006 = tpu.memref_slice %arg4[%sub3A_866, %dma_wait3A_1005] : memref<4096x64xf32, #tpu.memory_space<vmem_shared>> -> memref<2048x64xf32, #tpu.memory_space<vmem_shared>>
    tpu.wait_dma2 semaphore(%arg7 : memref<!tpu.dma_semaphore, #tpu.memory_space<semaphore_mem>>) src(%dma_wait3A_1006 : memref<2048x64xf32, #tpu.memory_space<vmem_shared>>) dst(%dma_wait3A_1004 : memref<2048x64xf32, #tpu.memory_space<hbm>>)
    %add3A_1007 = arith.constant 45 : i32
    %add3A_1008 = arith.addi %mul3A_334, %add3A_1007 : i32
    %sub3A_1009 = arith.constant 2047 : i32
    %sub3A_1010 = arith.subi %sub3A_1009, %add3A_1008 : i32
    %dma_start3A_1011 = arith.constant 0 : i32
    %dma_start3A_1012 = arith.constant 0 : i32
    %dma_start3A_1013 = tpu.memref_slice %arg3[%add3A_1008, %dma_start3A_1011, %dma_start3A_1012] : memref<2048x2048x64xf32, #tpu.memory_space<hbm>> -> memref<1x2048x64xf32, #tpu.memory_space<hbm>>
    %dma_start3A_1014 = tpu.memref_squeeze %dma_start3A_1013 : memref<1x2048x64xf32, #tpu.memory_space<hbm>> -> memref<2048x64xf32, #tpu.memory_space<hbm>>
    %dma_start3A_1015 = arith.constant 0 : i32
    %dma_start3A_1016 = tpu.memref_slice %arg4[%sub3A_1010, %dma_start3A_1015] : memref<4096x64xf32, #tpu.memory_space<vmem_shared>> -> memref<2048x64xf32, #tpu.memory_space<vmem_shared>>
    tpu.enqueue_dma source(%dma_start3A_1016 : memref<2048x64xf32, #tpu.memory_space<vmem_shared>>) target(%dma_start3A_1014 : memref<2048x64xf32, #tpu.memory_space<hbm>>) target_semaphore(%arg7 : memref<!tpu.dma_semaphore, #tpu.memory_space<semaphore_mem>>)
    %dma_wait3A_1017 = arith.constant 0 : i32
    %dma_wait3A_1018 = arith.constant 0 : i32
    %dma_wait3A_1019 = tpu.memref_slice %arg3[%add3A_880, %dma_wait3A_1017, %dma_wait3A_1018] : memref<2048x2048x64xf32, #tpu.memory_space<hbm>> -> memref<1x2048x64xf32, #tpu.memory_space<hbm>>
    %dma_wait3A_1020 = tpu.memref_squeeze %dma_wait3A_1019 : memref<1x2048x64xf32, #tpu.memory_space<hbm>> -> memref<2048x64xf32, #tpu.memory_space<hbm>>
    %dma_wait3A_1021 = arith.constant 0 : i32
    %dma_wait3A_1022 = tpu.memref_slice %arg4[%sub3A_882, %dma_wait3A_1021] : memref<4096x64xf32, #tpu.memory_space<vmem_shared>> -> memref<2048x64xf32, #tpu.memory_space<vmem_shared>>
    tpu.wait_dma2 semaphore(%arg7 : memref<!tpu.dma_semaphore, #tpu.memory_space<semaphore_mem>>) src(%dma_wait3A_1022 : memref<2048x64xf32, #tpu.memory_space<vmem_shared>>) dst(%dma_wait3A_1020 : memref<2048x64xf32, #tpu.memory_space<hbm>>)
    %add3A_1023 = arith.constant 46 : i32
    %add3A_1024 = arith.addi %mul3A_334, %add3A_1023 : i32
    %sub3A_1025 = arith.constant 2047 : i32
    %sub3A_1026 = arith.subi %sub3A_1025, %add3A_1024 : i32
    %dma_start3A_1027 = arith.constant 0 : i32
    %dma_start3A_1028 = arith.constant 0 : i32
    %dma_start3A_1029 = tpu.memref_slice %arg3[%add3A_1024, %dma_start3A_1027, %dma_start3A_1028] : memref<2048x2048x64xf32, #tpu.memory_space<hbm>> -> memref<1x2048x64xf32, #tpu.memory_space<hbm>>
    %dma_start3A_1030 = tpu.memref_squeeze %dma_start3A_1029 : memref<1x2048x64xf32, #tpu.memory_space<hbm>> -> memref<2048x64xf32, #tpu.memory_space<hbm>>
    %dma_start3A_1031 = arith.constant 0 : i32
    %dma_start3A_1032 = tpu.memref_slice %arg4[%sub3A_1026, %dma_start3A_1031] : memref<4096x64xf32, #tpu.memory_space<vmem_shared>> -> memref<2048x64xf32, #tpu.memory_space<vmem_shared>>
    tpu.enqueue_dma source(%dma_start3A_1032 : memref<2048x64xf32, #tpu.memory_space<vmem_shared>>) target(%dma_start3A_1030 : memref<2048x64xf32, #tpu.memory_space<hbm>>) target_semaphore(%arg7 : memref<!tpu.dma_semaphore, #tpu.memory_space<semaphore_mem>>)
    %dma_wait3A_1033 = arith.constant 0 : i32
    %dma_wait3A_1034 = arith.constant 0 : i32
    %dma_wait3A_1035 = tpu.memref_slice %arg3[%add3A_896, %dma_wait3A_1033, %dma_wait3A_1034] : memref<2048x2048x64xf32, #tpu.memory_space<hbm>> -> memref<1x2048x64xf32, #tpu.memory_space<hbm>>
    %dma_wait3A_1036 = tpu.memref_squeeze %dma_wait3A_1035 : memref<1x2048x64xf32, #tpu.memory_space<hbm>> -> memref<2048x64xf32, #tpu.memory_space<hbm>>
    %dma_wait3A_1037 = arith.constant 0 : i32
    %dma_wait3A_1038 = tpu.memref_slice %arg4[%sub3A_898, %dma_wait3A_1037] : memref<4096x64xf32, #tpu.memory_space<vmem_shared>> -> memref<2048x64xf32, #tpu.memory_space<vmem_shared>>
    tpu.wait_dma2 semaphore(%arg7 : memref<!tpu.dma_semaphore, #tpu.memory_space<semaphore_mem>>) src(%dma_wait3A_1038 : memref<2048x64xf32, #tpu.memory_space<vmem_shared>>) dst(%dma_wait3A_1036 : memref<2048x64xf32, #tpu.memory_space<hbm>>)
    %add3A_1039 = arith.constant 47 : i32
    %add3A_1040 = arith.addi %mul3A_334, %add3A_1039 : i32
    %sub3A_1041 = arith.constant 2047 : i32
    %sub3A_1042 = arith.subi %sub3A_1041, %add3A_1040 : i32
    %dma_start3A_1043 = arith.constant 0 : i32
    %dma_start3A_1044 = arith.constant 0 : i32
    %dma_start3A_1045 = tpu.memref_slice %arg3[%add3A_1040, %dma_start3A_1043, %dma_start3A_1044] : memref<2048x2048x64xf32, #tpu.memory_space<hbm>> -> memref<1x2048x64xf32, #tpu.memory_space<hbm>>
    %dma_start3A_1046 = tpu.memref_squeeze %dma_start3A_1045 : memref<1x2048x64xf32, #tpu.memory_space<hbm>> -> memref<2048x64xf32, #tpu.memory_space<hbm>>
    %dma_start3A_1047 = arith.constant 0 : i32
    %dma_start3A_1048 = tpu.memref_slice %arg4[%sub3A_1042, %dma_start3A_1047] : memref<4096x64xf32, #tpu.memory_space<vmem_shared>> -> memref<2048x64xf32, #tpu.memory_space<vmem_shared>>
    tpu.enqueue_dma source(%dma_start3A_1048 : memref<2048x64xf32, #tpu.memory_space<vmem_shared>>) target(%dma_start3A_1046 : memref<2048x64xf32, #tpu.memory_space<hbm>>) target_semaphore(%arg7 : memref<!tpu.dma_semaphore, #tpu.memory_space<semaphore_mem>>)
    %dma_wait3A_1049 = arith.constant 0 : i32
    %dma_wait3A_1050 = arith.constant 0 : i32
    %dma_wait3A_1051 = tpu.memref_slice %arg3[%add3A_912, %dma_wait3A_1049, %dma_wait3A_1050] : memref<2048x2048x64xf32, #tpu.memory_space<hbm>> -> memref<1x2048x64xf32, #tpu.memory_space<hbm>>
    %dma_wait3A_1052 = tpu.memref_squeeze %dma_wait3A_1051 : memref<1x2048x64xf32, #tpu.memory_space<hbm>> -> memref<2048x64xf32, #tpu.memory_space<hbm>>
    %dma_wait3A_1053 = arith.constant 0 : i32
    %dma_wait3A_1054 = tpu.memref_slice %arg4[%sub3A_914, %dma_wait3A_1053] : memref<4096x64xf32, #tpu.memory_space<vmem_shared>> -> memref<2048x64xf32, #tpu.memory_space<vmem_shared>>
    tpu.wait_dma2 semaphore(%arg7 : memref<!tpu.dma_semaphore, #tpu.memory_space<semaphore_mem>>) src(%dma_wait3A_1054 : memref<2048x64xf32, #tpu.memory_space<vmem_shared>>) dst(%dma_wait3A_1052 : memref<2048x64xf32, #tpu.memory_space<hbm>>)
    %add3A_1055 = arith.constant 48 : i32
    %add3A_1056 = arith.addi %mul3A_334, %add3A_1055 : i32
    %sub3A_1057 = arith.constant 2047 : i32
    %sub3A_1058 = arith.subi %sub3A_1057, %add3A_1056 : i32
    %dma_start3A_1059 = arith.constant 0 : i32
    %dma_start3A_1060 = arith.constant 0 : i32
    %dma_start3A_1061 = tpu.memref_slice %arg3[%add3A_1056, %dma_start3A_1059, %dma_start3A_1060] : memref<2048x2048x64xf32, #tpu.memory_space<hbm>> -> memref<1x2048x64xf32, #tpu.memory_space<hbm>>
    %dma_start3A_1062 = tpu.memref_squeeze %dma_start3A_1061 : memref<1x2048x64xf32, #tpu.memory_space<hbm>> -> memref<2048x64xf32, #tpu.memory_space<hbm>>
    %dma_start3A_1063 = arith.constant 0 : i32
    %dma_start3A_1064 = tpu.memref_slice %arg4[%sub3A_1058, %dma_start3A_1063] : memref<4096x64xf32, #tpu.memory_space<vmem_shared>> -> memref<2048x64xf32, #tpu.memory_space<vmem_shared>>
    tpu.enqueue_dma source(%dma_start3A_1064 : memref<2048x64xf32, #tpu.memory_space<vmem_shared>>) target(%dma_start3A_1062 : memref<2048x64xf32, #tpu.memory_space<hbm>>) target_semaphore(%arg7 : memref<!tpu.dma_semaphore, #tpu.memory_space<semaphore_mem>>)
    %dma_wait3A_1065 = arith.constant 0 : i32
    %dma_wait3A_1066 = arith.constant 0 : i32
    %dma_wait3A_1067 = tpu.memref_slice %arg3[%add3A_928, %dma_wait3A_1065, %dma_wait3A_1066] : memref<2048x2048x64xf32, #tpu.memory_space<hbm>> -> memref<1x2048x64xf32, #tpu.memory_space<hbm>>
    %dma_wait3A_1068 = tpu.memref_squeeze %dma_wait3A_1067 : memref<1x2048x64xf32, #tpu.memory_space<hbm>> -> memref<2048x64xf32, #tpu.memory_space<hbm>>
    %dma_wait3A_1069 = arith.constant 0 : i32
    %dma_wait3A_1070 = tpu.memref_slice %arg4[%sub3A_930, %dma_wait3A_1069] : memref<4096x64xf32, #tpu.memory_space<vmem_shared>> -> memref<2048x64xf32, #tpu.memory_space<vmem_shared>>
    tpu.wait_dma2 semaphore(%arg7 : memref<!tpu.dma_semaphore, #tpu.memory_space<semaphore_mem>>) src(%dma_wait3A_1070 : memref<2048x64xf32, #tpu.memory_space<vmem_shared>>) dst(%dma_wait3A_1068 : memref<2048x64xf32, #tpu.memory_space<hbm>>)
    %add3A_1071 = arith.constant 49 : i32
    %add3A_1072 = arith.addi %mul3A_334, %add3A_1071 : i32
    %sub3A_1073 = arith.constant 2047 : i32
    %sub3A_1074 = arith.subi %sub3A_1073, %add3A_1072 : i32
    %dma_start3A_1075 = arith.constant 0 : i32
    %dma_start3A_1076 = arith.constant 0 : i32
    %dma_start3A_1077 = tpu.memref_slice %arg3[%add3A_1072, %dma_start3A_1075, %dma_start3A_1076] : memref<2048x2048x64xf32, #tpu.memory_space<hbm>> -> memref<1x2048x64xf32, #tpu.memory_space<hbm>>
    %dma_start3A_1078 = tpu.memref_squeeze %dma_start3A_1077 : memref<1x2048x64xf32, #tpu.memory_space<hbm>> -> memref<2048x64xf32, #tpu.memory_space<hbm>>
    %dma_start3A_1079 = arith.constant 0 : i32
    %dma_start3A_1080 = tpu.memref_slice %arg4[%sub3A_1074, %dma_start3A_1079] : memref<4096x64xf32, #tpu.memory_space<vmem_shared>> -> memref<2048x64xf32, #tpu.memory_space<vmem_shared>>
    tpu.enqueue_dma source(%dma_start3A_1080 : memref<2048x64xf32, #tpu.memory_space<vmem_shared>>) target(%dma_start3A_1078 : memref<2048x64xf32, #tpu.memory_space<hbm>>) target_semaphore(%arg7 : memref<!tpu.dma_semaphore, #tpu.memory_space<semaphore_mem>>)
    %dma_wait3A_1081 = arith.constant 0 : i32
    %dma_wait3A_1082 = arith.constant 0 : i32
    %dma_wait3A_1083 = tpu.memref_slice %arg3[%add3A_944, %dma_wait3A_1081, %dma_wait3A_1082] : memref<2048x2048x64xf32, #tpu.memory_space<hbm>> -> memref<1x2048x64xf32, #tpu.memory_space<hbm>>
    %dma_wait3A_1084 = tpu.memref_squeeze %dma_wait3A_1083 : memref<1x2048x64xf32, #tpu.memory_space<hbm>> -> memref<2048x64xf32, #tpu.memory_space<hbm>>
    %dma_wait3A_1085 = arith.constant 0 : i32
    %dma_wait3A_1086 = tpu.memref_slice %arg4[%sub3A_946, %dma_wait3A_1085] : memref<4096x64xf32, #tpu.memory_space<vmem_shared>> -> memref<2048x64xf32, #tpu.memory_space<vmem_shared>>
    tpu.wait_dma2 semaphore(%arg7 : memref<!tpu.dma_semaphore, #tpu.memory_space<semaphore_mem>>) src(%dma_wait3A_1086 : memref<2048x64xf32, #tpu.memory_space<vmem_shared>>) dst(%dma_wait3A_1084 : memref<2048x64xf32, #tpu.memory_space<hbm>>)
    %add3A_1087 = arith.constant 50 : i32
    %add3A_1088 = arith.addi %mul3A_334, %add3A_1087 : i32
    %sub3A_1089 = arith.constant 2047 : i32
    %sub3A_1090 = arith.subi %sub3A_1089, %add3A_1088 : i32
    %dma_start3A_1091 = arith.constant 0 : i32
    %dma_start3A_1092 = arith.constant 0 : i32
    %dma_start3A_1093 = tpu.memref_slice %arg3[%add3A_1088, %dma_start3A_1091, %dma_start3A_1092] : memref<2048x2048x64xf32, #tpu.memory_space<hbm>> -> memref<1x2048x64xf32, #tpu.memory_space<hbm>>
    %dma_start3A_1094 = tpu.memref_squeeze %dma_start3A_1093 : memref<1x2048x64xf32, #tpu.memory_space<hbm>> -> memref<2048x64xf32, #tpu.memory_space<hbm>>
    %dma_start3A_1095 = arith.constant 0 : i32
    %dma_start3A_1096 = tpu.memref_slice %arg4[%sub3A_1090, %dma_start3A_1095] : memref<4096x64xf32, #tpu.memory_space<vmem_shared>> -> memref<2048x64xf32, #tpu.memory_space<vmem_shared>>
    tpu.enqueue_dma source(%dma_start3A_1096 : memref<2048x64xf32, #tpu.memory_space<vmem_shared>>) target(%dma_start3A_1094 : memref<2048x64xf32, #tpu.memory_space<hbm>>) target_semaphore(%arg7 : memref<!tpu.dma_semaphore, #tpu.memory_space<semaphore_mem>>)
    %dma_wait3A_1097 = arith.constant 0 : i32
    %dma_wait3A_1098 = arith.constant 0 : i32
    %dma_wait3A_1099 = tpu.memref_slice %arg3[%add3A_960, %dma_wait3A_1097, %dma_wait3A_1098] : memref<2048x2048x64xf32, #tpu.memory_space<hbm>> -> memref<1x2048x64xf32, #tpu.memory_space<hbm>>
    %dma_wait3A_1100 = tpu.memref_squeeze %dma_wait3A_1099 : memref<1x2048x64xf32, #tpu.memory_space<hbm>> -> memref<2048x64xf32, #tpu.memory_space<hbm>>
    %dma_wait3A_1101 = arith.constant 0 : i32
    %dma_wait3A_1102 = tpu.memref_slice %arg4[%sub3A_962, %dma_wait3A_1101] : memref<4096x64xf32, #tpu.memory_space<vmem_shared>> -> memref<2048x64xf32, #tpu.memory_space<vmem_shared>>
    tpu.wait_dma2 semaphore(%arg7 : memref<!tpu.dma_semaphore, #tpu.memory_space<semaphore_mem>>) src(%dma_wait3A_1102 : memref<2048x64xf32, #tpu.memory_space<vmem_shared>>) dst(%dma_wait3A_1100 : memref<2048x64xf32, #tpu.memory_space<hbm>>)
    %add3A_1103 = arith.constant 51 : i32
    %add3A_1104 = arith.addi %mul3A_334, %add3A_1103 : i32
    %sub3A_1105 = arith.constant 2047 : i32
    %sub3A_1106 = arith.subi %sub3A_1105, %add3A_1104 : i32
    %dma_start3A_1107 = arith.constant 0 : i32
    %dma_start3A_1108 = arith.constant 0 : i32
    %dma_start3A_1109 = tpu.memref_slice %arg3[%add3A_1104, %dma_start3A_1107, %dma_start3A_1108] : memref<2048x2048x64xf32, #tpu.memory_space<hbm>> -> memref<1x2048x64xf32, #tpu.memory_space<hbm>>
    %dma_start3A_1110 = tpu.memref_squeeze %dma_start3A_1109 : memref<1x2048x64xf32, #tpu.memory_space<hbm>> -> memref<2048x64xf32, #tpu.memory_space<hbm>>
    %dma_start3A_1111 = arith.constant 0 : i32
    %dma_start3A_1112 = tpu.memref_slice %arg4[%sub3A_1106, %dma_start3A_1111] : memref<4096x64xf32, #tpu.memory_space<vmem_shared>> -> memref<2048x64xf32, #tpu.memory_space<vmem_shared>>
    tpu.enqueue_dma source(%dma_start3A_1112 : memref<2048x64xf32, #tpu.memory_space<vmem_shared>>) target(%dma_start3A_1110 : memref<2048x64xf32, #tpu.memory_space<hbm>>) target_semaphore(%arg7 : memref<!tpu.dma_semaphore, #tpu.memory_space<semaphore_mem>>)
    %dma_wait3A_1113 = arith.constant 0 : i32
    %dma_wait3A_1114 = arith.constant 0 : i32
    %dma_wait3A_1115 = tpu.memref_slice %arg3[%add3A_976, %dma_wait3A_1113, %dma_wait3A_1114] : memref<2048x2048x64xf32, #tpu.memory_space<hbm>> -> memref<1x2048x64xf32, #tpu.memory_space<hbm>>
    %dma_wait3A_1116 = tpu.memref_squeeze %dma_wait3A_1115 : memref<1x2048x64xf32, #tpu.memory_space<hbm>> -> memref<2048x64xf32, #tpu.memory_space<hbm>>
    %dma_wait3A_1117 = arith.constant 0 : i32
    %dma_wait3A_1118 = tpu.memref_slice %arg4[%sub3A_978, %dma_wait3A_1117] : memref<4096x64xf32, #tpu.memory_space<vmem_shared>> -> memref<2048x64xf32, #tpu.memory_space<vmem_shared>>
    tpu.wait_dma2 semaphore(%arg7 : memref<!tpu.dma_semaphore, #tpu.memory_space<semaphore_mem>>) src(%dma_wait3A_1118 : memref<2048x64xf32, #tpu.memory_space<vmem_shared>>) dst(%dma_wait3A_1116 : memref<2048x64xf32, #tpu.memory_space<hbm>>)
    %add3A_1119 = arith.constant 52 : i32
    %add3A_1120 = arith.addi %mul3A_334, %add3A_1119 : i32
    %sub3A_1121 = arith.constant 2047 : i32
    %sub3A_1122 = arith.subi %sub3A_1121, %add3A_1120 : i32
    %dma_start3A_1123 = arith.constant 0 : i32
    %dma_start3A_1124 = arith.constant 0 : i32
    %dma_start3A_1125 = tpu.memref_slice %arg3[%add3A_1120, %dma_start3A_1123, %dma_start3A_1124] : memref<2048x2048x64xf32, #tpu.memory_space<hbm>> -> memref<1x2048x64xf32, #tpu.memory_space<hbm>>
    %dma_start3A_1126 = tpu.memref_squeeze %dma_start3A_1125 : memref<1x2048x64xf32, #tpu.memory_space<hbm>> -> memref<2048x64xf32, #tpu.memory_space<hbm>>
    %dma_start3A_1127 = arith.constant 0 : i32
    %dma_start3A_1128 = tpu.memref_slice %arg4[%sub3A_1122, %dma_start3A_1127] : memref<4096x64xf32, #tpu.memory_space<vmem_shared>> -> memref<2048x64xf32, #tpu.memory_space<vmem_shared>>
    tpu.enqueue_dma source(%dma_start3A_1128 : memref<2048x64xf32, #tpu.memory_space<vmem_shared>>) target(%dma_start3A_1126 : memref<2048x64xf32, #tpu.memory_space<hbm>>) target_semaphore(%arg7 : memref<!tpu.dma_semaphore, #tpu.memory_space<semaphore_mem>>)
    %dma_wait3A_1129 = arith.constant 0 : i32
    %dma_wait3A_1130 = arith.constant 0 : i32
    %dma_wait3A_1131 = tpu.memref_slice %arg3[%add3A_992, %dma_wait3A_1129, %dma_wait3A_1130] : memref<2048x2048x64xf32, #tpu.memory_space<hbm>> -> memref<1x2048x64xf32, #tpu.memory_space<hbm>>
    %dma_wait3A_1132 = tpu.memref_squeeze %dma_wait3A_1131 : memref<1x2048x64xf32, #tpu.memory_space<hbm>> -> memref<2048x64xf32, #tpu.memory_space<hbm>>
    %dma_wait3A_1133 = arith.constant 0 : i32
    %dma_wait3A_1134 = tpu.memref_slice %arg4[%sub3A_994, %dma_wait3A_1133] : memref<4096x64xf32, #tpu.memory_space<vmem_shared>> -> memref<2048x64xf32, #tpu.memory_space<vmem_shared>>
    tpu.wait_dma2 semaphore(%arg7 : memref<!tpu.dma_semaphore, #tpu.memory_space<semaphore_mem>>) src(%dma_wait3A_1134 : memref<2048x64xf32, #tpu.memory_space<vmem_shared>>) dst(%dma_wait3A_1132 : memref<2048x64xf32, #tpu.memory_space<hbm>>)
    %add3A_1135 = arith.constant 53 : i32
    %add3A_1136 = arith.addi %mul3A_334, %add3A_1135 : i32
    %sub3A_1137 = arith.constant 2047 : i32
    %sub3A_1138 = arith.subi %sub3A_1137, %add3A_1136 : i32
    %dma_start3A_1139 = arith.constant 0 : i32
    %dma_start3A_1140 = arith.constant 0 : i32
    %dma_start3A_1141 = tpu.memref_slice %arg3[%add3A_1136, %dma_start3A_1139, %dma_start3A_1140] : memref<2048x2048x64xf32, #tpu.memory_space<hbm>> -> memref<1x2048x64xf32, #tpu.memory_space<hbm>>
    %dma_start3A_1142 = tpu.memref_squeeze %dma_start3A_1141 : memref<1x2048x64xf32, #tpu.memory_space<hbm>> -> memref<2048x64xf32, #tpu.memory_space<hbm>>
    %dma_start3A_1143 = arith.constant 0 : i32
    %dma_start3A_1144 = tpu.memref_slice %arg4[%sub3A_1138, %dma_start3A_1143] : memref<4096x64xf32, #tpu.memory_space<vmem_shared>> -> memref<2048x64xf32, #tpu.memory_space<vmem_shared>>
    tpu.enqueue_dma source(%dma_start3A_1144 : memref<2048x64xf32, #tpu.memory_space<vmem_shared>>) target(%dma_start3A_1142 : memref<2048x64xf32, #tpu.memory_space<hbm>>) target_semaphore(%arg7 : memref<!tpu.dma_semaphore, #tpu.memory_space<semaphore_mem>>)
    %dma_wait3A_1145 = arith.constant 0 : i32
    %dma_wait3A_1146 = arith.constant 0 : i32
    %dma_wait3A_1147 = tpu.memref_slice %arg3[%add3A_1008, %dma_wait3A_1145, %dma_wait3A_1146] : memref<2048x2048x64xf32, #tpu.memory_space<hbm>> -> memref<1x2048x64xf32, #tpu.memory_space<hbm>>
    %dma_wait3A_1148 = tpu.memref_squeeze %dma_wait3A_1147 : memref<1x2048x64xf32, #tpu.memory_space<hbm>> -> memref<2048x64xf32, #tpu.memory_space<hbm>>
    %dma_wait3A_1149 = arith.constant 0 : i32
    %dma_wait3A_1150 = tpu.memref_slice %arg4[%sub3A_1010, %dma_wait3A_1149] : memref<4096x64xf32, #tpu.memory_space<vmem_shared>> -> memref<2048x64xf32, #tpu.memory_space<vmem_shared>>
    tpu.wait_dma2 semaphore(%arg7 : memref<!tpu.dma_semaphore, #tpu.memory_space<semaphore_mem>>) src(%dma_wait3A_1150 : memref<2048x64xf32, #tpu.memory_space<vmem_shared>>) dst(%dma_wait3A_1148 : memref<2048x64xf32, #tpu.memory_space<hbm>>)
    %add3A_1151 = arith.constant 54 : i32
    %add3A_1152 = arith.addi %mul3A_334, %add3A_1151 : i32
    %sub3A_1153 = arith.constant 2047 : i32
    %sub3A_1154 = arith.subi %sub3A_1153, %add3A_1152 : i32
    %dma_start3A_1155 = arith.constant 0 : i32
    %dma_start3A_1156 = arith.constant 0 : i32
    %dma_start3A_1157 = tpu.memref_slice %arg3[%add3A_1152, %dma_start3A_1155, %dma_start3A_1156] : memref<2048x2048x64xf32, #tpu.memory_space<hbm>> -> memref<1x2048x64xf32, #tpu.memory_space<hbm>>
    %dma_start3A_1158 = tpu.memref_squeeze %dma_start3A_1157 : memref<1x2048x64xf32, #tpu.memory_space<hbm>> -> memref<2048x64xf32, #tpu.memory_space<hbm>>
    %dma_start3A_1159 = arith.constant 0 : i32
    %dma_start3A_1160 = tpu.memref_slice %arg4[%sub3A_1154, %dma_start3A_1159] : memref<4096x64xf32, #tpu.memory_space<vmem_shared>> -> memref<2048x64xf32, #tpu.memory_space<vmem_shared>>
    tpu.enqueue_dma source(%dma_start3A_1160 : memref<2048x64xf32, #tpu.memory_space<vmem_shared>>) target(%dma_start3A_1158 : memref<2048x64xf32, #tpu.memory_space<hbm>>) target_semaphore(%arg7 : memref<!tpu.dma_semaphore, #tpu.memory_space<semaphore_mem>>)
    %dma_wait3A_1161 = arith.constant 0 : i32
    %dma_wait3A_1162 = arith.constant 0 : i32
    %dma_wait3A_1163 = tpu.memref_slice %arg3[%add3A_1024, %dma_wait3A_1161, %dma_wait3A_1162] : memref<2048x2048x64xf32, #tpu.memory_space<hbm>> -> memref<1x2048x64xf32, #tpu.memory_space<hbm>>
    %dma_wait3A_1164 = tpu.memref_squeeze %dma_wait3A_1163 : memref<1x2048x64xf32, #tpu.memory_space<hbm>> -> memref<2048x64xf32, #tpu.memory_space<hbm>>
    %dma_wait3A_1165 = arith.constant 0 : i32
    %dma_wait3A_1166 = tpu.memref_slice %arg4[%sub3A_1026, %dma_wait3A_1165] : memref<4096x64xf32, #tpu.memory_space<vmem_shared>> -> memref<2048x64xf32, #tpu.memory_space<vmem_shared>>
    tpu.wait_dma2 semaphore(%arg7 : memref<!tpu.dma_semaphore, #tpu.memory_space<semaphore_mem>>) src(%dma_wait3A_1166 : memref<2048x64xf32, #tpu.memory_space<vmem_shared>>) dst(%dma_wait3A_1164 : memref<2048x64xf32, #tpu.memory_space<hbm>>)
    %add3A_1167 = arith.constant 55 : i32
    %add3A_1168 = arith.addi %mul3A_334, %add3A_1167 : i32
    %sub3A_1169 = arith.constant 2047 : i32
    %sub3A_1170 = arith.subi %sub3A_1169, %add3A_1168 : i32
    %dma_start3A_1171 = arith.constant 0 : i32
    %dma_start3A_1172 = arith.constant 0 : i32
    %dma_start3A_1173 = tpu.memref_slice %arg3[%add3A_1168, %dma_start3A_1171, %dma_start3A_1172] : memref<2048x2048x64xf32, #tpu.memory_space<hbm>> -> memref<1x2048x64xf32, #tpu.memory_space<hbm>>
    %dma_start3A_1174 = tpu.memref_squeeze %dma_start3A_1173 : memref<1x2048x64xf32, #tpu.memory_space<hbm>> -> memref<2048x64xf32, #tpu.memory_space<hbm>>
    %dma_start3A_1175 = arith.constant 0 : i32
    %dma_start3A_1176 = tpu.memref_slice %arg4[%sub3A_1170, %dma_start3A_1175] : memref<4096x64xf32, #tpu.memory_space<vmem_shared>> -> memref<2048x64xf32, #tpu.memory_space<vmem_shared>>
    tpu.enqueue_dma source(%dma_start3A_1176 : memref<2048x64xf32, #tpu.memory_space<vmem_shared>>) target(%dma_start3A_1174 : memref<2048x64xf32, #tpu.memory_space<hbm>>) target_semaphore(%arg7 : memref<!tpu.dma_semaphore, #tpu.memory_space<semaphore_mem>>)
    %dma_wait3A_1177 = arith.constant 0 : i32
    %dma_wait3A_1178 = arith.constant 0 : i32
    %dma_wait3A_1179 = tpu.memref_slice %arg3[%add3A_1040, %dma_wait3A_1177, %dma_wait3A_1178] : memref<2048x2048x64xf32, #tpu.memory_space<hbm>> -> memref<1x2048x64xf32, #tpu.memory_space<hbm>>
    %dma_wait3A_1180 = tpu.memref_squeeze %dma_wait3A_1179 : memref<1x2048x64xf32, #tpu.memory_space<hbm>> -> memref<2048x64xf32, #tpu.memory_space<hbm>>
    %dma_wait3A_1181 = arith.constant 0 : i32
    %dma_wait3A_1182 = tpu.memref_slice %arg4[%sub3A_1042, %dma_wait3A_1181] : memref<4096x64xf32, #tpu.memory_space<vmem_shared>> -> memref<2048x64xf32, #tpu.memory_space<vmem_shared>>
    tpu.wait_dma2 semaphore(%arg7 : memref<!tpu.dma_semaphore, #tpu.memory_space<semaphore_mem>>) src(%dma_wait3A_1182 : memref<2048x64xf32, #tpu.memory_space<vmem_shared>>) dst(%dma_wait3A_1180 : memref<2048x64xf32, #tpu.memory_space<hbm>>)
    %add3A_1183 = arith.constant 56 : i32
    %add3A_1184 = arith.addi %mul3A_334, %add3A_1183 : i32
    %sub3A_1185 = arith.constant 2047 : i32
    %sub3A_1186 = arith.subi %sub3A_1185, %add3A_1184 : i32
    %dma_start3A_1187 = arith.constant 0 : i32
    %dma_start3A_1188 = arith.constant 0 : i32
    %dma_start3A_1189 = tpu.memref_slice %arg3[%add3A_1184, %dma_start3A_1187, %dma_start3A_1188] : memref<2048x2048x64xf32, #tpu.memory_space<hbm>> -> memref<1x2048x64xf32, #tpu.memory_space<hbm>>
    %dma_start3A_1190 = tpu.memref_squeeze %dma_start3A_1189 : memref<1x2048x64xf32, #tpu.memory_space<hbm>> -> memref<2048x64xf32, #tpu.memory_space<hbm>>
    %dma_start3A_1191 = arith.constant 0 : i32
    %dma_start3A_1192 = tpu.memref_slice %arg4[%sub3A_1186, %dma_start3A_1191] : memref<4096x64xf32, #tpu.memory_space<vmem_shared>> -> memref<2048x64xf32, #tpu.memory_space<vmem_shared>>
    tpu.enqueue_dma source(%dma_start3A_1192 : memref<2048x64xf32, #tpu.memory_space<vmem_shared>>) target(%dma_start3A_1190 : memref<2048x64xf32, #tpu.memory_space<hbm>>) target_semaphore(%arg7 : memref<!tpu.dma_semaphore, #tpu.memory_space<semaphore_mem>>)
    %dma_wait3A_1193 = arith.constant 0 : i32
    %dma_wait3A_1194 = arith.constant 0 : i32
    %dma_wait3A_1195 = tpu.memref_slice %arg3[%add3A_1056, %dma_wait3A_1193, %dma_wait3A_1194] : memref<2048x2048x64xf32, #tpu.memory_space<hbm>> -> memref<1x2048x64xf32, #tpu.memory_space<hbm>>
    %dma_wait3A_1196 = tpu.memref_squeeze %dma_wait3A_1195 : memref<1x2048x64xf32, #tpu.memory_space<hbm>> -> memref<2048x64xf32, #tpu.memory_space<hbm>>
    %dma_wait3A_1197 = arith.constant 0 : i32
    %dma_wait3A_1198 = tpu.memref_slice %arg4[%sub3A_1058, %dma_wait3A_1197] : memref<4096x64xf32, #tpu.memory_space<vmem_shared>> -> memref<2048x64xf32, #tpu.memory_space<vmem_shared>>
    tpu.wait_dma2 semaphore(%arg7 : memref<!tpu.dma_semaphore, #tpu.memory_space<semaphore_mem>>) src(%dma_wait3A_1198 : memref<2048x64xf32, #tpu.memory_space<vmem_shared>>) dst(%dma_wait3A_1196 : memref<2048x64xf32, #tpu.memory_space<hbm>>)
    %add3A_1199 = arith.constant 57 : i32
    %add3A_1200 = arith.addi %mul3A_334, %add3A_1199 : i32
    %sub3A_1201 = arith.constant 2047 : i32
    %sub3A_1202 = arith.subi %sub3A_1201, %add3A_1200 : i32
    %dma_start3A_1203 = arith.constant 0 : i32
    %dma_start3A_1204 = arith.constant 0 : i32
    %dma_start3A_1205 = tpu.memref_slice %arg3[%add3A_1200, %dma_start3A_1203, %dma_start3A_1204] : memref<2048x2048x64xf32, #tpu.memory_space<hbm>> -> memref<1x2048x64xf32, #tpu.memory_space<hbm>>
    %dma_start3A_1206 = tpu.memref_squeeze %dma_start3A_1205 : memref<1x2048x64xf32, #tpu.memory_space<hbm>> -> memref<2048x64xf32, #tpu.memory_space<hbm>>
    %dma_start3A_1207 = arith.constant 0 : i32
    %dma_start3A_1208 = tpu.memref_slice %arg4[%sub3A_1202, %dma_start3A_1207] : memref<4096x64xf32, #tpu.memory_space<vmem_shared>> -> memref<2048x64xf32, #tpu.memory_space<vmem_shared>>
    tpu.enqueue_dma source(%dma_start3A_1208 : memref<2048x64xf32, #tpu.memory_space<vmem_shared>>) target(%dma_start3A_1206 : memref<2048x64xf32, #tpu.memory_space<hbm>>) target_semaphore(%arg7 : memref<!tpu.dma_semaphore, #tpu.memory_space<semaphore_mem>>)
    %dma_wait3A_1209 = arith.constant 0 : i32
    %dma_wait3A_1210 = arith.constant 0 : i32
    %dma_wait3A_1211 = tpu.memref_slice %arg3[%add3A_1072, %dma_wait3A_1209, %dma_wait3A_1210] : memref<2048x2048x64xf32, #tpu.memory_space<hbm>> -> memref<1x2048x64xf32, #tpu.memory_space<hbm>>
    %dma_wait3A_1212 = tpu.memref_squeeze %dma_wait3A_1211 : memref<1x2048x64xf32, #tpu.memory_space<hbm>> -> memref<2048x64xf32, #tpu.memory_space<hbm>>
    %dma_wait3A_1213 = arith.constant 0 : i32
    %dma_wait3A_1214 = tpu.memref_slice %arg4[%sub3A_1074, %dma_wait3A_1213] : memref<4096x64xf32, #tpu.memory_space<vmem_shared>> -> memref<2048x64xf32, #tpu.memory_space<vmem_shared>>
    tpu.wait_dma2 semaphore(%arg7 : memref<!tpu.dma_semaphore, #tpu.memory_space<semaphore_mem>>) src(%dma_wait3A_1214 : memref<2048x64xf32, #tpu.memory_space<vmem_shared>>) dst(%dma_wait3A_1212 : memref<2048x64xf32, #tpu.memory_space<hbm>>)
    %add3A_1215 = arith.constant 58 : i32
    %add3A_1216 = arith.addi %mul3A_334, %add3A_1215 : i32
    %sub3A_1217 = arith.constant 2047 : i32
    %sub3A_1218 = arith.subi %sub3A_1217, %add3A_1216 : i32
    %dma_start3A_1219 = arith.constant 0 : i32
    %dma_start3A_1220 = arith.constant 0 : i32
    %dma_start3A_1221 = tpu.memref_slice %arg3[%add3A_1216, %dma_start3A_1219, %dma_start3A_1220] : memref<2048x2048x64xf32, #tpu.memory_space<hbm>> -> memref<1x2048x64xf32, #tpu.memory_space<hbm>>
    %dma_start3A_1222 = tpu.memref_squeeze %dma_start3A_1221 : memref<1x2048x64xf32, #tpu.memory_space<hbm>> -> memref<2048x64xf32, #tpu.memory_space<hbm>>
    %dma_start3A_1223 = arith.constant 0 : i32
    %dma_start3A_1224 = tpu.memref_slice %arg4[%sub3A_1218, %dma_start3A_1223] : memref<4096x64xf32, #tpu.memory_space<vmem_shared>> -> memref<2048x64xf32, #tpu.memory_space<vmem_shared>>
    tpu.enqueue_dma source(%dma_start3A_1224 : memref<2048x64xf32, #tpu.memory_space<vmem_shared>>) target(%dma_start3A_1222 : memref<2048x64xf32, #tpu.memory_space<hbm>>) target_semaphore(%arg7 : memref<!tpu.dma_semaphore, #tpu.memory_space<semaphore_mem>>)
    %dma_wait3A_1225 = arith.constant 0 : i32
    %dma_wait3A_1226 = arith.constant 0 : i32
    %dma_wait3A_1227 = tpu.memref_slice %arg3[%add3A_1088, %dma_wait3A_1225, %dma_wait3A_1226] : memref<2048x2048x64xf32, #tpu.memory_space<hbm>> -> memref<1x2048x64xf32, #tpu.memory_space<hbm>>
    %dma_wait3A_1228 = tpu.memref_squeeze %dma_wait3A_1227 : memref<1x2048x64xf32, #tpu.memory_space<hbm>> -> memref<2048x64xf32, #tpu.memory_space<hbm>>
    %dma_wait3A_1229 = arith.constant 0 : i32
    %dma_wait3A_1230 = tpu.memref_slice %arg4[%sub3A_1090, %dma_wait3A_1229] : memref<4096x64xf32, #tpu.memory_space<vmem_shared>> -> memref<2048x64xf32, #tpu.memory_space<vmem_shared>>
    tpu.wait_dma2 semaphore(%arg7 : memref<!tpu.dma_semaphore, #tpu.memory_space<semaphore_mem>>) src(%dma_wait3A_1230 : memref<2048x64xf32, #tpu.memory_space<vmem_shared>>) dst(%dma_wait3A_1228 : memref<2048x64xf32, #tpu.memory_space<hbm>>)
    %add3A_1231 = arith.constant 59 : i32
    %add3A_1232 = arith.addi %mul3A_334, %add3A_1231 : i32
    %sub3A_1233 = arith.constant 2047 : i32
    %sub3A_1234 = arith.subi %sub3A_1233, %add3A_1232 : i32
    %dma_start3A_1235 = arith.constant 0 : i32
    %dma_start3A_1236 = arith.constant 0 : i32
    %dma_start3A_1237 = tpu.memref_slice %arg3[%add3A_1232, %dma_start3A_1235, %dma_start3A_1236] : memref<2048x2048x64xf32, #tpu.memory_space<hbm>> -> memref<1x2048x64xf32, #tpu.memory_space<hbm>>
    %dma_start3A_1238 = tpu.memref_squeeze %dma_start3A_1237 : memref<1x2048x64xf32, #tpu.memory_space<hbm>> -> memref<2048x64xf32, #tpu.memory_space<hbm>>
    %dma_start3A_1239 = arith.constant 0 : i32
    %dma_start3A_1240 = tpu.memref_slice %arg4[%sub3A_1234, %dma_start3A_1239] : memref<4096x64xf32, #tpu.memory_space<vmem_shared>> -> memref<2048x64xf32, #tpu.memory_space<vmem_shared>>
    tpu.enqueue_dma source(%dma_start3A_1240 : memref<2048x64xf32, #tpu.memory_space<vmem_shared>>) target(%dma_start3A_1238 : memref<2048x64xf32, #tpu.memory_space<hbm>>) target_semaphore(%arg7 : memref<!tpu.dma_semaphore, #tpu.memory_space<semaphore_mem>>)
    %dma_wait3A_1241 = arith.constant 0 : i32
    %dma_wait3A_1242 = arith.constant 0 : i32
    %dma_wait3A_1243 = tpu.memref_slice %arg3[%add3A_1104, %dma_wait3A_1241, %dma_wait3A_1242] : memref<2048x2048x64xf32, #tpu.memory_space<hbm>> -> memref<1x2048x64xf32, #tpu.memory_space<hbm>>
    %dma_wait3A_1244 = tpu.memref_squeeze %dma_wait3A_1243 : memref<1x2048x64xf32, #tpu.memory_space<hbm>> -> memref<2048x64xf32, #tpu.memory_space<hbm>>
    %dma_wait3A_1245 = arith.constant 0 : i32
    %dma_wait3A_1246 = tpu.memref_slice %arg4[%sub3A_1106, %dma_wait3A_1245] : memref<4096x64xf32, #tpu.memory_space<vmem_shared>> -> memref<2048x64xf32, #tpu.memory_space<vmem_shared>>
    tpu.wait_dma2 semaphore(%arg7 : memref<!tpu.dma_semaphore, #tpu.memory_space<semaphore_mem>>) src(%dma_wait3A_1246 : memref<2048x64xf32, #tpu.memory_space<vmem_shared>>) dst(%dma_wait3A_1244 : memref<2048x64xf32, #tpu.memory_space<hbm>>)
    %add3A_1247 = arith.constant 60 : i32
    %add3A_1248 = arith.addi %mul3A_334, %add3A_1247 : i32
    %sub3A_1249 = arith.constant 2047 : i32
    %sub3A_1250 = arith.subi %sub3A_1249, %add3A_1248 : i32
    %dma_start3A_1251 = arith.constant 0 : i32
    %dma_start3A_1252 = arith.constant 0 : i32
    %dma_start3A_1253 = tpu.memref_slice %arg3[%add3A_1248, %dma_start3A_1251, %dma_start3A_1252] : memref<2048x2048x64xf32, #tpu.memory_space<hbm>> -> memref<1x2048x64xf32, #tpu.memory_space<hbm>>
    %dma_start3A_1254 = tpu.memref_squeeze %dma_start3A_1253 : memref<1x2048x64xf32, #tpu.memory_space<hbm>> -> memref<2048x64xf32, #tpu.memory_space<hbm>>
    %dma_start3A_1255 = arith.constant 0 : i32
    %dma_start3A_1256 = tpu.memref_slice %arg4[%sub3A_1250, %dma_start3A_1255] : memref<4096x64xf32, #tpu.memory_space<vmem_shared>> -> memref<2048x64xf32, #tpu.memory_space<vmem_shared>>
    tpu.enqueue_dma source(%dma_start3A_1256 : memref<2048x64xf32, #tpu.memory_space<vmem_shared>>) target(%dma_start3A_1254 : memref<2048x64xf32, #tpu.memory_space<hbm>>) target_semaphore(%arg7 : memref<!tpu.dma_semaphore, #tpu.memory_space<semaphore_mem>>)
    %dma_wait3A_1257 = arith.constant 0 : i32
    %dma_wait3A_1258 = arith.constant 0 : i32
    %dma_wait3A_1259 = tpu.memref_slice %arg3[%add3A_1120, %dma_wait3A_1257, %dma_wait3A_1258] : memref<2048x2048x64xf32, #tpu.memory_space<hbm>> -> memref<1x2048x64xf32, #tpu.memory_space<hbm>>
    %dma_wait3A_1260 = tpu.memref_squeeze %dma_wait3A_1259 : memref<1x2048x64xf32, #tpu.memory_space<hbm>> -> memref<2048x64xf32, #tpu.memory_space<hbm>>
    %dma_wait3A_1261 = arith.constant 0 : i32
    %dma_wait3A_1262 = tpu.memref_slice %arg4[%sub3A_1122, %dma_wait3A_1261] : memref<4096x64xf32, #tpu.memory_space<vmem_shared>> -> memref<2048x64xf32, #tpu.memory_space<vmem_shared>>
    tpu.wait_dma2 semaphore(%arg7 : memref<!tpu.dma_semaphore, #tpu.memory_space<semaphore_mem>>) src(%dma_wait3A_1262 : memref<2048x64xf32, #tpu.memory_space<vmem_shared>>) dst(%dma_wait3A_1260 : memref<2048x64xf32, #tpu.memory_space<hbm>>)
    %add3A_1263 = arith.constant 61 : i32
    %add3A_1264 = arith.addi %mul3A_334, %add3A_1263 : i32
    %sub3A_1265 = arith.constant 2047 : i32
    %sub3A_1266 = arith.subi %sub3A_1265, %add3A_1264 : i32
    %dma_start3A_1267 = arith.constant 0 : i32
    %dma_start3A_1268 = arith.constant 0 : i32
    %dma_start3A_1269 = tpu.memref_slice %arg3[%add3A_1264, %dma_start3A_1267, %dma_start3A_1268] : memref<2048x2048x64xf32, #tpu.memory_space<hbm>> -> memref<1x2048x64xf32, #tpu.memory_space<hbm>>
    %dma_start3A_1270 = tpu.memref_squeeze %dma_start3A_1269 : memref<1x2048x64xf32, #tpu.memory_space<hbm>> -> memref<2048x64xf32, #tpu.memory_space<hbm>>
    %dma_start3A_1271 = arith.constant 0 : i32
    %dma_start3A_1272 = tpu.memref_slice %arg4[%sub3A_1266, %dma_start3A_1271] : memref<4096x64xf32, #tpu.memory_space<vmem_shared>> -> memref<2048x64xf32, #tpu.memory_space<vmem_shared>>
    tpu.enqueue_dma source(%dma_start3A_1272 : memref<2048x64xf32, #tpu.memory_space<vmem_shared>>) target(%dma_start3A_1270 : memref<2048x64xf32, #tpu.memory_space<hbm>>) target_semaphore(%arg7 : memref<!tpu.dma_semaphore, #tpu.memory_space<semaphore_mem>>)
    %dma_wait3A_1273 = arith.constant 0 : i32
    %dma_wait3A_1274 = arith.constant 0 : i32
    %dma_wait3A_1275 = tpu.memref_slice %arg3[%add3A_1136, %dma_wait3A_1273, %dma_wait3A_1274] : memref<2048x2048x64xf32, #tpu.memory_space<hbm>> -> memref<1x2048x64xf32, #tpu.memory_space<hbm>>
    %dma_wait3A_1276 = tpu.memref_squeeze %dma_wait3A_1275 : memref<1x2048x64xf32, #tpu.memory_space<hbm>> -> memref<2048x64xf32, #tpu.memory_space<hbm>>
    %dma_wait3A_1277 = arith.constant 0 : i32
    %dma_wait3A_1278 = tpu.memref_slice %arg4[%sub3A_1138, %dma_wait3A_1277] : memref<4096x64xf32, #tpu.memory_space<vmem_shared>> -> memref<2048x64xf32, #tpu.memory_space<vmem_shared>>
    tpu.wait_dma2 semaphore(%arg7 : memref<!tpu.dma_semaphore, #tpu.memory_space<semaphore_mem>>) src(%dma_wait3A_1278 : memref<2048x64xf32, #tpu.memory_space<vmem_shared>>) dst(%dma_wait3A_1276 : memref<2048x64xf32, #tpu.memory_space<hbm>>)
    %add3A_1279 = arith.constant 62 : i32
    %add3A_1280 = arith.addi %mul3A_334, %add3A_1279 : i32
    %sub3A_1281 = arith.constant 2047 : i32
    %sub3A_1282 = arith.subi %sub3A_1281, %add3A_1280 : i32
    %dma_start3A_1283 = arith.constant 0 : i32
    %dma_start3A_1284 = arith.constant 0 : i32
    %dma_start3A_1285 = tpu.memref_slice %arg3[%add3A_1280, %dma_start3A_1283, %dma_start3A_1284] : memref<2048x2048x64xf32, #tpu.memory_space<hbm>> -> memref<1x2048x64xf32, #tpu.memory_space<hbm>>
    %dma_start3A_1286 = tpu.memref_squeeze %dma_start3A_1285 : memref<1x2048x64xf32, #tpu.memory_space<hbm>> -> memref<2048x64xf32, #tpu.memory_space<hbm>>
    %dma_start3A_1287 = arith.constant 0 : i32
    %dma_start3A_1288 = tpu.memref_slice %arg4[%sub3A_1282, %dma_start3A_1287] : memref<4096x64xf32, #tpu.memory_space<vmem_shared>> -> memref<2048x64xf32, #tpu.memory_space<vmem_shared>>
    tpu.enqueue_dma source(%dma_start3A_1288 : memref<2048x64xf32, #tpu.memory_space<vmem_shared>>) target(%dma_start3A_1286 : memref<2048x64xf32, #tpu.memory_space<hbm>>) target_semaphore(%arg7 : memref<!tpu.dma_semaphore, #tpu.memory_space<semaphore_mem>>)
    %dma_wait3A_1289 = arith.constant 0 : i32
    %dma_wait3A_1290 = arith.constant 0 : i32
    %dma_wait3A_1291 = tpu.memref_slice %arg3[%add3A_1152, %dma_wait3A_1289, %dma_wait3A_1290] : memref<2048x2048x64xf32, #tpu.memory_space<hbm>> -> memref<1x2048x64xf32, #tpu.memory_space<hbm>>
    %dma_wait3A_1292 = tpu.memref_squeeze %dma_wait3A_1291 : memref<1x2048x64xf32, #tpu.memory_space<hbm>> -> memref<2048x64xf32, #tpu.memory_space<hbm>>
    %dma_wait3A_1293 = arith.constant 0 : i32
    %dma_wait3A_1294 = tpu.memref_slice %arg4[%sub3A_1154, %dma_wait3A_1293] : memref<4096x64xf32, #tpu.memory_space<vmem_shared>> -> memref<2048x64xf32, #tpu.memory_space<vmem_shared>>
    tpu.wait_dma2 semaphore(%arg7 : memref<!tpu.dma_semaphore, #tpu.memory_space<semaphore_mem>>) src(%dma_wait3A_1294 : memref<2048x64xf32, #tpu.memory_space<vmem_shared>>) dst(%dma_wait3A_1292 : memref<2048x64xf32, #tpu.memory_space<hbm>>)
    %add3A_1295 = arith.constant 63 : i32
    %add3A_1296 = arith.addi %mul3A_334, %add3A_1295 : i32
    %sub3A_1297 = arith.constant 2047 : i32
    %sub3A_1298 = arith.subi %sub3A_1297, %add3A_1296 : i32
    %dma_start3A_1299 = arith.constant 0 : i32
    %dma_start3A_1300 = arith.constant 0 : i32
    %dma_start3A_1301 = tpu.memref_slice %arg3[%add3A_1296, %dma_start3A_1299, %dma_start3A_1300] : memref<2048x2048x64xf32, #tpu.memory_space<hbm>> -> memref<1x2048x64xf32, #tpu.memory_space<hbm>>
    %dma_start3A_1302 = tpu.memref_squeeze %dma_start3A_1301 : memref<1x2048x64xf32, #tpu.memory_space<hbm>> -> memref<2048x64xf32, #tpu.memory_space<hbm>>
    %dma_start3A_1303 = arith.constant 0 : i32
    %dma_start3A_1304 = tpu.memref_slice %arg4[%sub3A_1298, %dma_start3A_1303] : memref<4096x64xf32, #tpu.memory_space<vmem_shared>> -> memref<2048x64xf32, #tpu.memory_space<vmem_shared>>
    tpu.enqueue_dma source(%dma_start3A_1304 : memref<2048x64xf32, #tpu.memory_space<vmem_shared>>) target(%dma_start3A_1302 : memref<2048x64xf32, #tpu.memory_space<hbm>>) target_semaphore(%arg7 : memref<!tpu.dma_semaphore, #tpu.memory_space<semaphore_mem>>)
    %dma_wait3A_1305 = arith.constant 0 : i32
    %dma_wait3A_1306 = arith.constant 0 : i32
    %dma_wait3A_1307 = tpu.memref_slice %arg3[%add3A_1168, %dma_wait3A_1305, %dma_wait3A_1306] : memref<2048x2048x64xf32, #tpu.memory_space<hbm>> -> memref<1x2048x64xf32, #tpu.memory_space<hbm>>
    %dma_wait3A_1308 = tpu.memref_squeeze %dma_wait3A_1307 : memref<1x2048x64xf32, #tpu.memory_space<hbm>> -> memref<2048x64xf32, #tpu.memory_space<hbm>>
    %dma_wait3A_1309 = arith.constant 0 : i32
    %dma_wait3A_1310 = tpu.memref_slice %arg4[%sub3A_1170, %dma_wait3A_1309] : memref<4096x64xf32, #tpu.memory_space<vmem_shared>> -> memref<2048x64xf32, #tpu.memory_space<vmem_shared>>
    tpu.wait_dma2 semaphore(%arg7 : memref<!tpu.dma_semaphore, #tpu.memory_space<semaphore_mem>>) src(%dma_wait3A_1310 : memref<2048x64xf32, #tpu.memory_space<vmem_shared>>) dst(%dma_wait3A_1308 : memref<2048x64xf32, #tpu.memory_space<hbm>>)
    %dma_wait3A_1311 = arith.constant 0 : i32
    %dma_wait3A_1312 = arith.constant 0 : i32
    %dma_wait3A_1313 = tpu.memref_slice %arg3[%add3A_1184, %dma_wait3A_1311, %dma_wait3A_1312] : memref<2048x2048x64xf32, #tpu.memory_space<hbm>> -> memref<1x2048x64xf32, #tpu.memory_space<hbm>>
    %dma_wait3A_1314 = tpu.memref_squeeze %dma_wait3A_1313 : memref<1x2048x64xf32, #tpu.memory_space<hbm>> -> memref<2048x64xf32, #tpu.memory_space<hbm>>
    %dma_wait3A_1315 = arith.constant 0 : i32
    %dma_wait3A_1316 = tpu.memref_slice %arg4[%sub3A_1186, %dma_wait3A_1315] : memref<4096x64xf32, #tpu.memory_space<vmem_shared>> -> memref<2048x64xf32, #tpu.memory_space<vmem_shared>>
    tpu.wait_dma2 semaphore(%arg7 : memref<!tpu.dma_semaphore, #tpu.memory_space<semaphore_mem>>) src(%dma_wait3A_1316 : memref<2048x64xf32, #tpu.memory_space<vmem_shared>>) dst(%dma_wait3A_1314 : memref<2048x64xf32, #tpu.memory_space<hbm>>)
    %dma_wait3A_1317 = arith.constant 0 : i32
    %dma_wait3A_1318 = arith.constant 0 : i32
    %dma_wait3A_1319 = tpu.memref_slice %arg3[%add3A_1200, %dma_wait3A_1317, %dma_wait3A_1318] : memref<2048x2048x64xf32, #tpu.memory_space<hbm>> -> memref<1x2048x64xf32, #tpu.memory_space<hbm>>
    %dma_wait3A_1320 = tpu.memref_squeeze %dma_wait3A_1319 : memref<1x2048x64xf32, #tpu.memory_space<hbm>> -> memref<2048x64xf32, #tpu.memory_space<hbm>>
    %dma_wait3A_1321 = arith.constant 0 : i32
    %dma_wait3A_1322 = tpu.memref_slice %arg4[%sub3A_1202, %dma_wait3A_1321] : memref<4096x64xf32, #tpu.memory_space<vmem_shared>> -> memref<2048x64xf32, #tpu.memory_space<vmem_shared>>
    tpu.wait_dma2 semaphore(%arg7 : memref<!tpu.dma_semaphore, #tpu.memory_space<semaphore_mem>>) src(%dma_wait3A_1322 : memref<2048x64xf32, #tpu.memory_space<vmem_shared>>) dst(%dma_wait3A_1320 : memref<2048x64xf32, #tpu.memory_space<hbm>>)
    %dma_wait3A_1323 = arith.constant 0 : i32
    %dma_wait3A_1324 = arith.constant 0 : i32
    %dma_wait3A_1325 = tpu.memref_slice %arg3[%add3A_1216, %dma_wait3A_1323, %dma_wait3A_1324] : memref<2048x2048x64xf32, #tpu.memory_space<hbm>> -> memref<1x2048x64xf32, #tpu.memory_space<hbm>>
    %dma_wait3A_1326 = tpu.memref_squeeze %dma_wait3A_1325 : memref<1x2048x64xf32, #tpu.memory_space<hbm>> -> memref<2048x64xf32, #tpu.memory_space<hbm>>
    %dma_wait3A_1327 = arith.constant 0 : i32
    %dma_wait3A_1328 = tpu.memref_slice %arg4[%sub3A_1218, %dma_wait3A_1327] : memref<4096x64xf32, #tpu.memory_space<vmem_shared>> -> memref<2048x64xf32, #tpu.memory_space<vmem_shared>>
    tpu.wait_dma2 semaphore(%arg7 : memref<!tpu.dma_semaphore, #tpu.memory_space<semaphore_mem>>) src(%dma_wait3A_1328 : memref<2048x64xf32, #tpu.memory_space<vmem_shared>>) dst(%dma_wait3A_1326 : memref<2048x64xf32, #tpu.memory_space<hbm>>)
    %dma_wait3A_1329 = arith.constant 0 : i32
    %dma_wait3A_1330 = arith.constant 0 : i32
    %dma_wait3A_1331 = tpu.memref_slice %arg3[%add3A_1232, %dma_wait3A_1329, %dma_wait3A_1330] : memref<2048x2048x64xf32, #tpu.memory_space<hbm>> -> memref<1x2048x64xf32, #tpu.memory_space<hbm>>
    %dma_wait3A_1332 = tpu.memref_squeeze %dma_wait3A_1331 : memref<1x2048x64xf32, #tpu.memory_space<hbm>> -> memref<2048x64xf32, #tpu.memory_space<hbm>>
    %dma_wait3A_1333 = arith.constant 0 : i32
    %dma_wait3A_1334 = tpu.memref_slice %arg4[%sub3A_1234, %dma_wait3A_1333] : memref<4096x64xf32, #tpu.memory_space<vmem_shared>> -> memref<2048x64xf32, #tpu.memory_space<vmem_shared>>
    tpu.wait_dma2 semaphore(%arg7 : memref<!tpu.dma_semaphore, #tpu.memory_space<semaphore_mem>>) src(%dma_wait3A_1334 : memref<2048x64xf32, #tpu.memory_space<vmem_shared>>) dst(%dma_wait3A_1332 : memref<2048x64xf32, #tpu.memory_space<hbm>>)
    %dma_wait3A_1335 = arith.constant 0 : i32
    %dma_wait3A_1336 = arith.constant 0 : i32
    %dma_wait3A_1337 = tpu.memref_slice %arg3[%add3A_1248, %dma_wait3A_1335, %dma_wait3A_1336] : memref<2048x2048x64xf32, #tpu.memory_space<hbm>> -> memref<1x2048x64xf32, #tpu.memory_space<hbm>>
    %dma_wait3A_1338 = tpu.memref_squeeze %dma_wait3A_1337 : memref<1x2048x64xf32, #tpu.memory_space<hbm>> -> memref<2048x64xf32, #tpu.memory_space<hbm>>
    %dma_wait3A_1339 = arith.constant 0 : i32
    %dma_wait3A_1340 = tpu.memref_slice %arg4[%sub3A_1250, %dma_wait3A_1339] : memref<4096x64xf32, #tpu.memory_space<vmem_shared>> -> memref<2048x64xf32, #tpu.memory_space<vmem_shared>>
    tpu.wait_dma2 semaphore(%arg7 : memref<!tpu.dma_semaphore, #tpu.memory_space<semaphore_mem>>) src(%dma_wait3A_1340 : memref<2048x64xf32, #tpu.memory_space<vmem_shared>>) dst(%dma_wait3A_1338 : memref<2048x64xf32, #tpu.memory_space<hbm>>)
    %dma_wait3A_1341 = arith.constant 0 : i32
    %dma_wait3A_1342 = arith.constant 0 : i32
    %dma_wait3A_1343 = tpu.memref_slice %arg3[%add3A_1264, %dma_wait3A_1341, %dma_wait3A_1342] : memref<2048x2048x64xf32, #tpu.memory_space<hbm>> -> memref<1x2048x64xf32, #tpu.memory_space<hbm>>
    %dma_wait3A_1344 = tpu.memref_squeeze %dma_wait3A_1343 : memref<1x2048x64xf32, #tpu.memory_space<hbm>> -> memref<2048x64xf32, #tpu.memory_space<hbm>>
    %dma_wait3A_1345 = arith.constant 0 : i32
    %dma_wait3A_1346 = tpu.memref_slice %arg4[%sub3A_1266, %dma_wait3A_1345] : memref<4096x64xf32, #tpu.memory_space<vmem_shared>> -> memref<2048x64xf32, #tpu.memory_space<vmem_shared>>
    tpu.wait_dma2 semaphore(%arg7 : memref<!tpu.dma_semaphore, #tpu.memory_space<semaphore_mem>>) src(%dma_wait3A_1346 : memref<2048x64xf32, #tpu.memory_space<vmem_shared>>) dst(%dma_wait3A_1344 : memref<2048x64xf32, #tpu.memory_space<hbm>>)
    %dma_wait3A_1347 = arith.constant 0 : i32
    %dma_wait3A_1348 = arith.constant 0 : i32
    %dma_wait3A_1349 = tpu.memref_slice %arg3[%add3A_1280, %dma_wait3A_1347, %dma_wait3A_1348] : memref<2048x2048x64xf32, #tpu.memory_space<hbm>> -> memref<1x2048x64xf32, #tpu.memory_space<hbm>>
    %dma_wait3A_1350 = tpu.memref_squeeze %dma_wait3A_1349 : memref<1x2048x64xf32, #tpu.memory_space<hbm>> -> memref<2048x64xf32, #tpu.memory_space<hbm>>
    %dma_wait3A_1351 = arith.constant 0 : i32
    %dma_wait3A_1352 = tpu.memref_slice %arg4[%sub3A_1282, %dma_wait3A_1351] : memref<4096x64xf32, #tpu.memory_space<vmem_shared>> -> memref<2048x64xf32, #tpu.memory_space<vmem_shared>>
    tpu.wait_dma2 semaphore(%arg7 : memref<!tpu.dma_semaphore, #tpu.memory_space<semaphore_mem>>) src(%dma_wait3A_1352 : memref<2048x64xf32, #tpu.memory_space<vmem_shared>>) dst(%dma_wait3A_1350 : memref<2048x64xf32, #tpu.memory_space<hbm>>)
    %dma_wait3A_1353 = arith.constant 0 : i32
    %dma_wait3A_1354 = arith.constant 0 : i32
    %dma_wait3A_1355 = tpu.memref_slice %arg3[%add3A_1296, %dma_wait3A_1353, %dma_wait3A_1354] : memref<2048x2048x64xf32, #tpu.memory_space<hbm>> -> memref<1x2048x64xf32, #tpu.memory_space<hbm>>
    %dma_wait3A_1356 = tpu.memref_squeeze %dma_wait3A_1355 : memref<1x2048x64xf32, #tpu.memory_space<hbm>> -> memref<2048x64xf32, #tpu.memory_space<hbm>>
    %dma_wait3A_1357 = arith.constant 0 : i32
    %dma_wait3A_1358 = tpu.memref_slice %arg4[%sub3A_1298, %dma_wait3A_1357] : memref<4096x64xf32, #tpu.memory_space<vmem_shared>> -> memref<2048x64xf32, #tpu.memory_space<vmem_shared>>
    tpu.wait_dma2 semaphore(%arg7 : memref<!tpu.dma_semaphore, #tpu.memory_space<semaphore_mem>>) src(%dma_wait3A_1358 : memref<2048x64xf32, #tpu.memory_space<vmem_shared>>) dst(%dma_wait3A_1356 : memref<2048x64xf32, #tpu.memory_space<hbm>>)
    return
  }
}

</mosaic_0001>

<sc_bundles>
// kernel: kernel.3.cloned.1.call-start
scs
__scs_entry_jumppad:
0x0: {  	(pc) =	sbr.rel $0x88, $3  }
0x1: {  	(tag) =	ssettag $0x0;
	lr =	simm.s32 $0x1  }
0x2: {  	[smem:$0x3FA0] =	sst lr;
	_ =	strace $0xD0000000  }
0x3: {  	_ = 	snop  }
0x4: {  	_ = 	snop  }
0x5: {  	_ = 	snop  }
0x6: {  	_ = 	snop  }
0x7: {  	_ = 	snop  }
__scs_overlays_trampoline_lowered:
0x8: {  	[smem:$0x3FAF] =	sst s0  }
0x9: {  	[smem:$0x3FB0] =	sst s1  }
0xa: {  	[smem:$0x3FB1] =	sst s2  }
0xb: {  	[smem:$0x3FB2] =	sst s3  }
0xc: {  	[smem:$0x3FB3] =	sst s4  }
0xd: {  	[smem:$0x3FB4] =	sst s5  }
0xe: {  	[smem:$0x3FB5] =	sst s6  }
0xf: {  	[smem:$0x3FB6] =	sst s7  }
0x10: {  	[smem:$0x3FB7] =	sst s8  }
0x11: {  	[smem:$0x3FB8] =	sst s9;
	s0 =	simm.s32 @!p0 $0x0  }
0x12: {  	s1 =	sld [smem:$0x3F9E];
	s0 =	simm.s32 @p0 $0x1  }
0x13: {  	[smem:$0x3FB9] =	sst s0;
	s0 =	simm.s32 @!p1 $0x0  }
0x14: {  	s2 =	sld [smem:$0x3F9D];
	s0 =	simm.s32 @p1 $0x1  }
0x15: {  	[smem:$0x3FBA] =	sst s0;
	s0 =	simm.s32 @!p2 $0x0  }
0x16: {  	s3 =	sld [smem:$0x3FDB];
	s0 =	simm.s32 @p2 $0x1  }
0x17: {  	s4 =	simm.s32 $0x1BF5;
	[smem:$0x3FBC] =	sst s0  }
0x18: {  	s0 =	sld [smem:$0x3F9F];
	_ =	swait.ge [sflag:s4], $0x0  }
0x19: {  	s7 =	sld [smem:$0x3FA0]  }
0x1a: {  	s8 =	sadd.s32 $0xFFFFE003, lr  }
0x1b: {  	s9 =	sadd.s32 $0xFFFFFEF7, lr;
	s5 =	simm.s32 $0xFFFFFFFF;
	p2 =	slt.u32 s8, $0xFFFFF086  }
0x1c: {  	p1 =	slt.u32 s9, $0xF7A;
	s5 =	simm.s32 @!p2 $0x0  }
0x1d: {  	s5 =	simm.s32 @p1 $0x1;
	p0 =	seq.s32 s7, s2  }
0x1e: {  	s7 =	smul.u32 @!p0 $0xF7A, s2;
	p2 =	seq.s32 @!p0 s5, $0x0  }
0x1f: {  	s9 =	smul.u32 $0xF7A, s1;
	s8 =	simm.s32 @!p0 $0x1BF5;
	p2 =	por !p2, p0  }
0x20: {  	[sflag:s8] =	ssyncset.s32 @!p0 $0xFFFFF086;
	s6 =	sadd.s32 @!p0 s3, s7;
	s7 =	simm.s32 @!p0 $0x108  }
0x21: {  	s3 =	sadd.s32 s3, s9;
	s6 =	sadd.s32 @!p0 $0x88, s6;
	s7 =	simm.s32 @p2 $0x1082  }
0x22: {  	[simem:s7], [sflag:s8] =	dma.local @!p0 [hbm:s6], $0xF7A  }
0x23: {  	s9 =	sor.u32 $0xD0000000, s2;
	s6 =	simm.s32 $0x108;
	_ =	swait.ge @!p0 [sflag:s8], $0x0  }
0x24: {  	s3 =	sadd.s32 $0x88, s3;
	s6 =	simm.s32 @!p1 $0x1082;
	[sflag:s4] =	ssyncset.s32 $0xFFFFF086  }
0x25: {  	[simem:s6], [sflag:s4] =	dma.local [hbm:s3], $0xF7A  }
0x26: {  	[smem:$0x3FA0] =	sst s1;
	(tag) =	ssettag s2;
	_ =	strace s9  }
0x27: {  	s1 =	sld [smem:$0x3FB0]  }
0x28: {  	s2 =	sld [smem:$0x3FB1]  }
0x29: {  	s4 =	sld [smem:$0x3FB3]  }
0x2a: {  	p0 =	seq.s32 s5, $0x0;
	s5 =	sld [smem:$0x3FB4]  }
0x2b: {  	s6 =	sld [smem:$0x3FB5]  }
0x2c: {  	s7 =	sld [smem:$0x3FB6]  }
0x2d: {  	s3 =	simm.s32 $0x108;
	s8 =	sld [smem:$0x3FB7]  }
0x2e: {  	s3 =	simm.s32 @!p0 $0x1082;
	s9 =	sld [smem:$0x3FB8]  }
0x2f: {  	lr =	sadd.s32 s0, s3;
	s0 =	sld [smem:$0x3FAF]  }
0x30: {  	s3 =	sld [smem:$0x3FB2]  }
0x31: {  	[smem:$0x3FBB] =	sst s10  }
0x32: {  	s10 =	sld [smem:$0x3FB9];
	_ =	sdelay $0x3  }
0x33: {  	p0 =	seq.s32 s10, $0x1;
	s10 =	sld [smem:$0x3FBB];
	_ =	sdelay $0x3  }
0x34: {  	[smem:$0x3FBB] =	sst s10  }
0x35: {  	s10 =	sld [smem:$0x3FBA];
	_ =	sdelay $0x3  }
0x36: {  	p1 =	seq.s32 s10, $0x1;
	s10 =	sld [smem:$0x3FBB];
	_ =	sdelay $0x3  }
0x37: {  	[smem:$0x3FBB] =	sst s10  }
0x38: {  	s10 =	sld [smem:$0x3FBC]  }
0x39: {  	_ = 	snop;
	(pc) =	sbr.ind lr, $3  }
0x3a: {  	_ = 	snop  }
0x3b: {  	_ = 	snop  }
0x3c: {  	p2 =	seq.s32 s10, $0x1;
	s10 =	sld [smem:$0x3FBB]  }
0x3d: {  	_ =	shalt  }
0x3e: {  	_ =	shalt  }
0x3f: {  	_ =	shalt  }
0x40: {  	_ =	shalt  }
0x41: {  	_ =	shalt  }
0x42: {  	_ =	shalt  }
0x43: {  	_ =	shalt  }
0x44: {  	_ =	shalt  }
0x45: {  	_ =	shalt  }
0x46: {  	_ =	shalt  }
0x47: {  	_ =	shalt  }
0x48: {  	_ =	shalt  }
0x49: {  	_ =	shalt  }
0x4a: {  	_ =	shalt  }
0x4b: {  	_ =	shalt  }
0x4c: {  	_ =	shalt  }
0x4d: {  	_ =	shalt  }
0x4e: {  	_ =	shalt  }
0x4f: {  	_ =	shalt  }
0x50: {  	_ =	shalt  }
0x51: {  	_ =	shalt  }
0x52: {  	_ =	shalt  }
0x53: {  	_ =	shalt  }
0x54: {  	_ =	shalt  }
0x55: {  	_ =	shalt  }
0x56: {  	_ =	shalt  }
0x57: {  	_ =	shalt  }
0x58: {  	_ =	shalt  }
0x59: {  	_ =	shalt  }
0x5a: {  	_ =	shalt  }
0x5b: {  	_ =	shalt  }
0x5c: {  	_ =	shalt  }
0x5d: {  	_ =	shalt  }
0x5e: {  	_ =	shalt  }
0x5f: {  	_ =	shalt  }
0x60: {  	_ =	shalt  }
0x61: {  	_ =	shalt  }
0x62: {  	_ =	shalt  }
0x63: {  	_ =	shalt  }
0x64: {  	_ =	shalt  }
0x65: {  	_ =	shalt  }
0x66: {  	_ =	shalt  }
0x67: {  	_ =	shalt  }
0x68: {  	_ =	shalt  }
0x69: {  	_ =	shalt  }
0x6a: {  	_ =	shalt  }
0x6b: {  	_ =	shalt  }
0x6c: {  	_ =	shalt  }
0x6d: {  	_ =	shalt  }
0x6e: {  	_ =	shalt  }
0x6f: {  	_ =	shalt  }
0x70: {  	_ =	shalt  }
0x71: {  	_ =	shalt  }
0x72: {  	_ =	shalt  }
0x73: {  	_ =	shalt  }
0x74: {  	_ =	shalt  }
0x75: {  	_ =	shalt  }
0x76: {  	_ =	shalt  }
0x77: {  	_ =	shalt  }
0x78: {  	_ =	shalt  }
0x79: {  	_ =	shalt  }
0x7a: {  	_ =	shalt  }
0x7b: {  	_ =	shalt  }
0x7c: {  	_ =	shalt  }
0x7d: {  	_ =	shalt  }
0x7e: {  	_ =	shalt  }
0x7f: {  	_ =	shalt  }
0x80: {  	_ =	shalt  }
0x81: {  	_ =	shalt  }
0x82: {  	_ =	shalt  }
0x83: {  	_ =	shalt  }
0x84: {  	_ =	shalt  }
0x85: {  	_ =	shalt  }
0x86: {  	_ =	shalt  }
0x87: {  	_ =	shalt  }
.Lfunc_end0:
.L_simem_size_0:
called_computation.1_lowered:
.L_overlay_start_0:
0x88: {  	s2 =	sld [smem:$0x3FD9]  }
0x89: {  	s3 =	sld [smem:$0x3FFE];
	_ =	sdelay $0x1  }
0x8a: {  	s1 =	srdreg.scid  }
0x8b: {  	s0 =	sand.u32 $0x1, s1  }
0x8c: {  	s17 =	sshll.u32 s0, $0xA;
	s2 =	sadd.s32 s3, s2  }
0x8d: {  	s2 =	sadd.s32 s2, s17  }
0x8e: {  	[smem:$0x3FC7] =	sst s2  }
0x8f: {  	_ = 	snop  }
0x90: {  	s2 =	sld [smem:$0x3FD0];
	(tm) =	ssettm $0x1  }
0x91: {  	s18 =	sld [smem:$0x3FFB];
	_ =	sdelay $0x3  }
0x92: {  	_ =	strace s18  }
0x93: {  	s3 =	sld [smem:$0x3FFC];
	_ =	sdelay $0x3  }
0x94: {  	_ =	strace s3  }
0x95: {  	s3 =	sld [smem:$0x3FFD];
	_ =	sdelay $0x3  }
0x96: {  	_ =	strace s3  }
0x97: {  	_ =	strace $0x8FFFFFFF  }
0x98: {  	s19 =	sld [smem:$0x3FDB];
	_ =	sdelay $0x1  }
0x99: {  	s4 =	simm.s32 $_scs_section_size  }
0x9a: {  	s5 =	simm.s32 $_size__tile_overlayer_lowered;
	s6 =	simm.s32 $_tile_overlayer_lowered  }
0x9b: {  	s22 =	simm.s32 $0x1BFF;
	s21 =	sshll.u32 s6, $0x1;
	s3 =	sadd.s32 s4, s19  }
0x9c: {  	s7 =	simm.s32 $0x0;
	s20 =	sshll.u32 s5, $0x1;
	s5 =	sadd.s32 s21, s3  }
0x9d: {  	[timem:s7], [sflag:s22] =	dma.local [hbm:s5], s20  }
0x9e: {  	_ =	swait.ge [sflag:s22], s20  }
0x9f: {  	s4 =	ssub.s32 $0x0, s20;
	[sflag:s22] =	ssyncset.done $0x0  }
0xa0: {  	[sflag:s22] =	ssyncadd.s32 s4;
	_ =	sdelay $0x1  }
0xa1: {  	s23 =	simm.s32 $0x1B8B  }
0xa2: {  	_ =	swait.ge [sflag:s23], $0x1  }
0xa3: {  	[sflag:s23] =	ssyncset.done $0x0  }
0xa4: {  	s25 =	simm.s32 $0x1B8E;
	s24 =	sld [smem:$0x3FFE];
	[sflag:s23] =	ssyncadd.s32 $0xFFFFFFFF  }
0xa5: {  	s26 =	simm.s32 $execute0_lowered;
	[smem:$0x3FD2] =	sst s25  }
0xa6: {  	s5 =	sshll.u32 s26, $0x1;
	_ =	strace $0x80000046;
	[dreg:$0x1] =	wrdreg $0xFFFFFFFF  }
0xa7: {  	s28 =	simm.s32 $_size_execute0_lowered;
	s3 =	sadd.s32 s3, s5;
	[dreg:$0x0] =	wrdreg $0x0  }
0xa8: {  	s5 =	sshll.u32 s28, $0x1;
	[dreg:$0x2] =	wrdreg s3  }
0xa9: {  	[dreg:$0x3] =	wrdreg s5  }
0xaa: {  	[dreg:$0x4] =	wrdreg $0xC0  }
0xab: {  	_ =	task [dreg:s7], $0x5FFFF  }
0xac: {  	[dreg:$0x1] =	wrdreg $0xFFFFFFFF  }
0xad: {  	[dreg:$0x0] =	wrdreg $0x60  }
0xae: {  	[dreg:$0x2] =	wrdreg s24  }
0xaf: {  	[dreg:$0x3] =	wrdreg s2  }
0xb0: {  	[dreg:$0x4] =	wrdreg $0x0  }
0xb1: {  	[dreg:$0x5] =	wrdreg $0x9  }
0xb2: {  	_ =	task.clear_ibuf [dreg:s7], $0x6FFFF;
	_ =	strace $0x90000046  }
0xb3: {  	s29 =	simm.s32 $0x9;
	_ =	strace $0x80000048  }
0xb4: {  	_ =	swait.ge [sflag:s29], $0x1  }
0xb5: {  	[sflag:s29] =	ssyncadd.s32 $0xFFFFFFFF  }
0xb6: {  	_ =	strace $0x90000048  }
0xb7: {  	_ =	sfence  }
0xb8: {  	s30 =	sld [smem:$0x0];
	_ =	sdelay $0x2  }
0xb9: {  	s31 =	sshll.u32 s1, $0xD;
	s1 =	sshrl.u32 s1, $0x2  }
0xba: {  	s3 =	sand.u32 $0x4000, s31;
	s1 =	sadd.s32 s1, s30  }
0xbb: {  	s0 =	sor.u32 s3, s0;
	s1 =	sshll.u32 s1, $0x11  }
0xbc: {  	s0 =	sor.u32 s1, s0  }
0xbd: {  	s0 =	sadd.s32 $0x8F2B, s0  }
0xbe: {  	[sflag:s0] =	ssyncadd.remote.s32 $0x1  }
0xbf: {  	_ =	sfence.sel $0xFFFF  }
0xc0: {  	[dreg:$0x0] =	wrdreg $0xFFFFFFFF;
	(pc) =	sbr.abs _section_cstart, $3  }
0xc1: {  	[dreg:$0x1] =	wrdreg $0xFFFFFFFF  }
0xc2: {  	_ =	task.clear_ibuf [dreg:s7], $0x2FFFF;
	_ =	strace $0x9FFFFFFF  }
0xc3: {  	(tm) =	ssettm $0x7FFFFFFF  }
tec
execute0_lowered:
.L_overlay_start_1:
0x0: {  	(tag) =	ssettag $0x1  }
0x1: {  	s0 =	srdreg.scid  }
0x2: {  	s4 =	rddreg [dreg:$0x0];
	s1 =	stileid.u32;
	s21 =	sand.u32 $0x1, s0  }
0x3: {  	s3 =	rddreg [dreg:$0x1];
	s2 =	sshll.u32 s1, $0x7;
	s5 =	sshll.u32 s21, $0x6  }
0x4: {  	s12 =	rddreg [dreg:$0x2];
	s7 =	sshll.u32 s1, $0xE;
	s18 =	sor.u32 s5, s2  }
0x5: {  	s6 =	simm.s32 $0x0;
	s2 =	sadd.s32 s7, s12;
	s5 =	sshll.u32 s18, $0xE  }
0x6: {  	[smem:$0x7FF] =	sst s6;
	s10 =	sadd.s32 $0x2000, s2;
	s3 =	sadd.s32 s3, s5  }
0x7: {  	_ =	strace $0x80000047;
	[dreg:$0x4] =	wrdreg s10;
	s5 =	sadd.s32 $0x4000, s3  }
0x8: {  	s11 =	sadd.s32 $0x8000, s3;
	[dreg:$0x5] =	wrdreg s5  }
0x9: {  	s13 =	sadd.s32 $0xC000, s3;
	[dreg:$0x6] =	wrdreg s11  }
0xa: {  	s14 =	sadd.s32 $0x10000, s3;
	[dreg:$0x7] =	wrdreg s13  }
0xb: {  	s15 =	sadd.s32 $0x14000, s3;
	[dreg:$0x8] =	wrdreg s14  }
0xc: {  	s16 =	sadd.s32 $0x18000, s3;
	[dreg:$0x9] =	wrdreg s15  }
0xd: {  	s17 =	sadd.s32 $0x1C000, s3;
	[dreg:$0xa] =	wrdreg s16  }
0xe: {  	s19 =	sadd.s32 $0x20000, s3;
	[dreg:$0xb] =	wrdreg s17  }
0xf: {  	s20 =	sadd.s32 $0x24000, s3;
	[dreg:$0xc] =	wrdreg s19  }
0x10: {  	s22 =	sadd.s32 $0x28000, s3;
	[dreg:$0xd] =	wrdreg s20  }
0x11: {  	s23 =	sadd.s32 $0x2C000, s3;
	[dreg:$0xe] =	wrdreg s22  }
0x12: {  	s24 =	sadd.s32 $0x30000, s3;
	[dreg:$0xf] =	wrdreg s23  }
0x13: {  	s25 =	sadd.s32 $0x34000, s3;
	[dreg:$0x10] =	wrdreg s24  }
0x14: {  	s26 =	sadd.s32 $0x38000, s3;
	[dreg:$0x11] =	wrdreg s25  }
0x15: {  	s0 =	sadd.s32 $0x3C000, s3;
	[dreg:$0x12] =	wrdreg s26  }
0x16: {  	s6 =	sadd.s32 $0x40000, s3;
	[dreg:$0x13] =	wrdreg s0  }
0x17: {  	s7 =	sadd.s32 $0x44000, s3;
	[dreg:$0x14] =	wrdreg s6  }
0x18: {  	s8 =	sadd.s32 $0x48000, s3;
	[dreg:$0x15] =	wrdreg s7  }
0x19: {  	s9 =	sadd.s32 $0x4C000, s3;
	[dreg:$0x16] =	wrdreg s8  }
0x1a: {  	s10 =	sadd.s32 $0x50000, s3;
	[dreg:$0x17] =	wrdreg s9  }
0x1b: {  	[dreg:$0x18] =	wrdreg s10;
	s11 =	sadd.s32 $0x54000, s3  }
0x1c: {  	s13 =	sadd.s32 $0x58000, s3;
	[dreg:$0x19] =	wrdreg s11  }
0x1d: {  	s14 =	sadd.s32 $0x5C000, s3;
	[dreg:$0x1a] =	wrdreg s13  }
0x1e: {  	s15 =	sadd.s32 $0x60000, s3;
	[dreg:$0x1b] =	wrdreg s14  }
0x1f: {  	s16 =	sadd.s32 $0x64000, s3;
	[dreg:$0x1c] =	wrdreg s15  }
0x20: {  	s17 =	sadd.s32 $0x68000, s3;
	[dreg:$0x1d] =	wrdreg s16  }
0x21: {  	s19 =	sadd.s32 $0x6C000, s3;
	[dreg:$0x1e] =	wrdreg s17  }
0x22: {  	s20 =	sadd.s32 $0x70000, s3;
	[dreg:$0x1f] =	wrdreg s19  }
0x23: {  	s22 =	sadd.s32 $0x74000, s3;
	[smem:$0x7CC] =	sst s20  }
0x24: {  	s23 =	sadd.s32 $0x78000, s3;
	[smem:$0x7CE] =	sst s22  }
0x25: {  	s24 =	sadd.s32 $0x7C000, s3;
	[smem:$0x7D0] =	sst s23  }
0x26: {  	s25 =	sadd.s32 $0x80000, s3;
	[smem:$0x7D2] =	sst s24  }
0x27: {  	s26 =	sadd.s32 $0x84000, s3;
	[smem:$0x7D4] =	sst s25  }
0x28: {  	s0 =	sadd.s32 $0x88000, s3;
	[smem:$0x7D6] =	sst s26  }
0x29: {  	s6 =	sadd.s32 $0x8C000, s3;
	[smem:$0x7D8] =	sst s0  }
0x2a: {  	s7 =	sadd.s32 $0x90000, s3;
	[smem:$0x7DA] =	sst s6  }
0x2b: {  	s8 =	sadd.s32 $0x94000, s3;
	[smem:$0x7DC] =	sst s7  }
0x2c: {  	s9 =	sadd.s32 $0x98000, s3;
	[smem:$0x7DE] =	sst s8  }
0x2d: {  	s10 =	sadd.s32 $0x9C000, s3;
	[smem:$0x7E0] =	sst s9  }
0x2e: {  	[smem:$0x7E2] =	sst s10;
	s11 =	sadd.s32 $0xA0000, s3  }
0x2f: {  	s13 =	sadd.s32 $0xA4000, s3;
	[smem:$0x7E4] =	sst s11  }
0x30: {  	s14 =	sadd.s32 $0xA8000, s3;
	[smem:$0x7E6] =	sst s13  }
0x31: {  	s15 =	sadd.s32 $0xAC000, s3;
	[smem:$0x7E8] =	sst s14  }
0x32: {  	s16 =	sadd.s32 $0xB0000, s3;
	[smem:$0x7EA] =	sst s15  }
0x33: {  	s17 =	sadd.s32 $0xB4000, s3;
	[smem:$0x7ED] =	sst s16  }
0x34: {  	s4 =	sadd.s32 $0x800, s4;
	s19 =	sadd.s32 $0xB8000, s3;
	[smem:$0x7EE] =	sst s17  }
0x35: {  	s18 =	sshll.u32 s18, $0x6;
	s20 =	sadd.s32 $0xBC000, s3;
	[smem:$0x7F0] =	sst s19  }
0x36: {  	s10 =	sshll.u32 s1, $0x8;
	s22 =	sadd.s32 $0xC0000, s3;
	[smem:$0x7F1] =	sst s20  }
0x37: {  	s23 =	sadd.s32 $0xC4000, s3;
	s24 =	sadd.s32 $0xC8000, s3;
	[smem:$0x7F2] =	sst s22  }
0x38: {  	s25 =	sadd.s32 $0xCC000, s3;
	s26 =	sadd.s32 $0xD0000, s3;
	[smem:$0x7F3] =	sst s23  }
0x39: {  	s0 =	sadd.s32 $0xD4000, s3;
	s6 =	sadd.s32 $0xD8000, s3;
	[smem:$0x7F4] =	sst s24  }
0x3a: {  	s7 =	sadd.s32 $0xDC000, s3;
	s9 =	sadd.s32 $0xE0000, s3;
	[smem:$0x7F5] =	sst s25  }
0x3b: {  	s19 =	sadd.s32 $0xFFFFF801, s10;
	s17 =	sadd.s32 $0xFFFFF811, s10;
	[smem:$0x7F6] =	sst s26  }
0x3c: {  	s16 =	sadd.s32 $0xFFFFF821, s10;
	s14 =	sadd.s32 $0xFFFFF831, s10;
	[smem:$0x7F7] =	sst s0  }
0x3d: {  	s13 =	sadd.s32 $0xFFFFF841, s10;
	s8 =	sadd.s32 $0xFFFFF851, s10;
	[smem:$0x7F8] =	sst s6  }
0x3e: {  	s11 =	sadd.s32 $0xFFFFF861, s10;
	s15 =	sadd.s32 $0xFFFFF871, s10;
	[smem:$0x7F9] =	sst s7  }
0x3f: {  	s6 =	sadd.s32 $0xFFFFF881, s10;
	[smem:$0x7FA] =	sst s9;
	s20 =	sadd.s32 $0xE4000, s3  }
0x40: {  	s5 =	sadd.s32 $0xFFFFF891, s10;
	s22 =	sadd.s32 $0xEC000, s3;
	[smem:$0x7FB] =	sst s20  }
0x41: {  	s9 =	sadd.s32 $0xFFFFF8A1, s10;
	s23 =	sadd.s32 $0xF0000, s3;
	[smem:$0x7AB] =	sst s22  }
0x42: {  	s7 =	sadd.s32 $0xFFFFF8B1, s10;
	s24 =	sadd.s32 $0xF4000, s3;
	[smem:$0x7AC] =	sst s23  }
0x43: {  	s25 =	sadd.s32 $0xF8000, s3;
	s0 =	sadd.s32 $0xFC000, s3;
	[smem:$0x7AD] =	sst s24  }
0x44: {  	v8 =	vlaneseq.u32;
	s20 =	sadd.s32 $0xE8000, s3;
	s22 =	ssub.s32 s12, s18;
	[smem:$0x7AE] =	sst s25  }
0x45: {  	[smem:$0x7AF] =	sst s0;
	v10 =	vadd.s32 s7, v8;
	s7 =	simm.s32 $0x4000;
	s18 =	sadd.s32 $0x1FFC0, s22  }
0x46: {  	[smem:$0x7FD] =	sst s20;
	s26 =	sadd.s32 $0x1FF80, s22;
	s24 =	sshrl.u32 s18, $0x3  }
0x47: {  	s23 =	sadd.s32 $0x1FF40, s22;
	s26 =	sshrl.u32 s26, $0x3;
	[smem:$0x7B0] =	sst s24  }
0x48: {  	s25 =	sadd.s32 $0x1FF00, s22;
	s23 =	sshrl.u32 s23, $0x3;
	[smem:$0x7B1] =	sst s26  }
0x49: {  	s0 =	sadd.s32 $0x1FEC0, s22;
	s25 =	sshrl.u32 s25, $0x3;
	[smem:$0x7B2] =	sst s23  }
0x4a: {  	s20 =	sadd.s32 $0x1FE00, s22;
	s0 =	sshrl.u32 s0, $0x3;
	[smem:$0x7B3] =	sst s25  }
0x4b: {  	s20 =	sshrl.u32 s20, $0x3;
	s18 =	sadd.s32 $0x1FCC0, s22;
	[smem:$0x7B4] =	sst s0  }
0x4c: {  	s24 =	sadd.s32 $0x1FE80, s22;
	[smem:$0x7B7] =	sst s20;
	s18 =	sshrl.u32 s18, $0x3  }
0x4d: {  	s26 =	sadd.s32 $0x1FE40, s22;
	s24 =	sshrl.u32 s24, $0x3;
	[smem:$0x7BC] =	sst s18  }
0x4e: {  	s25 =	sadd.s32 $0x1FDC0, s22;
	s26 =	sshrl.u32 s26, $0x3;
	[smem:$0x7B5] =	sst s24  }
0x4f: {  	s0 =	sadd.s32 $0x1FD80, s22;
	s25 =	sshrl.u32 s25, $0x3;
	[smem:$0x7B6] =	sst s26  }
0x50: {  	s23 =	sadd.s32 $0x1FB80, s22;
	s0 =	sshrl.u32 s0, $0x3;
	[smem:$0x7B8] =	sst s25  }
0x51: {  	s20 =	sadd.s32 $0x1FA40, s22;
	s23 =	sshrl.u32 s23, $0x3;
	[smem:$0x7B9] =	sst s0  }
0x52: {  	s20 =	sshrl.u32 s20, $0x3;
	s18 =	sadd.s32 $0x1F900, s22;
	[smem:$0x7C1] =	sst s23  }
0x53: {  	s24 =	sadd.s32 $0x1FD40, s22;
	[smem:$0x7C6] =	sst s20;
	s18 =	sshrl.u32 s18, $0x3  }
0x54: {  	s26 =	sadd.s32 $0x1FD00, s22;
	s24 =	sshrl.u32 s24, $0x3;
	[smem:$0x7CB] =	sst s18  }
0x55: {  	s25 =	sadd.s32 $0x1FC80, s22;
	s26 =	sshrl.u32 s26, $0x3;
	[smem:$0x7BA] =	sst s24  }
0x56: {  	s0 =	sadd.s32 $0x1FC40, s22;
	s25 =	sshrl.u32 s25, $0x3;
	[smem:$0x7BB] =	sst s26  }
0x57: {  	s23 =	sadd.s32 $0x1F840, s22;
	s0 =	sshrl.u32 s0, $0x3;
	[smem:$0x7BD] =	sst s25  }
0x58: {  	s20 =	sshrl.u32 s23, $0x3;
	s23 =	sadd.s32 $0x1F780, s22;
	[smem:$0x7BE] =	sst s0  }
0x59: {  	v1 =	vadd.s32 s17, v8;
	s24 =	sadd.s32 $0x1FC00, s22;
	[smem:$0x7D1] =	sst s20;
	s17 =	sshrl.u32 s23, $0x3  }
0x5a: {  	v2 =	vadd.s32 s16, v8;
	s26 =	sadd.s32 $0x1FBC0, s22;
	s24 =	sshrl.u32 s24, $0x3;
	[smem:$0x7D7] =	sst s17  }
0x5b: {  	vm12 =	vgt.s32 v2, $0xFFFFFF80;
	s25 =	sadd.s32 $0x1FB40, s22;
	s26 =	sshrl.u32 s26, $0x3;
	[smem:$0x7BF] =	sst s24  }
0x5c: {  	v5 =	vnsel vm12, $0xFFFFFF80, v2;
	v2 =	vadd.s32 s13, v8;
	s0 =	sadd.s32 $0x1FB00, s22;
	s25 =	sshrl.u32 s25, $0x3;
	[smem:$0x7C0] =	sst s26  }
0x5d: {  	vm14 =	vgt.s32 v2, $0xFFFFFF80;
	s20 =	sadd.s32 $0x1F680, s22;
	s0 =	sshrl.u32 s0, $0x3;
	[smem:$0x7C2] =	sst s25  }
0x5e: {  	v3 =	vnsel vm14, $0xFFFFFF80, v2;
	v2 =	vadd.s32 s11, v8;
	s11 =	sshrl.u32 s20, $0x3;
	s24 =	sadd.s32 $0x1FAC0, s22;
	[smem:$0x7C3] =	sst s0  }
0x5f: {  	s26 =	sadd.s32 $0x1FA80, s22;
	[smem:$0x7DF] =	sst s11;
	s24 =	sshrl.u32 s24, $0x3  }
0x60: {  	s25 =	sadd.s32 $0x1FA00, s22;
	s26 =	sshrl.u32 s26, $0x3;
	[smem:$0x7C4] =	sst s24  }
0x61: {  	s0 =	sadd.s32 $0x1F9C0, s22;
	s25 =	sshrl.u32 s25, $0x3;
	[smem:$0x7C5] =	sst s26  }
0x62: {  	s0 =	sshrl.u32 s0, $0x3;
	s24 =	sadd.s32 $0x1F980, s22;
	[smem:$0x7C7] =	sst s25  }
0x63: {  	s26 =	sadd.s32 $0x1F940, s22;
	[smem:$0x7C8] =	sst s0;
	s24 =	sshrl.u32 s24, $0x3  }
0x64: {  	s25 =	sadd.s32 $0x1F8C0, s22;
	s26 =	sshrl.u32 s26, $0x3;
	[smem:$0x7C9] =	sst s24  }
0x65: {  	v0 =	vadd.s32 s19, v8;
	s0 =	sadd.s32 $0x1F880, s22;
	[smem:$0x7CA] =	sst s26;
	s24 =	sshrl.u32 s25, $0x3  }
0x66: {  	v7 =	vadd.s32 s8, v8;
	vm0 =	vgt.s32 v0, $0xFFFFFF80;
	vm11 =	vgt.s32 v1, $0xFFFFFF80;
	s25 =	sadd.s32 $0x1F800, s22;
	s26 =	sshrl.u32 s0, $0x3;
	[smem:$0x7CD] =	sst s24  }
0x67: {  	vm4 =	vgt.s32 v7, $0xFFFFFF80;
	v0 =	vnsel vm0, $0xFFFFFF80, v0;
	v6 =	vnsel vm11, $0xFFFFFF80, v1;
	s0 =	sadd.s32 $0x1F7C0, s22;
	[smem:$0x7CF] =	sst s26;
	s24 =	sshrl.u32 s25, $0x3  }
0x68: {  	v1 =	vadd.s32 s14, v8;
	v7 =	vnsel vm4, $0xFFFFFF80, v7;
	vm0 =	vlt.s32 v0, $0x80;
	s25 =	sadd.s32 $0x1F740, s22;
	s26 =	sshrl.u32 s0, $0x3;
	[smem:$0x7D3] =	sst s24  }
0x69: {  	vm13 =	vgt.s32 v1, $0xFFFFFF80;
	vm7 =	vlt.s32 v7, $0x80;
	vm10 =	vlt.s32 v5, $0x80;
	s0 =	sadd.s32 $0x1F700, s22;
	[smem:$0x7D5] =	sst s26;
	s19 =	sshrl.u32 s25, $0x3  }
0x6a: {  	vm11 =	vlt.s32 v6, $0x80;
	v0 =	vnsel vm0, $0x80, v0;
	v4 =	vnsel vm13, $0xFFFFFF80, v1;
	s18 =	sadd.s32 $0x1F6C0, s22;
	s23 =	sshrl.u32 s0, $0x3;
	[smem:$0x7D9] =	sst s19  }
0x6b: {  	v1 =	vadd.s32 s15, v8;
	v7 =	vnsel vm7, $0x80, v7;
	v0 =	vadd.s32 $0x80, v0;
	s24 =	sadd.s32 $0x1F640, s22;
	s25 =	sshrl.u32 s18, $0x3;
	[smem:$0x7DB] =	sst s23  }
0x6c: {  	vm15 =	vgt.s32 v1, $0xFFFFFF80;
	vm1 =	vgt.s32 v2, $0xFFFFFF80;
	vm8 =	vlt.s32 v3, $0x80;
	s26 =	sadd.s32 $0x1F600, s22;
	[smem:$0x7DD] =	sst s25;
	s8 =	sshrl.u32 s24, $0x3  }
0x6d: {  	vm9 =	vlt.s32 v4, $0x80;
	[tilespmem:$0x4000] =	vst v0;
	v9 =	vnsel vm8, $0x80, v3;
	v3 =	vadd.s32 $0x80, v7;
	s0 =	sadd.s32 $0x1F5C0, s22;
	s15 =	sshrl.u32 s26, $0x3;
	[smem:$0x7E1] =	sst s8  }
0x6e: {  	s14 =	sadd.s32 $0x1F580, s22;
	v1 =	vnsel vm15, $0xFFFFFF80, v1;
	v7 =	vnsel vm9, $0x80, v4;
	v4 =	vadd.s32 $0x80, v9;
	[tilespmem:$0x4050] =	vst v3;
	s17 =	sshrl.u32 s0, $0x3;
	[smem:$0x7E3] =	sst s15  }
0x6f: {  	s16 =	sadd.s32 $0x1F540, s22;
	v2 =	vnsel vm1, $0xFFFFFF80, v2;
	v9 =	vnsel vm10, $0x80, v5;
	v5 =	vadd.s32 $0x80, v7;
	[tilespmem:$0x4040] =	vst v4;
	s19 =	sshrl.u32 s14, $0x3;
	[smem:$0x7E5] =	sst s17  }
0x70: {  	vm5 =	vlt.s32 v1, $0x80;
	v7 =	vnsel vm11, $0x80, v6;
	v6 =	vadd.s32 $0x80, v9;
	[tilespmem:$0x4030] =	vst v5;
	s18 =	sadd.s32 $0x1F500, s22;
	s23 =	sshrl.u32 s16, $0x3;
	[smem:$0x7E7] =	sst s19  }
0x71: {  	vm6 =	vlt.s32 v2, $0x80;
	v1 =	vnsel vm5, $0x80, v1;
	s20 =	sadd.s32 $0x1F4C0, s22;
	v7 =	vadd.s32 $0x80, v7;
	[tilespmem:$0x4020] =	vst v6;
	s25 =	sshrl.u32 s18, $0x3;
	[smem:$0x7E9] =	sst s23  }
0x72: {  	v2 =	vnsel vm6, $0x80, v2;
	v9 =	vadd.s32 s6, v8;
	v1 =	vadd.s32 $0x80, v1;
	[tilespmem:$0x4010] =	vst v7;
	s24 =	sadd.s32 $0x1F480, s22;
	s26 =	sshrl.u32 s20, $0x3;
	[smem:$0x7EB] =	sst s25  }
0x73: {  	v11 =	vadd.s32 s9, v8;
	s6 =	simm.s32 $0x80;
	v2 =	vadd.s32 $0x80, v2;
	vm12 =	vgt.s32 v9, $0xFFFFFF80;
	[tilespmem:$0x4070] =	vst v1;
	[smem:$0x7EC] =	sst s26;
	s0 =	sshrl.u32 s24, $0x3  }
0x74: {  	vm13 =	vgt.s32 v10, $0xFFFFFF80;
	[tilespmem:$0x4060] =	vst v2;
	v14 =	vnsel vm12, $0xFFFFFF80, v9;
	v9 =	vadd.s32 s5, v8;
	s5 =	simm.s32 $0x1;
	s8 =	simm.s32 $0x4080;
	[smem:$0x7EF] =	sst s0  }
0x75: {  	v10 =	vnsel vm13, $0xFFFFFF80, v10;
	vm15 =	vgt.s32 v11, $0xFFFFFF80;
	[tilespmem:s8], [sflag:$0x1] =	stream.indirect.gather [hbm4b:s4+s6], $0x40, s7, s6, $0xb8;
	[tilespmem:$0x6080] =	vst v63  }
0x76: {  	s12 =	sadd.s32 $0xFFFFF8F1, s10;
	vm4 =	vlt.s32 v10, $0x80;
	v12 =	vnsel vm15, $0xFFFFFF80, v11;
	vm14 =	vgt.s32 v9, $0xFFFFFF80;
	_ =	swait.ge [sflag:s5], $0x2000  }
0x77: {  	s13 =	sadd.s32 $0xFFFFF8C1, s10;
	v10 =	vnsel vm4, $0x80, v10;
	v13 =	vnsel vm14, $0xFFFFFF80, v9;
	v9 =	vadd.s32 s12, v8;
	s14 =	sadd.s32 $0xFFFFF8E1, s10;
	[sflag:s5] =	ssyncset.done $0x0  }
0x78: {  	s9 =	simm.s32 $0x2;
	v11 =	vadd.s32 s13, v8;
	vm5 =	vgt.s32 v9, $0xFFFFFF80;
	v15 =	vadd.s32 s14, v8;
	[sflag:s5] =	ssyncadd.s32 $0xFFFFE000  }
0x79: {  	vm6 =	vgt.s32 v11, $0xFFFFFF80;
	v9 =	vnsel vm5, $0xFFFFFF80, v9;
	vm7 =	vgt.s32 v15, $0xFFFFFF80;
	[spmem:s2] =	stream.linear.scatter [tilespmem:s8], [sflag:$0x2], $0x2000, $0x38;
	[tilespmem:$0x6080] =	vst v63  }
0x7a: {  	v11 =	vnsel vm6, $0xFFFFFF80, v11;
	vm8 =	vlt.s32 v9, $0x80;
	s10 =	sadd.s32 $0xFFFFF8D1, s10;
	v15 =	vnsel vm7, $0xFFFFFF80, v15;
	_ =	swait.ge [sflag:s9], $0x2000  }
0x7b: {  	v16 =	vadd.s32 s10, v8;
	v8 =	vnsel vm8, $0x80, v9;
	vm9 =	vlt.s32 v15, $0x80;
	[sflag:s9] =	ssyncset.done $0x0  }
0x7c: {  	vm10 =	vgt.s32 v16, $0xFFFFFF80;
	v8 =	vadd.s32 $0x80, v8;
	v9 =	vnsel vm9, $0x80, v15;
	[sflag:s9] =	ssyncadd.s32 $0xFFFFE000  }
0x7d: {  	vm11 =	vlt.s32 v11, $0x80;
	v15 =	vnsel vm10, $0xFFFFFF80, v16;
	v9 =	vadd.s32 $0x80, v9;
	[tilespmem:$0x4070] =	vst v8  }
0x7e: {  	v10 =	vadd.s32 $0x80, v10;
	v11 =	vnsel vm11, $0x80, v11;
	vm12 =	vlt.s32 v15, $0x80;
	[tilespmem:$0x4060] =	vst v9  }
0x7f: {  	vm13 =	vlt.s32 v12, $0x80;
	v11 =	vadd.s32 $0x80, v11;
	v15 =	vnsel vm12, $0x80, v15;
	[tilespmem:$0x4030] =	vst v10  }
0x80: {  	vm14 =	vlt.s32 v13, $0x80;
	v16 =	vnsel vm13, $0x80, v12;
	v12 =	vadd.s32 $0x80, v15;
	[tilespmem:$0x4040] =	vst v11  }
0x81: {  	vm15 =	vlt.s32 v14, $0x80;
	v15 =	vnsel vm14, $0x80, v13;
	v13 =	vadd.s32 $0x80, v16;
	[tilespmem:$0x4050] =	vst v12  }
0x82: {  	v16 =	vnsel vm15, $0x80, v14;
	v14 =	vadd.s32 $0x80, v15;
	[tilespmem:$0x4020] =	vst v13  }
0x83: {  	v15 =	vadd.s32 $0x80, v16;
	[tilespmem:$0x4010] =	vst v14  }
0x84: {  	[tilespmem:$0x4000] =	vst v15  }
0x85: {  	[tilespmem:s8], [sflag:$0x1] =	stream.indirect.gather [hbm4b:s4+s6], $0x40, s7, s6, $0xb8;
	[tilespmem:$0x6080] =	vst v63  }
0x86: {  	_ =	swait.ge [sflag:s5], $0x2000  }
0x87: {  	[sflag:s5] =	ssyncset.done $0x0  }
0x88: {  	s15 =	rddreg [dreg:$0x4];
	[sflag:s5] =	ssyncadd.s32 $0xFFFFE000  }
0x89: {  	[spmem:s15] =	stream.linear.scatter [tilespmem:s8], [sflag:$0x2], $0x2000, $0x38;
	[tilespmem:$0x6080] =	vst v63  }
0x8a: {  	_ =	swait.ge [sflag:s9], $0x2000  }
0x8b: {  	[sflag:s9] =	ssyncset.done $0x0  }
0x8c: {  	[sflag:s9] =	ssyncadd.s32 $0xFFFFE000  }
0x8d: {  	[bflag:$0x0] =	sbarrier.arrive $0xFFFF  }
0x8e: {  	s16 =	sld [smem:$0x7B0]  }
0x8f: {  	s17 =	sshll.u32 s1, $0x6  }
0x90: {  	s10 =	sor.u32 $0x1C01, s17  }
0x91: {  	[hbm:s3], [sflag:s10] =	dma.local [spmem:s16], $0x4000  }
0x92: {  	s18 =	sld [smem:$0x7B1];
	_ =	sdelay $0x1  }
0x93: {  	s11 =	rddreg [dreg:$0x5]  }
0x94: {  	[hbm:s11], [sflag:s10] =	dma.local [spmem:s18], $0x4000  }
0x95: {  	s12 =	sld [smem:$0x7B2];
	_ =	sdelay $0x1  }
0x96: {  	s11 =	rddreg [dreg:$0x6]  }
0x97: {  	[hbm:s11], [sflag:s10] =	dma.local [spmem:s12], $0x4000  }
0x98: {  	s12 =	sld [smem:$0x7B3];
	_ =	sdelay $0x1  }
0x99: {  	s11 =	rddreg [dreg:$0x7]  }
0x9a: {  	[hbm:s11], [sflag:s10] =	dma.local [spmem:s12], $0x4000  }
0x9b: {  	s12 =	sld [smem:$0x7B4];
	_ =	sdelay $0x1  }
0x9c: {  	s11 =	rddreg [dreg:$0x8]  }
0x9d: {  	[hbm:s11], [sflag:s10] =	dma.local [spmem:s12], $0x4000  }
0x9e: {  	s12 =	sld [smem:$0x7B5];
	_ =	sdelay $0x1  }
0x9f: {  	s11 =	rddreg [dreg:$0x9]  }
0xa0: {  	[hbm:s11], [sflag:s10] =	dma.local [spmem:s12], $0x4000  }
0xa1: {  	s12 =	sld [smem:$0x7B6];
	_ =	sdelay $0x1  }
0xa2: {  	s11 =	rddreg [dreg:$0xa]  }
0xa3: {  	[hbm:s11], [sflag:s10] =	dma.local [spmem:s12], $0x4000  }
0xa4: {  	s12 =	sld [smem:$0x7B7];
	_ =	sdelay $0x1  }
0xa5: {  	s11 =	rddreg [dreg:$0xb]  }
0xa6: {  	[hbm:s11], [sflag:s10] =	dma.local [spmem:s12], $0x4000  }
0xa7: {  	s12 =	sld [smem:$0x7B8];
	_ =	sdelay $0x1  }
0xa8: {  	s11 =	rddreg [dreg:$0xc]  }
0xa9: {  	[hbm:s11], [sflag:s10] =	dma.local [spmem:s12], $0x4000  }
0xaa: {  	_ =	swait.ge [sflag:s5], $0x4000  }
0xab: {  	s20 =	sld [smem:$0x7B9]  }
0xac: {  	[sflag:s5] =	ssyncset.done $0x0  }
0xad: {  	s19 =	rddreg [dreg:$0xd];
	[sflag:s5] =	ssyncadd.s32 $0xFFFFC000  }
0xae: {  	[hbm:s19], [sflag:s10] =	dma.local [spmem:s20], $0x4000  }
0xaf: {  	_ =	swait.ge [sflag:s5], $0x4000  }
0xb0: {  	s24 =	sld [smem:$0x7BA]  }
0xb1: {  	[sflag:s5] =	ssyncset.done $0x0  }
0xb2: {  	s23 =	rddreg [dreg:$0xe];
	[sflag:s5] =	ssyncadd.s32 $0xFFFFC000  }
0xb3: {  	[hbm:s23], [sflag:s10] =	dma.local [spmem:s24], $0x4000  }
0xb4: {  	_ =	swait.ge [sflag:s5], $0x4000  }
0xb5: {  	s26 =	sld [smem:$0x7BB]  }
0xb6: {  	[sflag:s5] =	ssyncset.done $0x0  }
0xb7: {  	s25 =	rddreg [dreg:$0xf];
	[sflag:s5] =	ssyncadd.s32 $0xFFFFC000  }
0xb8: {  	[hbm:s25], [sflag:s10] =	dma.local [spmem:s26], $0x4000  }
0xb9: {  	_ =	swait.ge [sflag:s5], $0x4000  }
0xba: {  	s1 =	sld [smem:$0x7BC]  }
0xbb: {  	[sflag:s5] =	ssyncset.done $0x0  }
0xbc: {  	s0 =	rddreg [dreg:$0x10];
	[sflag:s5] =	ssyncadd.s32 $0xFFFFC000  }
0xbd: {  	[hbm:s0], [sflag:s10] =	dma.local [spmem:s1], $0x4000  }
0xbe: {  	_ =	swait.ge [sflag:s5], $0x4000  }
0xbf: {  	s14 =	sld [smem:$0x7BD]  }
0xc0: {  	[sflag:s5] =	ssyncset.done $0x0  }
0xc1: {  	s13 =	rddreg [dreg:$0x11];
	[sflag:s5] =	ssyncadd.s32 $0xFFFFC000  }
0xc2: {  	[hbm:s13], [sflag:s10] =	dma.local [spmem:s14], $0x4000  }
0xc3: {  	_ =	swait.ge [sflag:s5], $0x4000  }
0xc4: {  	s16 =	sld [smem:$0x7BE]  }
0xc5: {  	[sflag:s5] =	ssyncset.done $0x0  }
0xc6: {  	s15 =	rddreg [dreg:$0x12];
	[sflag:s5] =	ssyncadd.s32 $0xFFFFC000  }
0xc7: {  	[hbm:s15], [sflag:s10] =	dma.local [spmem:s16], $0x4000  }
0xc8: {  	_ =	swait.ge [sflag:s5], $0x4000  }
0xc9: {  	s18 =	sld [smem:$0x7BF]  }
0xca: {  	[sflag:s5] =	ssyncset.done $0x0  }
0xcb: {  	s17 =	rddreg [dreg:$0x13];
	[sflag:s5] =	ssyncadd.s32 $0xFFFFC000  }
0xcc: {  	[hbm:s17], [sflag:s10] =	dma.local [spmem:s18], $0x4000  }
0xcd: {  	_ =	swait.ge [sflag:s5], $0x4000  }
0xce: {  	s20 =	sld [smem:$0x7C0]  }
0xcf: {  	[sflag:s5] =	ssyncset.done $0x0  }
0xd0: {  	s19 =	rddreg [dreg:$0x14];
	[sflag:s5] =	ssyncadd.s32 $0xFFFFC000  }
0xd1: {  	[hbm:s19], [sflag:s10] =	dma.local [spmem:s20], $0x4000  }
0xd2: {  	_ =	swait.ge [sflag:s5], $0x4000  }
0xd3: {  	s24 =	sld [smem:$0x7C1]  }
0xd4: {  	[sflag:s5] =	ssyncset.done $0x0  }
0xd5: {  	s23 =	rddreg [dreg:$0x15];
	[sflag:s5] =	ssyncadd.s32 $0xFFFFC000  }
0xd6: {  	[hbm:s23], [sflag:s10] =	dma.local [spmem:s24], $0x4000  }
0xd7: {  	_ =	swait.ge [sflag:s5], $0x4000  }
0xd8: {  	s26 =	sld [smem:$0x7C2]  }
0xd9: {  	[sflag:s5] =	ssyncset.done $0x0  }
0xda: {  	s25 =	rddreg [dreg:$0x16];
	[sflag:s5] =	ssyncadd.s32 $0xFFFFC000  }
0xdb: {  	[hbm:s25], [sflag:s10] =	dma.local [spmem:s26], $0x4000  }
0xdc: {  	_ =	swait.ge [sflag:s5], $0x4000  }
0xdd: {  	s1 =	sld [smem:$0x7C3]  }
0xde: {  	[sflag:s5] =	ssyncset.done $0x0  }
0xdf: {  	s0 =	rddreg [dreg:$0x17];
	[sflag:s5] =	ssyncadd.s32 $0xFFFFC000  }
0xe0: {  	[hbm:s0], [sflag:s10] =	dma.local [spmem:s1], $0x4000  }
0xe1: {  	_ =	swait.ge [sflag:s5], $0x4000  }
0xe2: {  	s14 =	sld [smem:$0x7C4]  }
0xe3: {  	[sflag:s5] =	ssyncset.done $0x0  }
0xe4: {  	s13 =	rddreg [dreg:$0x18];
	[sflag:s5] =	ssyncadd.s32 $0xFFFFC000  }
0xe5: {  	[hbm:s13], [sflag:s10] =	dma.local [spmem:s14], $0x4000  }
0xe6: {  	_ =	swait.ge [sflag:s5], $0x4000  }
0xe7: {  	s16 =	sld [smem:$0x7C5]  }
0xe8: {  	[sflag:s5] =	ssyncset.done $0x0  }
0xe9: {  	s15 =	rddreg [dreg:$0x19];
	[sflag:s5] =	ssyncadd.s32 $0xFFFFC000  }
0xea: {  	[hbm:s15], [sflag:s10] =	dma.local [spmem:s16], $0x4000  }
0xeb: {  	_ =	swait.ge [sflag:s5], $0x4000  }
0xec: {  	s18 =	sld [smem:$0x7C6]  }
0xed: {  	[sflag:s5] =	ssyncset.done $0x0  }
0xee: {  	s17 =	rddreg [dreg:$0x1a];
	[sflag:s5] =	ssyncadd.s32 $0xFFFFC000  }
0xef: {  	[hbm:s17], [sflag:s10] =	dma.local [spmem:s18], $0x4000  }
0xf0: {  	_ =	swait.ge [sflag:s5], $0x4000  }
0xf1: {  	s20 =	sld [smem:$0x7C7]  }
0xf2: {  	[sflag:s5] =	ssyncset.done $0x0  }
0xf3: {  	s19 =	rddreg [dreg:$0x1b];
	[sflag:s5] =	ssyncadd.s32 $0xFFFFC000  }
0xf4: {  	[hbm:s19], [sflag:s10] =	dma.local [spmem:s20], $0x4000  }
0xf5: {  	_ =	swait.ge [sflag:s5], $0x4000  }
0xf6: {  	s24 =	sld [smem:$0x7C8]  }
0xf7: {  	[sflag:s5] =	ssyncset.done $0x0  }
0xf8: {  	s23 =	rddreg [dreg:$0x1c];
	[sflag:s5] =	ssyncadd.s32 $0xFFFFC000  }
0xf9: {  	[hbm:s23], [sflag:s10] =	dma.local [spmem:s24], $0x4000  }
0xfa: {  	_ =	swait.ge [sflag:s5], $0x4000  }
0xfb: {  	s26 =	sld [smem:$0x7C9]  }
0xfc: {  	[sflag:s5] =	ssyncset.done $0x0  }
0xfd: {  	s25 =	rddreg [dreg:$0x1d];
	[sflag:s5] =	ssyncadd.s32 $0xFFFFC000  }
0xfe: {  	[hbm:s25], [sflag:s10] =	dma.local [spmem:s26], $0x4000  }
0xff: {  	_ =	swait.ge [sflag:s5], $0x4000  }
0x100: {  	s1 =	sld [smem:$0x7CA]  }
0x101: {  	[sflag:s5] =	ssyncset.done $0x0  }
0x102: {  	s0 =	rddreg [dreg:$0x1e];
	[sflag:s5] =	ssyncadd.s32 $0xFFFFC000  }
0x103: {  	[hbm:s0], [sflag:s10] =	dma.local [spmem:s1], $0x4000  }
0x104: {  	_ =	swait.ge [sflag:s5], $0x4000  }
0x105: {  	s14 =	sld [smem:$0x7CB]  }
0x106: {  	[sflag:s5] =	ssyncset.done $0x0  }
0x107: {  	s13 =	rddreg [dreg:$0x1f];
	[sflag:s5] =	ssyncadd.s32 $0xFFFFC000  }
0x108: {  	[hbm:s13], [sflag:s10] =	dma.local [spmem:s14], $0x4000  }
0x109: {  	_ =	swait.ge [sflag:s5], $0x4000  }
0x10a: {  	s15 =	sld [smem:$0x7CC]  }
0x10b: {  	s16 =	sld [smem:$0x7CD]  }
0x10c: {  	[sflag:s5] =	ssyncset.done $0x0  }
0x10d: {  	[sflag:s5] =	ssyncadd.s32 $0xFFFFC000  }
0x10e: {  	[hbm:s15], [sflag:s10] =	dma.local [spmem:s16], $0x4000  }
0x10f: {  	_ =	swait.ge [sflag:s5], $0x4000  }
0x110: {  	s17 =	sld [smem:$0x7CE]  }
0x111: {  	s18 =	sld [smem:$0x7CF]  }
0x112: {  	[sflag:s5] =	ssyncset.done $0x0  }
0x113: {  	[sflag:s5] =	ssyncadd.s32 $0xFFFFC000  }
0x114: {  	[hbm:s17], [sflag:s10] =	dma.local [spmem:s18], $0x4000  }
0x115: {  	_ =	swait.ge [sflag:s5], $0x4000  }
0x116: {  	s19 =	sld [smem:$0x7D0]  }
0x117: {  	s20 =	sld [smem:$0x7D1]  }
0x118: {  	[sflag:s5] =	ssyncset.done $0x0  }
0x119: {  	[sflag:s5] =	ssyncadd.s32 $0xFFFFC000  }
0x11a: {  	[hbm:s19], [sflag:s10] =	dma.local [spmem:s20], $0x4000  }
0x11b: {  	_ =	swait.ge [sflag:s5], $0x4000  }
0x11c: {  	s23 =	sld [smem:$0x7D2]  }
0x11d: {  	s24 =	sld [smem:$0x7D3]  }
0x11e: {  	[sflag:s5] =	ssyncset.done $0x0  }
0x11f: {  	[sflag:s5] =	ssyncadd.s32 $0xFFFFC000  }
0x120: {  	[hbm:s23], [sflag:s10] =	dma.local [spmem:s24], $0x4000  }
0x121: {  	_ =	swait.ge [sflag:s5], $0x4000  }
0x122: {  	s25 =	sld [smem:$0x7D4]  }
0x123: {  	s26 =	sld [smem:$0x7D5]  }
0x124: {  	[sflag:s5] =	ssyncset.done $0x0  }
0x125: {  	[sflag:s5] =	ssyncadd.s32 $0xFFFFC000  }
0x126: {  	[hbm:s25], [sflag:s10] =	dma.local [spmem:s26], $0x4000  }
0x127: {  	_ =	swait.ge [sflag:s5], $0x4000  }
0x128: {  	s0 =	sld [smem:$0x7D6]  }
0x129: {  	s1 =	sld [smem:$0x7D7]  }
0x12a: {  	[sflag:s5] =	ssyncset.done $0x0  }
0x12b: {  	[sflag:s5] =	ssyncadd.s32 $0xFFFFC000  }
0x12c: {  	[hbm:s0], [sflag:s10] =	dma.local [spmem:s1], $0x4000  }
0x12d: {  	_ =	swait.ge [sflag:s5], $0x4000  }
0x12e: {  	s13 =	sld [smem:$0x7D8]  }
0x12f: {  	s14 =	sld [smem:$0x7D9]  }
0x130: {  	[sflag:s5] =	ssyncset.done $0x0  }
0x131: {  	[sflag:s5] =	ssyncadd.s32 $0xFFFFC000  }
0x132: {  	[hbm:s13], [sflag:s10] =	dma.local [spmem:s14], $0x4000  }
0x133: {  	_ =	swait.ge [sflag:s5], $0x4000  }
0x134: {  	s15 =	sld [smem:$0x7DA]  }
0x135: {  	s16 =	sld [smem:$0x7DB]  }
0x136: {  	[sflag:s5] =	ssyncset.done $0x0  }
0x137: {  	[sflag:s5] =	ssyncadd.s32 $0xFFFFC000  }
0x138: {  	[hbm:s15], [sflag:s10] =	dma.local [spmem:s16], $0x4000  }
0x139: {  	_ =	swait.ge [sflag:s5], $0x4000  }
0x13a: {  	s17 =	sld [smem:$0x7DC]  }
0x13b: {  	s18 =	sld [smem:$0x7DD]  }
0x13c: {  	[sflag:s5] =	ssyncset.done $0x0  }
0x13d: {  	[sflag:s5] =	ssyncadd.s32 $0xFFFFC000  }
0x13e: {  	[hbm:s17], [sflag:s10] =	dma.local [spmem:s18], $0x4000  }
0x13f: {  	_ =	swait.ge [sflag:s5], $0x4000  }
0x140: {  	s19 =	sld [smem:$0x7DE]  }
0x141: {  	s20 =	sld [smem:$0x7DF]  }
0x142: {  	[sflag:s5] =	ssyncset.done $0x0  }
0x143: {  	[sflag:s5] =	ssyncadd.s32 $0xFFFFC000  }
0x144: {  	[hbm:s19], [sflag:s10] =	dma.local [spmem:s20], $0x4000  }
0x145: {  	_ =	swait.ge [sflag:s5], $0x4000  }
0x146: {  	s23 =	sld [smem:$0x7E0]  }
0x147: {  	s24 =	sld [smem:$0x7E1]  }
0x148: {  	[sflag:s5] =	ssyncset.done $0x0  }
0x149: {  	[sflag:s5] =	ssyncadd.s32 $0xFFFFC000  }
0x14a: {  	[hbm:s23], [sflag:s10] =	dma.local [spmem:s24], $0x4000  }
0x14b: {  	_ =	swait.ge [sflag:s5], $0x4000  }
0x14c: {  	s25 =	sld [smem:$0x7E2]  }
0x14d: {  	s26 =	sld [smem:$0x7E3]  }
0x14e: {  	[sflag:s5] =	ssyncset.done $0x0  }
0x14f: {  	[sflag:s5] =	ssyncadd.s32 $0xFFFFC000  }
0x150: {  	[hbm:s25], [sflag:s10] =	dma.local [spmem:s26], $0x4000  }
0x151: {  	_ =	swait.ge [sflag:s5], $0x4000  }
0x152: {  	s0 =	sld [smem:$0x7E4]  }
0x153: {  	s1 =	sld [smem:$0x7E5]  }
0x154: {  	[sflag:s5] =	ssyncset.done $0x0  }
0x155: {  	[sflag:s5] =	ssyncadd.s32 $0xFFFFC000  }
0x156: {  	[hbm:s0], [sflag:s10] =	dma.local [spmem:s1], $0x4000  }
0x157: {  	_ =	swait.ge [sflag:s5], $0x4000  }
0x158: {  	s12 =	sld [smem:$0x7E6]  }
0x159: {  	s13 =	sld [smem:$0x7E7]  }
0x15a: {  	[sflag:s5] =	ssyncset.done $0x0  }
0x15b: {  	[sflag:s5] =	ssyncadd.s32 $0xFFFFC000  }
0x15c: {  	[hbm:s12], [sflag:s10] =	dma.local [spmem:s13], $0x4000  }
0x15d: {  	_ =	swait.ge [sflag:s5], $0x4000  }
0x15e: {  	s14 =	sld [smem:$0x7E8]  }
0x15f: {  	s15 =	sld [smem:$0x7E9]  }
0x160: {  	[sflag:s5] =	ssyncset.done $0x0  }
0x161: {  	[sflag:s5] =	ssyncadd.s32 $0xFFFFC000  }
0x162: {  	[hbm:s14], [sflag:s10] =	dma.local [spmem:s15], $0x4000  }
0x163: {  	_ =	swait.ge [sflag:s5], $0x4000  }
0x164: {  	s16 =	sld [smem:$0x7EA]  }
0x165: {  	s17 =	sld [smem:$0x7EB]  }
0x166: {  	[sflag:s5] =	ssyncset.done $0x0  }
0x167: {  	[sflag:s5] =	ssyncadd.s32 $0xFFFFC000  }
0x168: {  	[hbm:s16], [sflag:s10] =	dma.local [spmem:s17], $0x4000  }
0x169: {  	_ =	swait.ge [sflag:s5], $0x4000  }
0x16a: {  	s18 =	sld [smem:$0x7EC]  }
0x16b: {  	s19 =	sld [smem:$0x7ED]  }
0x16c: {  	[sflag:s5] =	ssyncset.done $0x0  }
0x16d: {  	[sflag:s5] =	ssyncadd.s32 $0xFFFFC000  }
0x16e: {  	[hbm:s19], [sflag:s10] =	dma.local [spmem:s18], $0x4000  }
0x16f: {  	_ =	swait.ge [sflag:s5], $0x4000  }
0x170: {  	s20 =	sld [smem:$0x7EE]  }
0x171: {  	s23 =	sld [smem:$0x7EF]  }
0x172: {  	[sflag:s5] =	ssyncset.done $0x0  }
0x173: {  	[sflag:s5] =	ssyncadd.s32 $0xFFFFC000  }
0x174: {  	[hbm:s20], [sflag:s10] =	dma.local [spmem:s23], $0x4000  }
0x175: {  	_ =	swait.ge [sflag:s5], $0x4000  }
0x176: {  	s24 =	sld [smem:$0x7F0]  }
0x177: {  	s25 =	sadd.s32 $0x1F440, s22;
	[sflag:s5] =	ssyncset.done $0x0  }
0x178: {  	s11 =	sshrl.u32 s25, $0x3;
	[sflag:s5] =	ssyncadd.s32 $0xFFFFC000  }
0x179: {  	[hbm:s24], [sflag:s10] =	dma.local [spmem:s11], $0x4000  }
0x17a: {  	_ =	swait.ge [sflag:s5], $0x4000  }
0x17b: {  	s26 =	sld [smem:$0x7F1]  }
0x17c: {  	s0 =	sadd.s32 $0x1F400, s22;
	[sflag:s5] =	ssyncset.done $0x0  }
0x17d: {  	s12 =	sshrl.u32 s0, $0x3;
	[sflag:s5] =	ssyncadd.s32 $0xFFFFC000  }
0x17e: {  	[hbm:s26], [sflag:s10] =	dma.local [spmem:s12], $0x4000  }
0x17f: {  	_ =	swait.ge [sflag:s5], $0x4000  }
0x180: {  	s1 =	sld [smem:$0x7F2]  }
0x181: {  	s15 =	sadd.s32 $0x1F3C0, s22;
	[sflag:s5] =	ssyncset.done $0x0  }
0x182: {  	s13 =	sshrl.u32 s15, $0x3;
	[sflag:s5] =	ssyncadd.s32 $0xFFFFC000  }
0x183: {  	[hbm:s1], [sflag:s10] =	dma.local [spmem:s13], $0x4000  }
0x184: {  	_ =	swait.ge [sflag:s5], $0x4000  }
0x185: {  	s16 =	sld [smem:$0x7F3]  }
0x186: {  	s17 =	sadd.s32 $0x1F380, s22;
	[sflag:s5] =	ssyncset.done $0x0  }
0x187: {  	s14 =	sshrl.u32 s17, $0x3;
	[sflag:s5] =	ssyncadd.s32 $0xFFFFC000  }
0x188: {  	[hbm:s16], [sflag:s10] =	dma.local [spmem:s14], $0x4000  }
0x189: {  	_ =	swait.ge [sflag:s5], $0x4000  }
0x18a: {  	s18 =	sld [smem:$0x7F4]  }
0x18b: {  	s19 =	sadd.s32 $0x1F340, s22;
	[sflag:s5] =	ssyncset.done $0x0  }
0x18c: {  	s15 =	sshrl.u32 s19, $0x3;
	[sflag:s5] =	ssyncadd.s32 $0xFFFFC000  }
0x18d: {  	[hbm:s18], [sflag:s10] =	dma.local [spmem:s15], $0x4000  }
0x18e: {  	_ =	swait.ge [sflag:s5], $0x4000  }
0x18f: {  	s20 =	sld [smem:$0x7F5]  }
0x190: {  	s23 =	sadd.s32 $0x1F300, s22;
	[sflag:s5] =	ssyncset.done $0x0  }
0x191: {  	s16 =	sshrl.u32 s23, $0x3;
	[sflag:s5] =	ssyncadd.s32 $0xFFFFC000  }
0x192: {  	[hbm:s20], [sflag:s10] =	dma.local [spmem:s16], $0x4000  }
0x193: {  	_ =	swait.ge [sflag:s5], $0x4000  }
0x194: {  	s24 =	sld [smem:$0x7F6]  }
0x195: {  	s25 =	sadd.s32 $0x1F2C0, s22;
	[sflag:s5] =	ssyncset.done $0x0  }
0x196: {  	s17 =	sshrl.u32 s25, $0x3;
	[sflag:s5] =	ssyncadd.s32 $0xFFFFC000  }
0x197: {  	[hbm:s24], [sflag:s10] =	dma.local [spmem:s17], $0x4000  }
0x198: {  	_ =	swait.ge [sflag:s5], $0x4000  }
0x199: {  	s26 =	sld [smem:$0x7F7]  }
0x19a: {  	s0 =	sadd.s32 $0x1F280, s22;
	[sflag:s5] =	ssyncset.done $0x0  }
0x19b: {  	s18 =	sshrl.u32 s0, $0x3;
	[sflag:s5] =	ssyncadd.s32 $0xFFFFC000  }
0x19c: {  	[hbm:s26], [sflag:s10] =	dma.local [spmem:s18], $0x4000  }
0x19d: {  	_ =	swait.ge [sflag:s5], $0x4000  }
0x19e: {  	s1 =	sld [smem:$0x7F8]  }
0x19f: {  	s23 =	sadd.s32 $0x1F240, s22;
	[sflag:s5] =	ssyncset.done $0x0  }
0x1a0: {  	s19 =	sshrl.u32 s23, $0x3;
	[sflag:s5] =	ssyncadd.s32 $0xFFFFC000  }
0x1a1: {  	[hbm:s1], [sflag:s10] =	dma.local [spmem:s19], $0x4000  }
0x1a2: {  	_ =	swait.ge [sflag:s5], $0x4000  }
0x1a3: {  	s24 =	sld [smem:$0x7F9]  }
0x1a4: {  	s25 =	sadd.s32 $0x1F200, s22;
	[sflag:s5] =	ssyncset.done $0x0  }
0x1a5: {  	s20 =	sshrl.u32 s25, $0x3;
	[sflag:s5] =	ssyncadd.s32 $0xFFFFC000  }
0x1a6: {  	[hbm:s24], [sflag:s10] =	dma.local [spmem:s20], $0x4000  }
0x1a7: {  	_ =	swait.ge [sflag:s5], $0x4000  }
0x1a8: {  	s24 =	sld [smem:$0x7FA]  }
0x1a9: {  	s26 =	sadd.s32 $0x1F1C0, s22;
	[sflag:s5] =	ssyncset.done $0x0  }
0x1aa: {  	s21 =	ssub.s32 $0x2, s21;
	s23 =	sshrl.u32 s26, $0x3;
	[sflag:s5] =	ssyncadd.s32 $0xFFFFC000  }
0x1ab: {  	[hbm:s24], [sflag:s10] =	dma.local [spmem:s23], $0x4000  }
0x1ac: {  	s30 =	sadd.s32 $0x1F0C0, s22;
	s25 =	sadd.s32 $0x1F180, s22;
	_ =	swait.ge [sflag:s5], $0x4000  }
0x1ad: {  	s31 =	sadd.s32 $0x1F080, s22;
	s26 =	sshrl.u32 s25, $0x3;
	s0 =	sld [smem:$0x7FB]  }
0x1ae: {  	s25 =	sadd.s32 $0x1F100, s22;
	s1 =	sshrl.u32 s21, $0x1;
	[sflag:s5] =	ssyncset.done $0x0  }
0x1af: {  	s21 =	ssub.s32 s21, s1;
	s1 =	sadd.s32 $0x1F040, s22;
	[sflag:s5] =	ssyncadd.s32 $0xFFFFC000  }
0x1b0: {  	[hbm:s0], [sflag:s10] =	dma.local [spmem:s26], $0x4000  }
0x1b1: {  	s24 =	sadd.s32 $0x1F140, s22;
	s22 =	sadd.s32 $0x1F000, s22;
	s0 =	smax.u32 s21, $0x1  }
0x1b2: {  	[smem:$0x7FC] =	sst s22;
	p0 =	sne.s32 s0, $0x1  }
.Ltmp0:
0x1b3: {  	_ =	swait.ge [sflag:s5], $0x4000;
	(pc) =	sbr.rel @!p0 .LBB2_2-.Ltmp0, $4  }
0x1b4: {  	s28 =	sshrl.u32 s25, $0x3;
	s21 =	sld [smem:$0x7FC]  }
0x1b5: {  	s25 =	sshrl.u32 s30, $0x3;
	s29 =	sshrl.u32 s24, $0x3;
	s24 =	sshrl.u32 s31, $0x3  }
0x1b6: {  	s22 =	sshrl.u32 s1, $0x3;
	s30 =	sadd.s32 $0xFFFFFFFF, s0;
	[sflag:s5] =	ssyncset.done $0x0  }
0x1b7: {  	s31 =	sld [smem:$0x7FD];
	[sflag:s5] =	ssyncadd.s32 $0xFFFFC000;
	s21 =	sshrl.u32 s21, $0x3  }
.LBB2_1:
0x1b8: {  	_ =	sdelay $0x1  }
0x1b9: {  	[hbm:s31], [sflag:s10] =	dma.local [spmem:s29], $0x4000  }
0x1ba: {  	_ =	swait.ge [sflag:s5], $0x4000  }
0x1bb: {  	s0 =	sld [smem:$0x7AB]  }
0x1bc: {  	[sflag:s5] =	ssyncset.done $0x0  }
0x1bd: {  	[sflag:s5] =	ssyncadd.s32 $0xFFFFC000  }
0x1be: {  	[hbm:s0], [sflag:s10] =	dma.local [spmem:s28], $0x4000  }
0x1bf: {  	_ =	swait.ge [sflag:s5], $0x4000  }
0x1c0: {  	s1 =	sld [smem:$0x7AC]  }
0x1c1: {  	[sflag:s5] =	ssyncset.done $0x0  }
0x1c2: {  	[sflag:s5] =	ssyncadd.s32 $0xFFFFC000  }
0x1c3: {  	[hbm:s1], [sflag:s10] =	dma.local [spmem:s25], $0x4000  }
0x1c4: {  	_ =	swait.ge [sflag:s5], $0x4000  }
0x1c5: {  	s1 =	sld [smem:$0x7AD]  }
0x1c6: {  	[sflag:s5] =	ssyncset.done $0x0  }
0x1c7: {  	[sflag:s5] =	ssyncadd.s32 $0xFFFFC000  }
0x1c8: {  	[hbm:s1], [sflag:s10] =	dma.local [spmem:s24], $0x4000  }
0x1c9: {  	_ =	swait.ge [sflag:s5], $0x4000  }
0x1ca: {  	s1 =	sld [smem:$0x7AE]  }
0x1cb: {  	[sflag:s5] =	ssyncset.done $0x0  }
0x1cc: {  	[sflag:s5] =	ssyncadd.s32 $0xFFFFC000  }
0x1cd: {  	[hbm:s1], [sflag:s10] =	dma.local [spmem:s22], $0x4000  }
0x1ce: {  	_ =	swait.ge [sflag:s5], $0x4000  }
0x1cf: {  	s1 =	sld [smem:$0x7AF]  }
0x1d0: {  	[sflag:s5] =	ssyncset.done $0x0  }
0x1d1: {  	[sflag:s5] =	ssyncadd.s32 $0xFFFFC000  }
0x1d2: {  	[hbm:s1], [sflag:s10] =	dma.local [spmem:s21], $0x4000  }
0x1d3: {  	_ =	swait.ge [sflag:s5], $0x4000  }
0x1d4: {  	[sflag:s5] =	ssyncset.done $0x0  }
0x1d5: {  	[sflag:s5] =	ssyncadd.s32 $0xFFFFC000  }
0x1d6: {  	_ =	swait.ge [sflag:s5], $0x4000  }
0x1d7: {  	[sflag:s5] =	ssyncset.done $0x0  }
0x1d8: {  	[sflag:s5] =	ssyncadd.s32 $0xFFFFC000  }
0x1d9: {  	_ =	swait.ge [sflag:s5], $0x4000  }
0x1da: {  	[sflag:s5] =	ssyncset.done $0x0  }
0x1db: {  	[sflag:s5] =	ssyncadd.s32 $0xFFFFC000  }
0x1dc: {  	_ =	swait.ge [sflag:s5], $0x4000  }
0x1dd: {  	[sflag:s5] =	ssyncset.done $0x0  }
0x1de: {  	[sflag:s5] =	ssyncadd.s32 $0xFFFFC000  }
0x1df: {  	_ =	swait.ge [sflag:s5], $0x4000  }
0x1e0: {  	[sflag:s5] =	ssyncset.done $0x0  }
0x1e1: {  	[sflag:s5] =	ssyncadd.s32 $0xFFFFC000  }
0x1e2: {  	_ =	swait.ge [sflag:s5], $0x4000  }
0x1e3: {  	[sflag:s5] =	ssyncset.done $0x0  }
0x1e4: {  	[sflag:s5] =	ssyncadd.s32 $0xFFFFC000  }
0x1e5: {  	_ =	swait.ge [sflag:s5], $0x4000  }
0x1e6: {  	[sflag:s5] =	ssyncset.done $0x0  }
0x1e7: {  	[sflag:s5] =	ssyncadd.s32 $0xFFFFC000  }
0x1e8: {  	_ =	swait.ge [sflag:s5], $0x4000  }
0x1e9: {  	[sflag:s5] =	ssyncset.done $0x0  }
0x1ea: {  	[sflag:s5] =	ssyncadd.s32 $0xFFFFC000  }
0x1eb: {  	_ =	swait.ge [sflag:s5], $0x4000  }
0x1ec: {  	[sflag:s5] =	ssyncset.done $0x0  }
0x1ed: {  	[sflag:s5] =	ssyncadd.s32 $0xFFFFC000  }
0x1ee: {  	[tilespmem:$0x4000] =	vst v0  }
0x1ef: {  	[tilespmem:$0x4070] =	vst v1  }
0x1f0: {  	[tilespmem:$0x4060] =	vst v2  }
0x1f1: {  	[tilespmem:$0x4050] =	vst v3  }
0x1f2: {  	[tilespmem:$0x4040] =	vst v4  }
0x1f3: {  	[tilespmem:$0x4030] =	vst v5  }
0x1f4: {  	[tilespmem:$0x4020] =	vst v6  }
0x1f5: {  	[tilespmem:$0x4010] =	vst v7  }
0x1f6: {  	[tilespmem:s8], [sflag:$0x1] =	stream.indirect.gather [hbm4b:s4+s6], $0x40, s7, s6, $0xb8;
	[tilespmem:$0x6080] =	vst v63  }
0x1f7: {  	_ =	swait.ge [sflag:s5], $0x2000  }
0x1f8: {  	[sflag:s5] =	ssyncset.done $0x0  }
0x1f9: {  	[sflag:s5] =	ssyncadd.s32 $0xFFFFE000  }
0x1fa: {  	[spmem:s2] =	stream.linear.scatter [tilespmem:s8], [sflag:$0x2], $0x2000, $0x38;
	[tilespmem:$0x6080] =	vst v63  }
0x1fb: {  	_ =	swait.ge [sflag:s9], $0x2000  }
0x1fc: {  	[sflag:s9] =	ssyncset.done $0x0  }
0x1fd: {  	[sflag:s9] =	ssyncadd.s32 $0xFFFFE000  }
0x1fe: {  	[tilespmem:$0x4070] =	vst v8  }
0x1ff: {  	[tilespmem:$0x4060] =	vst v9  }
0x200: {  	[tilespmem:$0x4030] =	vst v10  }
0x201: {  	[tilespmem:$0x4040] =	vst v11  }
0x202: {  	[tilespmem:$0x4050] =	vst v12  }
0x203: {  	[tilespmem:$0x4020] =	vst v13  }
0x204: {  	[tilespmem:$0x4010] =	vst v14  }
0x205: {  	[tilespmem:$0x4000] =	vst v15  }
0x206: {  	[tilespmem:s8], [sflag:$0x1] =	stream.indirect.gather [hbm4b:s4+s6], $0x40, s7, s6, $0xb8;
	[tilespmem:$0x6080] =	vst v63  }
0x207: {  	_ =	swait.ge [sflag:s5], $0x2000  }
0x208: {  	[sflag:s5] =	ssyncset.done $0x0  }
0x209: {  	s1 =	rddreg [dreg:$0x4];
	[sflag:s5] =	ssyncadd.s32 $0xFFFFE000  }
0x20a: {  	[spmem:s1] =	stream.linear.scatter [tilespmem:s8], [sflag:$0x2], $0x2000, $0x38;
	[tilespmem:$0x6080] =	vst v63  }
0x20b: {  	_ =	swait.ge [sflag:s9], $0x2000  }
0x20c: {  	[sflag:s9] =	ssyncset.done $0x0  }
0x20d: {  	[sflag:s9] =	ssyncadd.s32 $0xFFFFE000  }
0x20e: {  	[bflag:$0x0] =	sbarrier.arrive $0xFFFF  }
0x20f: {  	s1 =	sld [smem:$0x7B0];
	_ =	sdelay $0x2  }
0x210: {  	[hbm:s3], [sflag:s10] =	dma.local [spmem:s1], $0x4000  }
0x211: {  	s1 =	sld [smem:$0x7B1];
	_ =	sdelay $0x1  }
0x212: {  	s0 =	rddreg [dreg:$0x5]  }
0x213: {  	[hbm:s0], [sflag:s10] =	dma.local [spmem:s1], $0x4000  }
0x214: {  	s1 =	sld [smem:$0x7B2];
	_ =	sdelay $0x1  }
0x215: {  	s0 =	rddreg [dreg:$0x6]  }
0x216: {  	[hbm:s0], [sflag:s10] =	dma.local [spmem:s1], $0x4000  }
0x217: {  	s1 =	sld [smem:$0x7B3];
	_ =	sdelay $0x1  }
0x218: {  	s0 =	rddreg [dreg:$0x7]  }
0x219: {  	[hbm:s0], [sflag:s10] =	dma.local [spmem:s1], $0x4000  }
0x21a: {  	s1 =	sld [smem:$0x7B4];
	_ =	sdelay $0x1  }
0x21b: {  	s0 =	rddreg [dreg:$0x8]  }
0x21c: {  	[hbm:s0], [sflag:s10] =	dma.local [spmem:s1], $0x4000  }
0x21d: {  	s1 =	sld [smem:$0x7B5];
	_ =	sdelay $0x1  }
0x21e: {  	s0 =	rddreg [dreg:$0x9]  }
0x21f: {  	[hbm:s0], [sflag:s10] =	dma.local [spmem:s1], $0x4000  }
0x220: {  	s1 =	sld [smem:$0x7B6];
	_ =	sdelay $0x1  }
0x221: {  	s0 =	rddreg [dreg:$0xa]  }
0x222: {  	[hbm:s0], [sflag:s10] =	dma.local [spmem:s1], $0x4000  }
0x223: {  	s1 =	sld [smem:$0x7B7];
	_ =	sdelay $0x1  }
0x224: {  	s0 =	rddreg [dreg:$0xb]  }
0x225: {  	[hbm:s0], [sflag:s10] =	dma.local [spmem:s1], $0x4000  }
0x226: {  	s1 =	sld [smem:$0x7B8];
	_ =	sdelay $0x1  }
0x227: {  	s0 =	rddreg [dreg:$0xc]  }
0x228: {  	[hbm:s0], [sflag:s10] =	dma.local [spmem:s1], $0x4000  }
0x229: {  	_ =	swait.ge [sflag:s5], $0x4000  }
0x22a: {  	s1 =	sld [smem:$0x7B9]  }
0x22b: {  	[sflag:s5] =	ssyncset.done $0x0  }
0x22c: {  	s0 =	rddreg [dreg:$0xd];
	[sflag:s5] =	ssyncadd.s32 $0xFFFFC000  }
0x22d: {  	[hbm:s0], [sflag:s10] =	dma.local [spmem:s1], $0x4000  }
0x22e: {  	_ =	swait.ge [sflag:s5], $0x4000  }
0x22f: {  	s1 =	sld [smem:$0x7BA]  }
0x230: {  	[sflag:s5] =	ssyncset.done $0x0  }
0x231: {  	s0 =	rddreg [dreg:$0xe];
	[sflag:s5] =	ssyncadd.s32 $0xFFFFC000  }
0x232: {  	[hbm:s0], [sflag:s10] =	dma.local [spmem:s1], $0x4000  }
0x233: {  	_ =	swait.ge [sflag:s5], $0x4000  }
0x234: {  	s1 =	sld [smem:$0x7BB]  }
0x235: {  	[sflag:s5] =	ssyncset.done $0x0  }
0x236: {  	s0 =	rddreg [dreg:$0xf];
	[sflag:s5] =	ssyncadd.s32 $0xFFFFC000  }
0x237: {  	[hbm:s0], [sflag:s10] =	dma.local [spmem:s1], $0x4000  }
0x238: {  	_ =	swait.ge [sflag:s5], $0x4000  }
0x239: {  	s1 =	sld [smem:$0x7BC]  }
0x23a: {  	[sflag:s5] =	ssyncset.done $0x0  }
0x23b: {  	s0 =	rddreg [dreg:$0x10];
	[sflag:s5] =	ssyncadd.s32 $0xFFFFC000  }
0x23c: {  	[hbm:s0], [sflag:s10] =	dma.local [spmem:s1], $0x4000  }
0x23d: {  	_ =	swait.ge [sflag:s5], $0x4000  }
0x23e: {  	s1 =	sld [smem:$0x7BD]  }
0x23f: {  	[sflag:s5] =	ssyncset.done $0x0  }
0x240: {  	s0 =	rddreg [dreg:$0x11];
	[sflag:s5] =	ssyncadd.s32 $0xFFFFC000  }
0x241: {  	[hbm:s0], [sflag:s10] =	dma.local [spmem:s1], $0x4000  }
0x242: {  	_ =	swait.ge [sflag:s5], $0x4000  }
0x243: {  	s1 =	sld [smem:$0x7BE]  }
0x244: {  	[sflag:s5] =	ssyncset.done $0x0  }
0x245: {  	s0 =	rddreg [dreg:$0x12];
	[sflag:s5] =	ssyncadd.s32 $0xFFFFC000  }
0x246: {  	[hbm:s0], [sflag:s10] =	dma.local [spmem:s1], $0x4000  }
0x247: {  	_ =	swait.ge [sflag:s5], $0x4000  }
0x248: {  	s1 =	sld [smem:$0x7BF]  }
0x249: {  	[sflag:s5] =	ssyncset.done $0x0  }
0x24a: {  	s0 =	rddreg [dreg:$0x13];
	[sflag:s5] =	ssyncadd.s32 $0xFFFFC000  }
0x24b: {  	[hbm:s0], [sflag:s10] =	dma.local [spmem:s1], $0x4000  }
0x24c: {  	_ =	swait.ge [sflag:s5], $0x4000  }
0x24d: {  	s1 =	sld [smem:$0x7C0]  }
0x24e: {  	[sflag:s5] =	ssyncset.done $0x0  }
0x24f: {  	s0 =	rddreg [dreg:$0x14];
	[sflag:s5] =	ssyncadd.s32 $0xFFFFC000  }
0x250: {  	[hbm:s0], [sflag:s10] =	dma.local [spmem:s1], $0x4000  }
0x251: {  	_ =	swait.ge [sflag:s5], $0x4000  }
0x252: {  	s1 =	sld [smem:$0x7C1]  }
0x253: {  	[sflag:s5] =	ssyncset.done $0x0  }
0x254: {  	s0 =	rddreg [dreg:$0x15];
	[sflag:s5] =	ssyncadd.s32 $0xFFFFC000  }
0x255: {  	[hbm:s0], [sflag:s10] =	dma.local [spmem:s1], $0x4000  }
0x256: {  	_ =	swait.ge [sflag:s5], $0x4000  }
0x257: {  	s1 =	sld [smem:$0x7C2]  }
0x258: {  	[sflag:s5] =	ssyncset.done $0x0  }
0x259: {  	s0 =	rddreg [dreg:$0x16];
	[sflag:s5] =	ssyncadd.s32 $0xFFFFC000  }
0x25a: {  	[hbm:s0], [sflag:s10] =	dma.local [spmem:s1], $0x4000  }
0x25b: {  	_ =	swait.ge [sflag:s5], $0x4000  }
0x25c: {  	s1 =	sld [smem:$0x7C3]  }
0x25d: {  	[sflag:s5] =	ssyncset.done $0x0  }
0x25e: {  	s0 =	rddreg [dreg:$0x17];
	[sflag:s5] =	ssyncadd.s32 $0xFFFFC000  }
0x25f: {  	[hbm:s0], [sflag:s10] =	dma.local [spmem:s1], $0x4000  }
0x260: {  	_ =	swait.ge [sflag:s5], $0x4000  }
0x261: {  	s1 =	sld [smem:$0x7C4]  }
0x262: {  	[sflag:s5] =	ssyncset.done $0x0  }
0x263: {  	s0 =	rddreg [dreg:$0x18];
	[sflag:s5] =	ssyncadd.s32 $0xFFFFC000  }
0x264: {  	[hbm:s0], [sflag:s10] =	dma.local [spmem:s1], $0x4000  }
0x265: {  	_ =	swait.ge [sflag:s5], $0x4000  }
0x266: {  	s1 =	sld [smem:$0x7C5]  }
0x267: {  	[sflag:s5] =	ssyncset.done $0x0  }
0x268: {  	s0 =	rddreg [dreg:$0x19];
	[sflag:s5] =	ssyncadd.s32 $0xFFFFC000  }
0x269: {  	[hbm:s0], [sflag:s10] =	dma.local [spmem:s1], $0x4000  }
0x26a: {  	_ =	swait.ge [sflag:s5], $0x4000  }
0x26b: {  	s1 =	sld [smem:$0x7C6]  }
0x26c: {  	[sflag:s5] =	ssyncset.done $0x0  }
0x26d: {  	s0 =	rddreg [dreg:$0x1a];
	[sflag:s5] =	ssyncadd.s32 $0xFFFFC000  }
0x26e: {  	[hbm:s0], [sflag:s10] =	dma.local [spmem:s1], $0x4000  }
0x26f: {  	_ =	swait.ge [sflag:s5], $0x4000  }
0x270: {  	s1 =	sld [smem:$0x7C7]  }
0x271: {  	[sflag:s5] =	ssyncset.done $0x0  }
0x272: {  	s0 =	rddreg [dreg:$0x1b];
	[sflag:s5] =	ssyncadd.s32 $0xFFFFC000  }
0x273: {  	[hbm:s0], [sflag:s10] =	dma.local [spmem:s1], $0x4000  }
0x274: {  	_ =	swait.ge [sflag:s5], $0x4000  }
0x275: {  	s1 =	sld [smem:$0x7C8]  }
0x276: {  	[sflag:s5] =	ssyncset.done $0x0  }
0x277: {  	s0 =	rddreg [dreg:$0x1c];
	[sflag:s5] =	ssyncadd.s32 $0xFFFFC000  }
0x278: {  	[hbm:s0], [sflag:s10] =	dma.local [spmem:s1], $0x4000  }
0x279: {  	_ =	swait.ge [sflag:s5], $0x4000  }
0x27a: {  	s1 =	sld [smem:$0x7C9]  }
0x27b: {  	[sflag:s5] =	ssyncset.done $0x0  }
0x27c: {  	s0 =	rddreg [dreg:$0x1d];
	[sflag:s5] =	ssyncadd.s32 $0xFFFFC000  }
0x27d: {  	[hbm:s0], [sflag:s10] =	dma.local [spmem:s1], $0x4000  }
0x27e: {  	_ =	swait.ge [sflag:s5], $0x4000  }
0x27f: {  	s1 =	sld [smem:$0x7CA]  }
0x280: {  	[sflag:s5] =	ssyncset.done $0x0  }
0x281: {  	s0 =	rddreg [dreg:$0x1e];
	[sflag:s5] =	ssyncadd.s32 $0xFFFFC000  }
0x282: {  	[hbm:s0], [sflag:s10] =	dma.local [spmem:s1], $0x4000  }
0x283: {  	_ =	swait.ge [sflag:s5], $0x4000  }
0x284: {  	s1 =	sld [smem:$0x7CB]  }
0x285: {  	[sflag:s5] =	ssyncset.done $0x0  }
0x286: {  	s0 =	rddreg [dreg:$0x1f];
	[sflag:s5] =	ssyncadd.s32 $0xFFFFC000  }
0x287: {  	[hbm:s0], [sflag:s10] =	dma.local [spmem:s1], $0x4000  }
0x288: {  	_ =	swait.ge [sflag:s5], $0x4000  }
0x289: {  	s0 =	sld [smem:$0x7CC]  }
0x28a: {  	s1 =	sld [smem:$0x7CD]  }
0x28b: {  	[sflag:s5] =	ssyncset.done $0x0  }
0x28c: {  	[sflag:s5] =	ssyncadd.s32 $0xFFFFC000  }
0x28d: {  	[hbm:s0], [sflag:s10] =	dma.local [spmem:s1], $0x4000  }
0x28e: {  	_ =	swait.ge [sflag:s5], $0x4000  }
0x28f: {  	s0 =	sld [smem:$0x7CE]  }
0x290: {  	s1 =	sld [smem:$0x7CF]  }
0x291: {  	[sflag:s5] =	ssyncset.done $0x0  }
0x292: {  	[sflag:s5] =	ssyncadd.s32 $0xFFFFC000  }
0x293: {  	[hbm:s0], [sflag:s10] =	dma.local [spmem:s1], $0x4000  }
0x294: {  	_ =	swait.ge [sflag:s5], $0x4000  }
0x295: {  	s0 =	sld [smem:$0x7D0]  }
0x296: {  	s1 =	sld [smem:$0x7D1]  }
0x297: {  	[sflag:s5] =	ssyncset.done $0x0  }
0x298: {  	[sflag:s5] =	ssyncadd.s32 $0xFFFFC000  }
0x299: {  	[hbm:s0], [sflag:s10] =	dma.local [spmem:s1], $0x4000  }
0x29a: {  	_ =	swait.ge [sflag:s5], $0x4000  }
0x29b: {  	s0 =	sld [smem:$0x7D2]  }
0x29c: {  	s1 =	sld [smem:$0x7D3]  }
0x29d: {  	[sflag:s5] =	ssyncset.done $0x0  }
0x29e: {  	[sflag:s5] =	ssyncadd.s32 $0xFFFFC000  }
0x29f: {  	[hbm:s0], [sflag:s10] =	dma.local [spmem:s1], $0x4000  }
0x2a0: {  	_ =	swait.ge [sflag:s5], $0x4000  }
0x2a1: {  	s0 =	sld [smem:$0x7D4]  }
0x2a2: {  	s1 =	sld [smem:$0x7D5]  }
0x2a3: {  	[sflag:s5] =	ssyncset.done $0x0  }
0x2a4: {  	[sflag:s5] =	ssyncadd.s32 $0xFFFFC000  }
0x2a5: {  	[hbm:s0], [sflag:s10] =	dma.local [spmem:s1], $0x4000  }
0x2a6: {  	_ =	swait.ge [sflag:s5], $0x4000  }
0x2a7: {  	s0 =	sld [smem:$0x7D6]  }
0x2a8: {  	s1 =	sld [smem:$0x7D7]  }
0x2a9: {  	[sflag:s5] =	ssyncset.done $0x0  }
0x2aa: {  	[sflag:s5] =	ssyncadd.s32 $0xFFFFC000  }
0x2ab: {  	[hbm:s0], [sflag:s10] =	dma.local [spmem:s1], $0x4000  }
0x2ac: {  	_ =	swait.ge [sflag:s5], $0x4000  }
0x2ad: {  	s0 =	sld [smem:$0x7D8]  }
0x2ae: {  	s1 =	sld [smem:$0x7D9]  }
0x2af: {  	[sflag:s5] =	ssyncset.done $0x0  }
0x2b0: {  	[sflag:s5] =	ssyncadd.s32 $0xFFFFC000  }
0x2b1: {  	[hbm:s0], [sflag:s10] =	dma.local [spmem:s1], $0x4000  }
0x2b2: {  	_ =	swait.ge [sflag:s5], $0x4000  }
0x2b3: {  	s0 =	sld [smem:$0x7DA]  }
0x2b4: {  	s1 =	sld [smem:$0x7DB]  }
0x2b5: {  	[sflag:s5] =	ssyncset.done $0x0  }
0x2b6: {  	[sflag:s5] =	ssyncadd.s32 $0xFFFFC000  }
0x2b7: {  	[hbm:s0], [sflag:s10] =	dma.local [spmem:s1], $0x4000  }
0x2b8: {  	_ =	swait.ge [sflag:s5], $0x4000  }
0x2b9: {  	s0 =	sld [smem:$0x7DC]  }
0x2ba: {  	s1 =	sld [smem:$0x7DD]  }
0x2bb: {  	[sflag:s5] =	ssyncset.done $0x0  }
0x2bc: {  	[sflag:s5] =	ssyncadd.s32 $0xFFFFC000  }
0x2bd: {  	[hbm:s0], [sflag:s10] =	dma.local [spmem:s1], $0x4000  }
0x2be: {  	_ =	swait.ge [sflag:s5], $0x4000  }
0x2bf: {  	s0 =	sld [smem:$0x7DE]  }
0x2c0: {  	s1 =	sld [smem:$0x7DF]  }
0x2c1: {  	[sflag:s5] =	ssyncset.done $0x0  }
0x2c2: {  	[sflag:s5] =	ssyncadd.s32 $0xFFFFC000  }
0x2c3: {  	[hbm:s0], [sflag:s10] =	dma.local [spmem:s1], $0x4000  }
0x2c4: {  	_ =	swait.ge [sflag:s5], $0x4000  }
0x2c5: {  	s0 =	sld [smem:$0x7E0]  }
0x2c6: {  	s1 =	sld [smem:$0x7E1]  }
0x2c7: {  	[sflag:s5] =	ssyncset.done $0x0  }
0x2c8: {  	[sflag:s5] =	ssyncadd.s32 $0xFFFFC000  }
0x2c9: {  	[hbm:s0], [sflag:s10] =	dma.local [spmem:s1], $0x4000  }
0x2ca: {  	_ =	swait.ge [sflag:s5], $0x4000  }
0x2cb: {  	s0 =	sld [smem:$0x7E2]  }
0x2cc: {  	s1 =	sld [smem:$0x7E3]  }
0x2cd: {  	[sflag:s5] =	ssyncset.done $0x0  }
0x2ce: {  	[sflag:s5] =	ssyncadd.s32 $0xFFFFC000  }
0x2cf: {  	[hbm:s0], [sflag:s10] =	dma.local [spmem:s1], $0x4000  }
0x2d0: {  	_ =	swait.ge [sflag:s5], $0x4000  }
0x2d1: {  	s0 =	sld [smem:$0x7E4]  }
0x2d2: {  	s1 =	sld [smem:$0x7E5]  }
0x2d3: {  	[sflag:s5] =	ssyncset.done $0x0  }
0x2d4: {  	[sflag:s5] =	ssyncadd.s32 $0xFFFFC000  }
0x2d5: {  	[hbm:s0], [sflag:s10] =	dma.local [spmem:s1], $0x4000  }
0x2d6: {  	_ =	swait.ge [sflag:s5], $0x4000  }
0x2d7: {  	s0 =	sld [smem:$0x7E6]  }
0x2d8: {  	s1 =	sld [smem:$0x7E7]  }
0x2d9: {  	[sflag:s5] =	ssyncset.done $0x0  }
0x2da: {  	[sflag:s5] =	ssyncadd.s32 $0xFFFFC000  }
0x2db: {  	[hbm:s0], [sflag:s10] =	dma.local [spmem:s1], $0x4000  }
0x2dc: {  	_ =	swait.ge [sflag:s5], $0x4000  }
0x2dd: {  	s0 =	sld [smem:$0x7E8]  }
0x2de: {  	s1 =	sld [smem:$0x7E9]  }
0x2df: {  	[sflag:s5] =	ssyncset.done $0x0  }
0x2e0: {  	[sflag:s5] =	ssyncadd.s32 $0xFFFFC000  }
0x2e1: {  	[hbm:s0], [sflag:s10] =	dma.local [spmem:s1], $0x4000  }
0x2e2: {  	_ =	swait.ge [sflag:s5], $0x4000  }
0x2e3: {  	s0 =	sld [smem:$0x7EA]  }
0x2e4: {  	s1 =	sld [smem:$0x7EB]  }
0x2e5: {  	[sflag:s5] =	ssyncset.done $0x0  }
0x2e6: {  	[sflag:s5] =	ssyncadd.s32 $0xFFFFC000  }
0x2e7: {  	[hbm:s0], [sflag:s10] =	dma.local [spmem:s1], $0x4000  }
0x2e8: {  	_ =	swait.ge [sflag:s5], $0x4000  }
0x2e9: {  	s0 =	sld [smem:$0x7EC]  }
0x2ea: {  	s1 =	sld [smem:$0x7ED]  }
0x2eb: {  	[sflag:s5] =	ssyncset.done $0x0  }
0x2ec: {  	[sflag:s5] =	ssyncadd.s32 $0xFFFFC000  }
0x2ed: {  	[hbm:s1], [sflag:s10] =	dma.local [spmem:s0], $0x4000  }
0x2ee: {  	_ =	swait.ge [sflag:s5], $0x4000  }
0x2ef: {  	s0 =	sld [smem:$0x7EE]  }
0x2f0: {  	s1 =	sld [smem:$0x7EF]  }
0x2f1: {  	[sflag:s5] =	ssyncset.done $0x0  }
0x2f2: {  	[sflag:s5] =	ssyncadd.s32 $0xFFFFC000  }
0x2f3: {  	[hbm:s0], [sflag:s10] =	dma.local [spmem:s1], $0x4000  }
0x2f4: {  	_ =	swait.ge [sflag:s5], $0x4000  }
0x2f5: {  	s1 =	sld [smem:$0x7F0]  }
0x2f6: {  	[sflag:s5] =	ssyncset.done $0x0  }
0x2f7: {  	[sflag:s5] =	ssyncadd.s32 $0xFFFFC000  }
0x2f8: {  	[hbm:s1], [sflag:s10] =	dma.local [spmem:s11], $0x4000  }
0x2f9: {  	_ =	swait.ge [sflag:s5], $0x4000  }
0x2fa: {  	s1 =	sld [smem:$0x7F1]  }
0x2fb: {  	[sflag:s5] =	ssyncset.done $0x0  }
0x2fc: {  	[sflag:s5] =	ssyncadd.s32 $0xFFFFC000  }
0x2fd: {  	[hbm:s1], [sflag:s10] =	dma.local [spmem:s12], $0x4000  }
0x2fe: {  	_ =	swait.ge [sflag:s5], $0x4000  }
0x2ff: {  	s1 =	sld [smem:$0x7F2]  }
0x300: {  	[sflag:s5] =	ssyncset.done $0x0  }
0x301: {  	[sflag:s5] =	ssyncadd.s32 $0xFFFFC000  }
0x302: {  	[hbm:s1], [sflag:s10] =	dma.local [spmem:s13], $0x4000  }
0x303: {  	_ =	swait.ge [sflag:s5], $0x4000  }
0x304: {  	s1 =	sld [smem:$0x7F3]  }
0x305: {  	[sflag:s5] =	ssyncset.done $0x0  }
0x306: {  	[sflag:s5] =	ssyncadd.s32 $0xFFFFC000  }
0x307: {  	[hbm:s1], [sflag:s10] =	dma.local [spmem:s14], $0x4000  }
0x308: {  	_ =	swait.ge [sflag:s5], $0x4000  }
0x309: {  	s1 =	sld [smem:$0x7F4]  }
0x30a: {  	[sflag:s5] =	ssyncset.done $0x0  }
0x30b: {  	[sflag:s5] =	ssyncadd.s32 $0xFFFFC000  }
0x30c: {  	[hbm:s1], [sflag:s10] =	dma.local [spmem:s15], $0x4000  }
0x30d: {  	_ =	swait.ge [sflag:s5], $0x4000  }
0x30e: {  	s1 =	sld [smem:$0x7F5]  }
0x30f: {  	[sflag:s5] =	ssyncset.done $0x0  }
0x310: {  	[sflag:s5] =	ssyncadd.s32 $0xFFFFC000  }
0x311: {  	[hbm:s1], [sflag:s10] =	dma.local [spmem:s16], $0x4000  }
0x312: {  	_ =	swait.ge [sflag:s5], $0x4000  }
0x313: {  	s1 =	sld [smem:$0x7F6]  }
0x314: {  	[sflag:s5] =	ssyncset.done $0x0  }
0x315: {  	[sflag:s5] =	ssyncadd.s32 $0xFFFFC000  }
0x316: {  	[hbm:s1], [sflag:s10] =	dma.local [spmem:s17], $0x4000  }
0x317: {  	_ =	swait.ge [sflag:s5], $0x4000  }
0x318: {  	s1 =	sld [smem:$0x7F7]  }
0x319: {  	[sflag:s5] =	ssyncset.done $0x0  }
0x31a: {  	[sflag:s5] =	ssyncadd.s32 $0xFFFFC000  }
0x31b: {  	[hbm:s1], [sflag:s10] =	dma.local [spmem:s18], $0x4000  }
0x31c: {  	_ =	swait.ge [sflag:s5], $0x4000  }
0x31d: {  	s1 =	sld [smem:$0x7F8]  }
0x31e: {  	[sflag:s5] =	ssyncset.done $0x0  }
0x31f: {  	[sflag:s5] =	ssyncadd.s32 $0xFFFFC000  }
0x320: {  	[hbm:s1], [sflag:s10] =	dma.local [spmem:s19], $0x4000  }
0x321: {  	_ =	swait.ge [sflag:s5], $0x4000  }
0x322: {  	s1 =	sld [smem:$0x7F9]  }
0x323: {  	[sflag:s5] =	ssyncset.done $0x0  }
0x324: {  	[sflag:s5] =	ssyncadd.s32 $0xFFFFC000  }
0x325: {  	[hbm:s1], [sflag:s10] =	dma.local [spmem:s20], $0x4000  }
0x326: {  	_ =	swait.ge [sflag:s5], $0x4000  }
0x327: {  	s1 =	sld [smem:$0x7FA]  }
0x328: {  	[sflag:s5] =	ssyncset.done $0x0  }
0x329: {  	[sflag:s5] =	ssyncadd.s32 $0xFFFFC000  }
0x32a: {  	[hbm:s1], [sflag:s10] =	dma.local [spmem:s23], $0x4000  }
0x32b: {  	_ =	swait.ge [sflag:s5], $0x4000  }
0x32c: {  	s1 =	sld [smem:$0x7FB]  }
0x32d: {  	p0 =	sne.s32 s30, $0x1;
	[sflag:s5] =	ssyncset.done $0x0  }
.Ltmp1:
0x32e: {  	[sflag:s5] =	ssyncadd.s32 $0xFFFFC000;
	(pc) =	sbr.rel @p0 .LBB2_1-.Ltmp1, $4  }
0x32f: {  	[hbm:s1], [sflag:s10] =	dma.local [spmem:s26], $0x4000  }
0x330: {  	_ =	swait.ge [sflag:s5], $0x4000  }
0x331: {  	[sflag:s5] =	ssyncset.done $0x0  }
0x332: {  	s30 =	sadd.s32 $0xFFFFFFFF, s30;
	s31 =	sld [smem:$0x7FD];
	[sflag:s5] =	ssyncadd.s32 $0xFFFFC000  }
.LBB2_2:
0x333: {  	_ =	sdelay $0x1  }
0x334: {  	[hbm:s31], [sflag:s10] =	dma.local [spmem:s29], $0x4000  }
0x335: {  	_ =	swait.ge [sflag:s5], $0x4000  }
0x336: {  	s0 =	sld [smem:$0x7AB]  }
0x337: {  	[sflag:s5] =	ssyncset.done $0x0  }
0x338: {  	[sflag:s5] =	ssyncadd.s32 $0xFFFFC000  }
0x339: {  	[hbm:s0], [sflag:s10] =	dma.local [spmem:s28], $0x4000  }
0x33a: {  	_ =	swait.ge [sflag:s5], $0x4000  }
0x33b: {  	s26 =	sld [smem:$0x7AC]  }
0x33c: {  	[sflag:s5] =	ssyncset.done $0x0  }
0x33d: {  	[sflag:s5] =	ssyncadd.s32 $0xFFFFC000  }
0x33e: {  	[hbm:s26], [sflag:s10] =	dma.local [spmem:s25], $0x4000  }
0x33f: {  	_ =	swait.ge [sflag:s5], $0x4000  }
0x340: {  	s28 =	sld [smem:$0x7AD]  }
0x341: {  	[sflag:s5] =	ssyncset.done $0x0  }
0x342: {  	[sflag:s5] =	ssyncadd.s32 $0xFFFFC000  }
0x343: {  	[hbm:s28], [sflag:s10] =	dma.local [spmem:s24], $0x4000  }
0x344: {  	_ =	swait.ge [sflag:s5], $0x4000  }
0x345: {  	s29 =	sld [smem:$0x7AE]  }
0x346: {  	[sflag:s5] =	ssyncset.done $0x0  }
0x347: {  	[sflag:s5] =	ssyncadd.s32 $0xFFFFC000  }
0x348: {  	[hbm:s29], [sflag:s10] =	dma.local [spmem:s22], $0x4000  }
0x349: {  	_ =	swait.ge [sflag:s5], $0x4000  }
0x34a: {  	s30 =	sld [smem:$0x7AF]  }
0x34b: {  	[sflag:s5] =	ssyncset.done $0x0  }
0x34c: {  	[sflag:s5] =	ssyncadd.s32 $0xFFFFC000  }
0x34d: {  	[hbm:s30], [sflag:s10] =	dma.local [spmem:s21], $0x4000  }
0x34e: {  	_ =	swait.ge [sflag:s5], $0x4000  }
0x34f: {  	[sflag:s5] =	ssyncset.done $0x0  }
0x350: {  	[sflag:s5] =	ssyncadd.s32 $0xFFFFC000  }
0x351: {  	_ =	swait.ge [sflag:s5], $0x4000  }
0x352: {  	[sflag:s5] =	ssyncset.done $0x0  }
0x353: {  	[sflag:s5] =	ssyncadd.s32 $0xFFFFC000  }
0x354: {  	_ =	swait.ge [sflag:s5], $0x4000  }
0x355: {  	[sflag:s5] =	ssyncset.done $0x0  }
0x356: {  	[sflag:s5] =	ssyncadd.s32 $0xFFFFC000  }
0x357: {  	_ =	swait.ge [sflag:s5], $0x4000  }
0x358: {  	[sflag:s5] =	ssyncset.done $0x0  }
0x359: {  	[sflag:s5] =	ssyncadd.s32 $0xFFFFC000  }
0x35a: {  	_ =	swait.ge [sflag:s5], $0x4000  }
0x35b: {  	[sflag:s5] =	ssyncset.done $0x0  }
0x35c: {  	[sflag:s5] =	ssyncadd.s32 $0xFFFFC000  }
0x35d: {  	_ =	swait.ge [sflag:s5], $0x4000  }
0x35e: {  	[sflag:s5] =	ssyncset.done $0x0  }
0x35f: {  	[sflag:s5] =	ssyncadd.s32 $0xFFFFC000  }
0x360: {  	_ =	swait.ge [sflag:s5], $0x4000  }
0x361: {  	[sflag:s5] =	ssyncset.done $0x0  }
0x362: {  	[sflag:s5] =	ssyncadd.s32 $0xFFFFC000  }
0x363: {  	_ =	swait.ge [sflag:s5], $0x4000  }
0x364: {  	[sflag:s5] =	ssyncset.done $0x0  }
0x365: {  	[sflag:s5] =	ssyncadd.s32 $0xFFFFC000  }
0x366: {  	_ =	swait.ge [sflag:s5], $0x4000  }
0x367: {  	[sflag:s5] =	ssyncset.done $0x0  }
0x368: {  	[sflag:s5] =	ssyncadd.s32 $0xFFFFC000  }
0x369: {  	_ =	sfence.sel $0x180000  }
0x36a: {  	[bflag:$0x0] =	sbarrier.arrive $0xFFFF  }
0x36b: {  	_ =	strace $0x90000047  }
0x36c: {  	s31 =	stileid.u32;
	[bflag:$0x2] =	sbarrier.arrive $0xFFFF  }
0x36d: {  	p0 =	sne.s32 s31, $0x0;
	s0 =	rddreg [dreg:$0x3]  }
0x36e: {  	s0 =	sadd.s32 @!p0 $0x100000, s0  }
0x36f: {  	[sflag:s0] =	ssyncadd.tile.s32 @!p0 $0x1;
	_ =	shalt  }
.Lfunc_end2:
_tile_overlayer_lowered:
.L_overlay_start_2:
0x370: {  	(tag) =	ssettag $0x2  }
0x371: {  	s0 =	rddreg [dreg:$0x0];
	s2 =	stileid.u32  }
0x372: {  	s1 =	rddreg [dreg:$0x1];
	p0 =	sne.s32 s2, $0x0  }
0x373: {  	s3 =	rddreg [dreg:$0x2];
	[bflag:$0x3] =	sbarrier.arrive $0xFFFF;
	s2 =	simm.s32 @!p0 $0x1C02  }
0x374: {  	[timem:s3], [sflag:s2] =	dma.local @!p0 [hbm:s0], s1  }
0x375: {  	s0 =	simm.s32 @!p0 $0x2  }
0x376: {  	_ =	swait.ge @!p0 [sflag:s0], s1  }
0x377: {  	s1 =	ssub.s32 @!p0 $0x0, s1;
	[sflag:s0] =	ssyncset.done @!p0 $0x0  }
0x378: {  	[sflag:s0] =	ssyncadd.s32 @!p0 s1  }
0x379: {  	[bflag:$0x3] =	sbarrier.arrive $0xFFFF  }
0x37a: {  	_ =	shalt  }

// kernel: sparse-core-data-format-call.cloned.1.call-start
scs
called_computation_lowered:
.L_overlay_start_0:
0x0: {  	s2 =	sld [smem:$0x3FD9]  }
0x1: {  	s3 =	sld [smem:$0x3FFE];
	_ =	sdelay $0x1  }
0x2: {  	s1 =	srdreg.scid  }
0x3: {  	s0 =	sand.u32 $0x1, s1  }
0x4: {  	s18 =	sshll.u32 s0, $0xA;
	s2 =	sadd.s32 s3, s2  }
0x5: {  	s2 =	sadd.s32 s2, s18  }
0x6: {  	[smem:$0x3FC7] =	sst s2  }
0x7: {  	_ = 	snop  }
0x8: {  	s2 =	sld [smem:$0x3FD0];
	(tm) =	ssettm $0x1  }
0x9: {  	s19 =	sld [smem:$0x3FFB];
	_ =	sdelay $0x3  }
0xa: {  	_ =	strace s19  }
0xb: {  	s3 =	sld [smem:$0x3FFC];
	_ =	sdelay $0x3  }
0xc: {  	_ =	strace s3  }
0xd: {  	s3 =	sld [smem:$0x3FFD];
	_ =	sdelay $0x3  }
0xe: {  	_ =	strace s3  }
0xf: {  	_ =	strace $0x8FFFFFFF  }
0x10: {  	s20 =	sld [smem:$0x3FDB];
	_ =	sdelay $0x1  }
0x11: {  	s4 =	simm.s32 $_scs_section_size  }
0x12: {  	s5 =	simm.s32 $_size__tile_overlayer_lowered;
	s6 =	simm.s32 $_tile_overlayer_lowered  }
0x13: {  	s23 =	simm.s32 $0x1BFF;
	s22 =	sshll.u32 s6, $0x1;
	s3 =	sadd.s32 s4, s20  }
0x14: {  	s7 =	simm.s32 $0x0;
	s21 =	sshll.u32 s5, $0x1;
	s5 =	sadd.s32 s22, s3  }
0x15: {  	[timem:s7], [sflag:s23] =	dma.local [hbm:s5], s21  }
0x16: {  	_ =	swait.ge [sflag:s23], s21  }
0x17: {  	s4 =	ssub.s32 $0x0, s21;
	[sflag:s23] =	ssyncset.done $0x0  }
0x18: {  	[sflag:s23] =	ssyncadd.s32 s4;
	_ =	sdelay $0x1  }
0x19: {  	s24 =	simm.s32 $0x1B8B  }
0x1a: {  	_ =	swait.ge [sflag:s24], $0x1  }
0x1b: {  	[sflag:s24] =	ssyncset.done $0x0  }
0x1c: {  	s26 =	simm.s32 $0x1B8E;
	s25 =	sld [smem:$0x3FFE];
	[sflag:s24] =	ssyncadd.s32 $0xFFFFFFFF  }
0x1d: {  	s27 =	simm.s32 $execute0_lowered;
	[smem:$0x3FD2] =	sst s26  }
0x1e: {  	s5 =	sshll.u32 s27, $0x1;
	_ =	strace $0x80000049;
	[dreg:$0x1] =	wrdreg $0xFFFFFFFF  }
0x1f: {  	s28 =	simm.s32 $_size_execute0_lowered;
	s3 =	sadd.s32 s3, s5;
	[dreg:$0x0] =	wrdreg $0x0  }
0x20: {  	s5 =	sshll.u32 s28, $0x1;
	[dreg:$0x2] =	wrdreg s3  }
0x21: {  	[dreg:$0x3] =	wrdreg s5  }
0x22: {  	[dreg:$0x4] =	wrdreg $0xC0  }
0x23: {  	_ =	task [dreg:s7], $0x5FFFF  }
0x24: {  	[dreg:$0x1] =	wrdreg $0xFFFFFFFF  }
0x25: {  	[dreg:$0x0] =	wrdreg $0x60  }
0x26: {  	[dreg:$0x2] =	wrdreg s25  }
0x27: {  	[dreg:$0x3] =	wrdreg s2  }
0x28: {  	[dreg:$0x4] =	wrdreg $0x9  }
0x29: {  	_ =	task.clear_ibuf [dreg:s7], $0x5FFFF;
	_ =	strace $0x90000049  }
0x2a: {  	s29 =	simm.s32 $0x9;
	_ =	strace $0x8000004B  }
0x2b: {  	_ =	swait.ge [sflag:s29], $0x1  }
0x2c: {  	[sflag:s29] =	ssyncadd.s32 $0xFFFFFFFF  }
0x2d: {  	_ =	strace $0x9000004B  }
0x2e: {  	_ =	sfence  }
0x2f: {  	s30 =	sld [smem:$0x0];
	_ =	sdelay $0x2  }
0x30: {  	s31 =	sshll.u32 s1, $0xD;
	s1 =	sshrl.u32 s1, $0x2  }
0x31: {  	s3 =	sand.u32 $0x4000, s31;
	s1 =	sadd.s32 s1, s30  }
0x32: {  	s0 =	sor.u32 s3, s0;
	s1 =	sshll.u32 s1, $0x11  }
0x33: {  	s0 =	sor.u32 s1, s0  }
0x34: {  	s0 =	sadd.s32 $0x8F2B, s0  }
0x35: {  	[sflag:s0] =	ssyncadd.remote.s32 $0x1  }
0x36: {  	_ =	sfence.sel $0xFFFF  }
0x37: {  	[dreg:$0x0] =	wrdreg $0xFFFFFFFF;
	(pc) =	sbr.abs _section_cstart, $3  }
0x38: {  	[dreg:$0x1] =	wrdreg $0xFFFFFFFF  }
0x39: {  	_ =	task.clear_ibuf [dreg:s7], $0x2FFFF;
	_ =	strace $0x9FFFFFFF  }
0x3a: {  	(tm) =	ssettm $0x7FFFFFFF  }
0x3b: {  	_ =	shalt  }
tec
execute0_lowered:
.L_overlay_start_1:
0x0: {  	(tag) =	ssettag $0x1  }
0x1: {  	s0 =	srdreg.scid  }
0x2: {  	s7 =	rddreg [dreg:$0x0];
	s1 =	sshll.u32 s0, $0x4  }
0x3: {  	s3 =	rddreg [dreg:$0x1];
	s0 =	stileid.u32;
	s1 =	sand.u32 $0x10, s1  }
0x4: {  	s6 =	simm.s32 $0x1;
	s31 =	simm.s32 $0x2;
	s1 =	sor.u32 s0, s1  }
0x5: {  	s13 =	simm.s32 $0x0;
	s9 =	simm.s32 $0x4000;
	s2 =	sshll.u32 s1, $0x1  }
0x6: {  	s14 =	simm.s32 $0x0;
	s10 =	simm.s32 $0x0;
	s4 =	ssub.s32 $0x800, s2  }
0x7: {  	s12 =	simm.s32 $0x0;
	s1 =	rddreg [dreg:$0x2];
	s5 =	sand.u32 $0x3E, s4  }
.Ltmp0:
0x8: {  	_ =	strace $0x8000004A;
	p0 =	sne.s32 s5, $0x0;
	(pc) =	sbr.rel .LBB1_1-.Ltmp0, $4  }
0x9: {  	s11 =	smov.u32 s2;
	s8 =	sshrl.u32 s4, $0x6;
	s6 =	simm.s32 @!p0 $0x0  }
0xa: {  	s4 =	sadd.s32 $0x800, s7;
	s5 =	simm.s32 $0x1;
	s6 =	sadd.s32 s6, s8  }
0xb: {  	s7 =	sadd.s32 $0x8800, s7;
	[sflag:s5] =	ssyncpa.u1 $0x0;
	s6 =	sshll.u32 s6, $0x4  }
0xc: {  	p0 =	por $0x0, $0x0;
	[sflag:s31] =	ssyncpa.u1 $0x0;
	s8 =	sor.u32 $0x1, s6  }
.LBB1_7:
0xd: {  	s15 =	sadd.s32 $0x80, s10  }
0xe: {  	s13 =	sadd.s32 $0x40, s11;
	s17 =	smov.u32 s11;
	p2 =	sgt.s32 s15, $0x7FF  }
0xf: {  	s17 =	smov.u32 @p2 s13  }
0x10: {  	s15 =	simm.s32 @p2 $0x0;
	p2 =	sgt.s32 s17, $0x7FF  }
0x11: {  	s17 =	smov.u32 @p2 s2;
	p2 =	sne.s32 s12, s8  }
.Ltmp1:
0x12: {  	p1 =	slt.u32 s12, $0x2;
	(pc) =	sbr.rel @!p2 .LBB1_8-.Ltmp1, $4  }
0x13: {  	s16 =	simm.s32 @!p1 $0x2  }
0x14: {  	s14 =	smov.u32 s11;
	p0 =	por !p0, !p0;
	_ =	swait.ge @!p1 [sflag:s16], $0x4000  }
0x15: {  	s13 =	smov.u32 s10;
	[sflag:s16] =	ssyncset.done @!p1 $0x0;
	s10 =	smov.u32 s15  }
0x16: {  	s12 =	sadd.s32 $0x1, s12;
	[sflag:s16] =	ssyncadd.s32 @!p1 $0xFFFFC000;
	s11 =	smov.u32 s17  }
.LBB1_1:
0x17: {  	p1 =	sge.u32 s12, s6  }
0x18: {  	s15 =	sxor.u32 @!p1 $0xFFFFFFFF, s12;
	s16 =	sshll.u32 @!p1 s11, $0xF  }
0x19: {  	s17 =	sshll.u32 @!p1 s10, $0x4;
	s19 =	simm.s32 @!p1 $0x40;
	s20 =	simm.s32 @!p1 $0x80  }
0x1a: {  	s15 =	sshll.u32 @!p1 s15, $0xE;
	s17 =	sand.u32 @!p1 $0x7FF0, s17;
	s18 =	sadd.s32 @!p1 s4, s16  }
0x1b: {  	s16 =	sadd.s32 @!p1 s16, s7;
	s15 =	sand.u32 @!p1 $0x4000, s15;
	s18 =	sadd.s32 @!p1 s17, s18  }
0x1c: {  	[tilespmem:s15], [sflag:$0x1] =	stream.strided.gather @!p1 [hbm4b:s18+s19], $0x2000, s20, s19, $0x38;
	[tilespmem:$0x10100] =	vst v63  }
0x1d: {  	s31 =	sadd.s32 $0xFFFFFFFF, s12;
	s16 =	sadd.s32 @!p1 s17, s16;
	s15 =	sor.u32 @!p1 $0x2000, s15  }
0x1e: {  	[tilespmem:s15], [sflag:$0x1] =	stream.strided.gather @!p1 [hbm4b:s16+s19], $0x2000, s20, s19, $0x38;
	[tilespmem:$0x10100] =	vst v63  }
0x1f: {  	p1 =	sge.u32 s31, s6  }
.Ltmp2:
0x20: {  	_ = 	snop;
	(pc) =	sbr.rel @p1 .LBB1_7-.Ltmp2, $1  }
0x21: {  	_ =	sdelay $0x3  }
0x22: {  	s15 =	simm.s32 $0x1;
	s17 =	sand.u32 $0x1, s12  }
0x23: {  	_ =	swait.ge [sflag:s5], $0x4000;
	s15 =	simm.s32 @!p0 $0x0;
	s17 =	smul.u32 $0x10200, s17  }
0x24: {  	p2 =	por $0x1, $0x1;
	[sflag:s5] =	ssyncset.done $0x0;
	s16 =	smul.u32 $0x10200, s15  }
0x25: {  	s18 =	sshll.u32 s15, $0x10;
	[sflag:s5] =	ssyncadd.s32 $0xFFFFC000;
	s30 =	sshrl.u32 s17, $0x2  }
0x26: {  	s31 =	sshrl.u32 s18, $0x2;
	s18 =	simm.s32 $0x0;
	s16 =	sshrl.u32 s16, $0x2  }
0x27: {  	s15 =	sor.u32 $0x8000, s30;
	s17 =	sadd.s32 $0x20, s31;
	s16 =	sor.u32 $0x8000, s16  }
.LBB1_3:
0x28: {  	s19 =	sshll.u32 s18, $0xD  }
0x29: {  	s19 =	sand.u32 $0x3FFFE000, s19  }
0x2a: {  	s21 =	sadd.s32 s19, s17  }
0x2b: {  	s31 =	smul.u32 $0x8100, s18;
	v3 =	vld [tilespmem:s21+$0x10]  }
0x2c: {  	v1 =	vld [tilespmem:s21+$0xFFFFFFF0]  }
0x2d: {  	s18 =	sshra.s32 s31, $0x2;
	v0 =	vld [tilespmem:s21+$0x0]  }
0x2e: {  	s18 =	sadd.s32 s18, s16;
	v2 =	vld [tilespmem:s21+$0xFFFFFFE0]  }
0x2f: {  	s19 =	sadd.s32 $0x0, s18  }
0x30: {  	p1 =	por p2, p2;
	s20 =	simm.s32 $0x4;
	s21 =	sadd.s32 $0x40, s21;
	[tilespmem:s19+$0x1830 ss:$0x81] =	vst.msk $0xffff, v3  }
.LBB1_4:
0x31: {  	v3 =	vld [tilespmem:s21+$0x10];
	p2 =	sne.s32 s20, $0x1FC;
	[tilespmem:s19+$0x810 ss:$0x81] =	vst.msk $0xffff, v1;
	s22 =	smov.u32 s20;
	s20 =	sadd.s32 $0x4, s20  }
.Ltmp3:
0x32: {  	v1 =	vld [tilespmem:s21+$0xFFFFFFF0];
	[tilespmem:s19+$0x1020 ss:$0x81] =	vst.msk $0xffff, v0;
	(pc) =	sbr.rel @p2 .LBB1_4-.Ltmp3, $4  }
0x33: {  	v0 =	vld [tilespmem:s21+$0x0];
	[tilespmem:s19+$0x0 ss:$0x81] =	vst.msk $0xffff, v2  }
0x34: {  	s19 =	sshra.s32 s22, $0x2;
	v2 =	vld [tilespmem:s21+$0xFFFFFFE0]  }
0x35: {  	s19 =	sadd.s32 s19, s18  }
0x36: {  	s21 =	sadd.s32 $0x40, s21;
	[tilespmem:s19+$0x1830 ss:$0x81] =	vst.msk $0xffff, v3  }
.Ltmp4:
0x37: {  	(pc) =	sbr.rel @p1 .LBB1_3-.Ltmp4, $4  }
0x38: {  	_ = 	snop  }
0x39: {  	[tilespmem:s19+$0x810 ss:$0x81] =	vst.msk $0xffff, v1  }
0x3a: {  	[tilespmem:s19+$0x1020 ss:$0x81] =	vst.msk $0xffff, v0  }
0x3b: {  	s18 =	simm.s32 $0x1;
	p2 =	por $0x0, $0x0;
	[tilespmem:s19+$0x0 ss:$0x81] =	vst.msk $0xffff, v2  }
0x3c: {  	s16 =	sshll.u32 s13, $0x3;
	s17 =	sand.u32 $0x78, s13;
	s14 =	sshll.u32 s14, $0xE  }
.Ltmp5:
0x3d: {  	s30 =	sand.u32 $0x3F00, s13;
	s16 =	sand.u32 $0x400, s16;
	(pc) =	sbr.rel .LBB1_7-.Ltmp5, $4  }
0x3e: {  	s31 =	sand.u32 $0x7, s13;
	s14 =	sadd.s32 s3, s14;
	s16 =	sor.u32 s17, s16  }
0x3f: {  	s13 =	sshll.u32 s31, $0x12;
	s14 =	sadd.s32 s30, s14;
	s16 =	sshrl.u32 s16, $0x3  }
0x40: {  	s13 =	sor.u32 $0x400, s13;
	s14 =	sadd.s32 s16, s14  }
0x41: {  	[hbm4b:s14+s13] =	stream.strided.scatter [tilespmem:s15], [sflag:$0x2], $0x4000, s9, s13, $0x20;
	[tilespmem:$0x10100] =	vst v63  }
.LBB1_8:
0x42: {  	_ =	sfence.sel $0x180000  }
0x43: {  	s2 =	simm.s32 $0x1;
	[bflag:$0x0] =	sbarrier.arrive $0xFFFF  }
0x44: {  	s31 =	simm.s32 $0x2;
	[sflag:s2] =	ssyncpa.u1 $0x1  }
0x45: {  	[sflag:s31] =	ssyncpa.u1 $0x1  }
0x46: {  	p0 =	sne.s32 s0, $0x0;
	_ =	strace $0x9000004A  }
0x47: {  	s0 =	sadd.s32 @!p0 $0x100000, s1;
	[bflag:$0x2] =	sbarrier.arrive $0xFFFF  }
0x48: {  	[sflag:s0] =	ssyncadd.tile.s32 @!p0 $0x1;
	_ =	shalt  }
.Lfunc_end1:
_tile_overlayer_lowered:
.L_overlay_start_2:
0x49: {  	(tag) =	ssettag $0x2  }
0x4a: {  	s0 =	rddreg [dreg:$0x0];
	s2 =	stileid.u32  }
0x4b: {  	s1 =	rddreg [dreg:$0x1];
	p0 =	sne.s32 s2, $0x0  }
0x4c: {  	s3 =	rddreg [dreg:$0x2];
	[bflag:$0x3] =	sbarrier.arrive $0xFFFF;
	s2 =	simm.s32 @!p0 $0x1C01  }
0x4d: {  	[timem:s3], [sflag:s2] =	dma.local @!p0 [hbm:s0], s1  }
0x4e: {  	s0 =	simm.s32 @!p0 $0x1  }
0x4f: {  	_ =	swait.ge @!p0 [sflag:s0], s1  }
0x50: {  	s1 =	ssub.s32 @!p0 $0x0, s1;
	[sflag:s0] =	ssyncset.done @!p0 $0x0  }
0x51: {  	[sflag:s0] =	ssyncadd.s32 @!p0 s1  }
0x52: {  	[bflag:$0x3] =	sbarrier.arrive $0xFFFF  }
0x53: {  	_ =	shalt  }

</sc_bundles>
